<compile_context>
chip_gen: v7x
topology: tpu7x:2x2x1
jax: 0.10.2.dev20260603
libtpu: 0.0.44.dev20260713+nightly
codegen_flags: <defaults>
</compile_context>

<pallas_src>
import jax
import jax.numpy as jnp
from jax import lax
from jax.experimental import pallas as pl
from jax.experimental.pallas import tpu as pltpu
from jax.experimental.pallas import tpu_sc as plsc

_NSEG = 1024
_NCAND = 50000
_NNODES = 100000
_NS = 16
_NMERGE = 8
_SEGS_PER_MTILE = _NSEG // _NMERGE
_CHUNK = 3200
_PAD = _NS * _CHUNK
_GROUPS = _CHUNK // 16
_SENT = 2147483647
_NNODES_PAD = 100352
_BCHUNK = _NNODES_PAD // _NS


def _body(lp_hbm, cand_hbm, batch_hbm, out_hbm,
          idx_v, lp_v, seg_v, tmax_v, warg_v,
          mrg_f, mrg_i, widx_v, ones_v, zero_v,
          shb, shf, shi, sem, gsem):
    s = lax.axis_index("s")
    base = jnp.minimum(s * _CHUNK, _NCAND - _CHUNK)

    cp_i = pltpu.async_copy(cand_hbm.at[pl.ds(base, _CHUNK)], idx_v, sem)
    cp_l = pltpu.async_copy(lp_hbm.at[pl.ds(base, _CHUNK)], lp_v, sem)

    pltpu.sync_copy(batch_hbm.at[pl.ds(s * _BCHUNK, _BCHUNK)],
                    shb.at[pl.ds(s * _BCHUNK, _BCHUNK)])

    def zb(k, c):
        zero_v[pl.ds(k * 16, 16)] = jnp.zeros((16,), jnp.float32)
        return c
    lax.fori_loop(0, _GROUPS, zb, 0)
    cp_z = pltpu.async_copy(zero_v, out_hbm.at[pl.ds(s * _CHUNK, _CHUNK)],
                            sem)

    def ib(k, c):
        tmax_v[pl.ds(k * 16, 16)] = jnp.full((16,), -jnp.inf, jnp.float32)
        warg_v[pl.ds(k * 16, 16)] = jnp.full((16,), _SENT, jnp.int32)
        return c
    lax.fori_loop(0, _NSEG // 16, ib, 0)

    cp_i.wait()
    cp_l.wait()
    plsc.subcore_barrier()

    pltpu.async_copy(shb.at[idx_v], seg_v, gsem).wait()

    iota16 = lax.iota(jnp.int32, 16)
    _W = 8

    def g1(j, c):
        offs = [j * 16 * _W + q * 16 for q in range(_W)]
        sgs = [seg_v[pl.ds(o, 16)] for o in offs]
        vs = [lp_v[pl.ds(o, 16)] for o in offs]
        iis = [base + o + iota16 for o in offs]
        cur0 = [plsc.load_gather(tmax_v, [sg]) for sg in sgs]
        carg0 = [plsc.load_gather(warg_v, [sg]) for sg in sgs]

        def cond(c2):
            cur, carg = c2
            m = [(vs[q] > cur[q]) | ((vs[q] == cur[q]) & (iis[q] < carg[q]))
                 for q in range(_W)]
            acc = m[0]
            for q in range(1, _W):
                acc = acc | m[q]
            return jnp.any(acc)

        def bdy(c2):
            cur, carg = c2
            for q in range(_W):
                better = ((vs[q] > cur[q])
                          | ((vs[q] == cur[q]) & (iis[q] < carg[q])))
                plsc.store_scatter(warg_v, [sgs[q]], iis[q], mask=better)
            carg2 = [plsc.load_gather(warg_v, [sg]) for sg in sgs]
            for q in range(_W):
                plsc.store_scatter(tmax_v, [sgs[q]], vs[q],
                                   mask=carg2[q] == iis[q])
            cur2 = [plsc.load_gather(tmax_v, [sg]) for sg in sgs]
            return (cur2, carg2)

        lax.while_loop(cond, bdy, (cur0, carg0))
        return c
    lax.fori_loop(0, _GROUPS // _W, g1, 0)

    cp_pf = pltpu.async_copy(tmax_v, shf.at[pl.ds(s * _NSEG, _NSEG)], gsem)
    cp_pi = pltpu.async_copy(warg_v, shi.at[pl.ds(s * _NSEG, _NSEG)], gsem)
    cp_z.wait()
    cp_pf.wait()
    cp_pi.wait()
    plsc.subcore_barrier()

    @pl.when(s < _NMERGE)
    def _merge():
        cps = []
        for r in range(_NS):
            src = pl.ds(r * _NSEG + s * _SEGS_PER_MTILE, _SEGS_PER_MTILE)
            dst = pl.ds(r * _SEGS_PER_MTILE, _SEGS_PER_MTILE)
            cps.append(pltpu.async_copy(shf.at[src], mrg_f.at[dst], sem))
            cps.append(pltpu.async_copy(shi.at[src], mrg_i.at[dst], sem))
        for cp in cps:
            cp.wait()
        for c8 in range(_SEGS_PER_MTILE // 16):
            av = mrg_f[pl.ds(c8 * 16, 16)]
            aa = mrg_i[pl.ds(c8 * 16, 16)]
            for r in range(1, _NS):
                bv = mrg_f[pl.ds(r * _SEGS_PER_MTILE + c8 * 16, 16)]
                ba = mrg_i[pl.ds(r * _SEGS_PER_MTILE + c8 * 16, 16)]
                take = (bv > av) | ((bv == av) & (ba < aa))
                av = jnp.where(take, bv, av)
                aa = jnp.where(take, ba, aa)
            aa = jnp.where(aa < _NCAND, aa, jnp.int32(_PAD - 1))
            widx_v[pl.ds(c8 * 16, 16)] = aa
            ones_v[pl.ds(c8 * 16, 16)] = jnp.ones((16,), jnp.float32)
        pltpu.async_copy(ones_v, out_hbm.at[widx_v], sem).wait()


_mesh = plsc.VectorSubcoreMesh(
    core_axis_name="c", subcore_axis_name="s", num_cores=1)

_call = pl.kernel(
    _body,
    out_type=jax.ShapeDtypeStruct((_PAD,), jnp.float32),
    mesh=_mesh,
    compiler_params=pltpu.CompilerParams(needs_layout_passes=False),
    scratch_types=[
        pltpu.VMEM((_CHUNK,), jnp.int32),
        pltpu.VMEM((_CHUNK,), jnp.float32),
        pltpu.VMEM((_CHUNK,), jnp.int32),
        pltpu.VMEM((_NSEG,), jnp.float32),
        pltpu.VMEM((_NSEG,), jnp.int32),
        pltpu.VMEM((_NS * _SEGS_PER_MTILE,), jnp.float32),
        pltpu.VMEM((_NS * _SEGS_PER_MTILE,), jnp.int32),
        pltpu.VMEM((_SEGS_PER_MTILE,), jnp.int32),
        pltpu.VMEM((_SEGS_PER_MTILE,), jnp.float32),
        pltpu.VMEM((_CHUNK,), jnp.float32),
        pltpu.VMEM_SHARED((_NNODES_PAD,), jnp.int32),
        pltpu.VMEM_SHARED((_NS * _NSEG,), jnp.float32),
        pltpu.VMEM_SHARED((_NS * _NSEG,), jnp.int32),
        pltpu.SemaphoreType.DMA,
        pltpu.SemaphoreType.DMA,
    ],
)


def kernel(log_probs, batch, candidate_idxs):
    batch_pad = jnp.concatenate(
        [batch, jnp.zeros((_NNODES_PAD - _NNODES,), jnp.int32)])
    winners = _call(log_probs, candidate_idxs, batch_pad)[:_NCAND]
    return (log_probs, winners)

# --- scband reference (transcript-rebuilt; emitter-appended) ---
"""Pipeline reference for scband-graph-election-model-6571299962911 (READ-ONLY COPY).

The authoritative reference and input builder live on the scoring server;
editing this copy changes nothing except your own understanding.
"""

import jax, jax.numpy as jnp
import numpy as np

NUM_SEGMENTS = 1024
N_NODES = 100000
N_CANDIDATES = 50000


def setup_inputs(seed: int = 0) -> dict:
    key = jax.random.key(seed)
    k1, k2, k3 = jax.random.split(key, 3)
    log_probs = jax.random.normal(k1, (N_CANDIDATES,), dtype=jnp.float32)
    batch = jnp.sort(jax.random.randint(k2, (N_NODES,), 0, NUM_SEGMENTS, dtype=jnp.int32))
    candidate_idxs = jax.random.randint(k3, (N_CANDIDATES,), 0, N_NODES, dtype=jnp.int32)
    return {"log_probs": log_probs, "batch": batch, "candidate_idxs": candidate_idxs}


def reference(log_probs, batch, candidate_idxs):
    # election(): scatter_max of log_probs grouped by batch[candidate_idxs],
    # winners = one-hot at the argmax position within each segment (graph).
    seg = jnp.take(batch, candidate_idxs)  # gather: segment id per candidate
    seg_max = jax.ops.segment_max(log_probs, seg, num_segments=NUM_SEGMENTS)
    n = log_probs.shape[0]
    idx = jnp.arange(n, dtype=jnp.int32)
    # argmax per segment (first index achieving the max, like scatter_max's arg output)
    cand = jnp.where(log_probs == jnp.take(seg_max, seg), idx, n)
    winner_idxs = jax.ops.segment_min(cand, seg, num_segments=NUM_SEGMENTS)
    # empty segments produce sentinel >= n and are dropped by mode='drop'
    winners = jnp.zeros_like(log_probs).at[winner_idxs].set(1.0, mode='drop')
    return (log_probs, winners)

if __name__ == "__main__":
    import jax
    _d = setup_inputs()
    print(jax.jit(kernel)(*tuple(_d.values())))

</pallas_src>

<mosaic_0001>
#map = affine_map<(d0, d1) -> (0)>
module attributes {stable_mosaic.version = 14 : i64} {
  func.func @_body(%arg0: i32, %arg1: i32, %arg2: memref<50000xf32, #tpu.memory_space<hbm>>, %arg3: memref<50000xi32, #tpu.memory_space<hbm>>, %arg4: memref<100352xi32, #tpu.memory_space<hbm>>, %arg5: memref<51200xf32, #tpu.memory_space<hbm>>, %arg6: memref<3200xi32, #tpu.memory_space<vmem>>, %arg7: memref<3200xf32, #tpu.memory_space<vmem>>, %arg8: memref<3200xi32, #tpu.memory_space<vmem>>, %arg9: memref<1024xf32, #tpu.memory_space<vmem>>, %arg10: memref<1024xi32, #tpu.memory_space<vmem>>, %arg11: memref<2048xf32, #tpu.memory_space<vmem>>, %arg12: memref<2048xi32, #tpu.memory_space<vmem>>, %arg13: memref<128xi32, #tpu.memory_space<vmem>>, %arg14: memref<128xf32, #tpu.memory_space<vmem>>, %arg15: memref<3200xf32, #tpu.memory_space<vmem>>, %arg16: memref<100352xi32, #tpu.memory_space<vmem_shared>>, %arg17: memref<16384xf32, #tpu.memory_space<vmem_shared>>, %arg18: memref<16384xi32, #tpu.memory_space<vmem_shared>>, %arg19: memref<!tpu.dma_semaphore, #tpu.memory_space<semaphore_mem>>, %arg20: memref<!tpu.dma_semaphore, #tpu.memory_space<semaphore_mem>>) attributes {dimension_semantics = [#tpu.dimension_semantics<core_parallel>, #tpu.dimension_semantics<subcore_parallel>], iteration_bounds = array<i64: 1, 16>, scalar_prefetch = 0 : i64, scratch_operands = 15 : i64, tpu.core_type = #tpu.core_type<sc_vector_subcore>, window_params = [{transform_indices = #map}, {transform_indices = #map}, {transform_indices = #map}, {transform_indices = #map}]} {
    %mul3A = arith.constant 3200 : i32
    %mul3A_0 = arith.muli %arg1, %mul3A : i32
    %min3A = arith.constant 46800 : i32
    %min3A_1 = arith.minsi %mul3A_0, %min3A : i32
    %dma_start3A = tpu.memref_slice %arg3[%min3A_1] : memref<50000xi32, #tpu.memory_space<hbm>> -> memref<3200xi32, #tpu.memory_space<hbm>>
    %dma_start3A_2 = tpu.memref_slice %arg3[%min3A_1] : memref<50000xi32, #tpu.memory_space<hbm>> -> memref<3200xi32, #tpu.memory_space<hbm>>
    tpu.enqueue_dma source(%dma_start3A_2 : memref<3200xi32, #tpu.memory_space<hbm>>) target(%arg6 : memref<3200xi32, #tpu.memory_space<vmem>>) target_semaphore(%arg19 : memref<!tpu.dma_semaphore, #tpu.memory_space<semaphore_mem>>)
    %dma_start3A_3 = tpu.memref_slice %arg2[%min3A_1] : memref<50000xf32, #tpu.memory_space<hbm>> -> memref<3200xf32, #tpu.memory_space<hbm>>
    %dma_start3A_4 = tpu.memref_slice %arg2[%min3A_1] : memref<50000xf32, #tpu.memory_space<hbm>> -> memref<3200xf32, #tpu.memory_space<hbm>>
    tpu.enqueue_dma source(%dma_start3A_4 : memref<3200xf32, #tpu.memory_space<hbm>>) target(%arg7 : memref<3200xf32, #tpu.memory_space<vmem>>) target_semaphore(%arg19 : memref<!tpu.dma_semaphore, #tpu.memory_space<semaphore_mem>>)
    %mul3A_5 = arith.constant 6272 : i32
    %mul3A_6 = arith.muli %arg1, %mul3A_5 : i32
    %mul3A_7 = arith.constant 6272 : i32
    %mul3A_8 = arith.muli %arg1, %mul3A_7 : i32
    "tpu.region"() ({
      %run_scoped3A = tpu.sem_alloc : memref<!tpu.dma_semaphore, #tpu.memory_space<semaphore_mem>>
      %dma_start3A_54 = tpu.memref_slice %arg16[%mul3A_8] : memref<100352xi32, #tpu.memory_space<vmem_shared>> -> memref<6272xi32, #tpu.memory_space<vmem_shared>>
      %dma_start3A_55 = tpu.memref_slice %arg4[%mul3A_6] : memref<100352xi32, #tpu.memory_space<hbm>> -> memref<6272xi32, #tpu.memory_space<hbm>>
      tpu.enqueue_dma source(%dma_start3A_55 : memref<6272xi32, #tpu.memory_space<hbm>>) target(%dma_start3A_54 : memref<6272xi32, #tpu.memory_space<vmem_shared>>) target_semaphore(%run_scoped3A : memref<!tpu.dma_semaphore, #tpu.memory_space<semaphore_mem>>)
      %dma_wait3A_56 = tpu.memref_slice %arg16[%mul3A_8] : memref<100352xi32, #tpu.memory_space<vmem_shared>> -> memref<6272xi32, #tpu.memory_space<vmem_shared>>
      %dma_wait3A_57 = tpu.memref_slice %arg4[%mul3A_6] : memref<100352xi32, #tpu.memory_space<hbm>> -> memref<6272xi32, #tpu.memory_space<hbm>>
      tpu.wait_dma2 semaphore(%run_scoped3A : memref<!tpu.dma_semaphore, #tpu.memory_space<semaphore_mem>>) src(%dma_wait3A_57 : memref<6272xi32, #tpu.memory_space<hbm>>) dst(%dma_wait3A_56 : memref<6272xi32, #tpu.memory_space<vmem_shared>>)
      tpu.yield
    }) : () -> ()
    %scan3A = arith.constant 0 : i32
    %scan3A_9 = arith.constant 0 : i32
    %scan3A_10 = arith.constant 200 : i32
    %scan3A_11 = arith.addi %scan3A_9, %scan3A_10 : i32
    %scan3A_12 = arith.constant 1 : i32
    scf.for %scan3A_54 = %scan3A_9 to %scan3A_11 step %scan3A_12  : i32 {
      %broadcast_in_dim3A = arith.constant 0.000000e+00 : f32
      %broadcast_in_dim3A_55 = vector.broadcast %broadcast_in_dim3A : f32 to vector<16xf32>
      %mul3A_56 = arith.constant 16 : i32
      %mul3A_57 = arith.muli %scan3A_54, %mul3A_56 : i32
      %swap3A = arith.index_cast %mul3A_57 : i32 to index
      %swap3A_58 = tpu.vector_load %arg15[%swap3A] {strides = array<i32>} : memref<3200xf32, #tpu.memory_space<vmem>>, vector<16xf32>,
      tpu.vector_store %arg15[%swap3A], %broadcast_in_dim3A_55 {strides = array<i32>} : memref<3200xf32, #tpu.memory_space<vmem>>, vector<16xf32>,
    }
    %scan3A_13 = arith.constant 200 : i32
    %mul3A_14 = arith.constant 3200 : i32
    %mul3A_15 = arith.muli %arg1, %mul3A_14 : i32
    %dma_start3A_16 = tpu.memref_slice %arg5[%mul3A_15] : memref<51200xf32, #tpu.memory_space<hbm>> -> memref<3200xf32, #tpu.memory_space<hbm>>
    %dma_start3A_17 = tpu.memref_slice %arg5[%mul3A_15] : memref<51200xf32, #tpu.memory_space<hbm>> -> memref<3200xf32, #tpu.memory_space<hbm>>
    tpu.enqueue_dma source(%arg15 : memref<3200xf32, #tpu.memory_space<vmem>>) target(%dma_start3A_17 : memref<3200xf32, #tpu.memory_space<hbm>>) target_semaphore(%arg19 : memref<!tpu.dma_semaphore, #tpu.memory_space<semaphore_mem>>)
    %scan3A_18 = arith.constant 0 : i32
    %scan3A_19 = arith.constant 0 : i32
    %scan3A_20 = arith.constant 64 : i32
    %scan3A_21 = arith.addi %scan3A_19, %scan3A_20 : i32
    %scan3A_22 = arith.constant 1 : i32
    scf.for %scan3A_54 = %scan3A_19 to %scan3A_21 step %scan3A_22  : i32 {
      %broadcast_in_dim3A = arith.constant 0xFF800000 : f32
      %broadcast_in_dim3A_55 = vector.broadcast %broadcast_in_dim3A : f32 to vector<16xf32>
      %mul3A_56 = arith.constant 16 : i32
      %mul3A_57 = arith.muli %scan3A_54, %mul3A_56 : i32
      %swap3A = arith.index_cast %mul3A_57 : i32 to index
      %swap3A_58 = tpu.vector_load %arg9[%swap3A] {strides = array<i32>} : memref<1024xf32, #tpu.memory_space<vmem>>, vector<16xf32>,
      tpu.vector_store %arg9[%swap3A], %broadcast_in_dim3A_55 {strides = array<i32>} : memref<1024xf32, #tpu.memory_space<vmem>>, vector<16xf32>,
      %broadcast_in_dim3A_59 = arith.constant 2147483647 : i32
      %broadcast_in_dim3A_60 = vector.broadcast %broadcast_in_dim3A_59 : i32 to vector<16xi32>
      %mul3A_61 = arith.constant 16 : i32
      %mul3A_62 = arith.muli %scan3A_54, %mul3A_61 : i32
      %swap3A_63 = arith.index_cast %mul3A_62 : i32 to index
      %swap3A_64 = tpu.vector_load %arg10[%swap3A_63] {strides = array<i32>} : memref<1024xi32, #tpu.memory_space<vmem>>, vector<16xi32>,
      tpu.vector_store %arg10[%swap3A_63], %broadcast_in_dim3A_60 {strides = array<i32>} : memref<1024xi32, #tpu.memory_space<vmem>>, vector<16xi32>,
    }
    %scan3A_23 = arith.constant 64 : i32
    %dma_wait3A = tpu.memref_slice %arg3[%min3A_1] : memref<50000xi32, #tpu.memory_space<hbm>> -> memref<3200xi32, #tpu.memory_space<hbm>>
    %dma_wait3A_24 = tpu.memref_slice %arg3[%min3A_1] : memref<50000xi32, #tpu.memory_space<hbm>> -> memref<3200xi32, #tpu.memory_space<hbm>>
    tpu.wait_dma2 semaphore(%arg19 : memref<!tpu.dma_semaphore, #tpu.memory_space<semaphore_mem>>) src(%dma_wait3A_24 : memref<3200xi32, #tpu.memory_space<hbm>>) dst(%arg6 : memref<3200xi32, #tpu.memory_space<vmem>>)
    %dma_wait3A_25 = tpu.memref_slice %arg2[%min3A_1] : memref<50000xf32, #tpu.memory_space<hbm>> -> memref<3200xf32, #tpu.memory_space<hbm>>
    %dma_wait3A_26 = tpu.memref_slice %arg2[%min3A_1] : memref<50000xf32, #tpu.memory_space<hbm>> -> memref<3200xf32, #tpu.memory_space<hbm>>
    tpu.wait_dma2 semaphore(%arg19 : memref<!tpu.dma_semaphore, #tpu.memory_space<semaphore_mem>>) src(%dma_wait3A_26 : memref<3200xf32, #tpu.memory_space<hbm>>) dst(%arg7 : memref<3200xf32, #tpu.memory_space<vmem>>)
    %barrier3A = arith.constant 0 : index
    tpu.barrier barrier_id(%barrier3A)
    %dma_start3A_27 = arith.constant 0 : i32
    %dma_start3A_28 = tpu.memref_slice %arg16[%dma_start3A_27] : memref<100352xi32, #tpu.memory_space<vmem_shared>> -> memref<100352xi32, #tpu.memory_space<vmem_shared>>
    tpu.enqueue_indirect_dma source(%dma_start3A_28 : memref<100352xi32, #tpu.memory_space<vmem_shared>>) target(%arg8 : memref<3200xi32, #tpu.memory_space<vmem>>) offsets(%arg6 : memref<3200xi32, #tpu.memory_space<vmem>>) semaphore(%arg20 : memref<!tpu.dma_semaphore, #tpu.memory_space<semaphore_mem>>)
    %dma_wait3A_29 = arith.constant 0 : i32
    %dma_wait3A_30 = tpu.memref_slice %arg16[%dma_wait3A_29] : memref<100352xi32, #tpu.memory_space<vmem_shared>> -> memref<100352xi32, #tpu.memory_space<vmem_shared>>
    tpu.wait_indirect_dma semaphore(%arg20 : memref<!tpu.dma_semaphore, #tpu.memory_space<semaphore_mem>>) src(%dma_wait3A_30 : memref<100352xi32, #tpu.memory_space<vmem_shared>>) dst(%arg8 : memref<3200xi32, #tpu.memory_space<vmem>>)
    %iota3A = tpu.iota {dimensions = array<i32: 0>} : vector<16xi32>
    %scan3A_31 = arith.constant 0 : i32
    %scan3A_32 = arith.constant 0 : i32
    %scan3A_33 = arith.constant 25 : i32
    %scan3A_34 = arith.addi %scan3A_32, %scan3A_33 : i32
    %scan3A_35 = arith.constant 1 : i32
    scf.for %scan3A_54 = %scan3A_32 to %scan3A_34 step %scan3A_35  : i32 {
      %mul3A_55 = arith.constant 16 : i32
      %mul3A_56 = arith.muli %scan3A_54, %mul3A_55 : i32
      %mul3A_57 = arith.constant 8 : i32
      %mul3A_58 = arith.muli %mul3A_56, %mul3A_57 : i32
      %add3A = arith.constant 0 : i32
      %add3A_59 = arith.addi %mul3A_58, %add3A : i32
      %mul3A_60 = arith.constant 16 : i32
      %mul3A_61 = arith.muli %scan3A_54, %mul3A_60 : i32
      %mul3A_62 = arith.constant 8 : i32
      %mul3A_63 = arith.muli %mul3A_61, %mul3A_62 : i32
      %add3A_64 = arith.constant 16 : i32
      %add3A_65 = arith.addi %mul3A_63, %add3A_64 : i32
      %mul3A_66 = arith.constant 16 : i32
      %mul3A_67 = arith.muli %scan3A_54, %mul3A_66 : i32
      %mul3A_68 = arith.constant 8 : i32
      %mul3A_69 = arith.muli %mul3A_67, %mul3A_68 : i32
      %add3A_70 = arith.constant 32 : i32
      %add3A_71 = arith.addi %mul3A_69, %add3A_70 : i32
      %mul3A_72 = arith.constant 16 : i32
      %mul3A_73 = arith.muli %scan3A_54, %mul3A_72 : i32
      %mul3A_74 = arith.constant 8 : i32
      %mul3A_75 = arith.muli %mul3A_73, %mul3A_74 : i32
      %add3A_76 = arith.constant 48 : i32
      %add3A_77 = arith.addi %mul3A_75, %add3A_76 : i32
      %mul3A_78 = arith.constant 16 : i32
      %mul3A_79 = arith.muli %scan3A_54, %mul3A_78 : i32
      %mul3A_80 = arith.constant 8 : i32
      %mul3A_81 = arith.muli %mul3A_79, %mul3A_80 : i32
      %add3A_82 = arith.constant 64 : i32
      %add3A_83 = arith.addi %mul3A_81, %add3A_82 : i32
      %mul3A_84 = arith.constant 16 : i32
      %mul3A_85 = arith.muli %scan3A_54, %mul3A_84 : i32
      %mul3A_86 = arith.constant 8 : i32
      %mul3A_87 = arith.muli %mul3A_85, %mul3A_86 : i32
      %add3A_88 = arith.constant 80 : i32
      %add3A_89 = arith.addi %mul3A_87, %add3A_88 : i32
      %mul3A_90 = arith.constant 16 : i32
      %mul3A_91 = arith.muli %scan3A_54, %mul3A_90 : i32
      %mul3A_92 = arith.constant 8 : i32
      %mul3A_93 = arith.muli %mul3A_91, %mul3A_92 : i32
      %add3A_94 = arith.constant 96 : i32
      %add3A_95 = arith.addi %mul3A_93, %add3A_94 : i32
      %mul3A_96 = arith.constant 16 : i32
      %mul3A_97 = arith.muli %scan3A_54, %mul3A_96 : i32
      %mul3A_98 = arith.constant 8 : i32
      %mul3A_99 = arith.muli %mul3A_97, %mul3A_98 : i32
      %add3A_100 = arith.constant 112 : i32
      %add3A_101 = arith.addi %mul3A_99, %add3A_100 : i32
      %get3A = arith.index_cast %add3A_59 : i32 to index
      %get3A_102 = tpu.vector_load %arg8[%get3A] {strides = array<i32>} : memref<3200xi32, #tpu.memory_space<vmem>>, vector<16xi32>,
      %get3A_103 = arith.index_cast %add3A_65 : i32 to index
      %get3A_104 = tpu.vector_load %arg8[%get3A_103] {strides = array<i32>} : memref<3200xi32, #tpu.memory_space<vmem>>, vector<16xi32>,
      %get3A_105 = arith.index_cast %add3A_71 : i32 to index
      %get3A_106 = tpu.vector_load %arg8[%get3A_105] {strides = array<i32>} : memref<3200xi32, #tpu.memory_space<vmem>>, vector<16xi32>,
      %get3A_107 = arith.index_cast %add3A_77 : i32 to index
      %get3A_108 = tpu.vector_load %arg8[%get3A_107] {strides = array<i32>} : memref<3200xi32, #tpu.memory_space<vmem>>, vector<16xi32>,
      %get3A_109 = arith.index_cast %add3A_83 : i32 to index
      %get3A_110 = tpu.vector_load %arg8[%get3A_109] {strides = array<i32>} : memref<3200xi32, #tpu.memory_space<vmem>>, vector<16xi32>,
      %get3A_111 = arith.index_cast %add3A_89 : i32 to index
      %get3A_112 = tpu.vector_load %arg8[%get3A_111] {strides = array<i32>} : memref<3200xi32, #tpu.memory_space<vmem>>, vector<16xi32>,
      %get3A_113 = arith.index_cast %add3A_95 : i32 to index
      %get3A_114 = tpu.vector_load %arg8[%get3A_113] {strides = array<i32>} : memref<3200xi32, #tpu.memory_space<vmem>>, vector<16xi32>,
      %get3A_115 = arith.index_cast %add3A_101 : i32 to index
      %get3A_116 = tpu.vector_load %arg8[%get3A_115] {strides = array<i32>} : memref<3200xi32, #tpu.memory_space<vmem>>, vector<16xi32>,
      %get3A_117 = arith.index_cast %add3A_59 : i32 to index
      %get3A_118 = tpu.vector_load %arg7[%get3A_117] {strides = array<i32>} : memref<3200xf32, #tpu.memory_space<vmem>>, vector<16xf32>,
      %get3A_119 = arith.index_cast %add3A_65 : i32 to index
      %get3A_120 = tpu.vector_load %arg7[%get3A_119] {strides = array<i32>} : memref<3200xf32, #tpu.memory_space<vmem>>, vector<16xf32>,
      %get3A_121 = arith.index_cast %add3A_71 : i32 to index
      %get3A_122 = tpu.vector_load %arg7[%get3A_121] {strides = array<i32>} : memref<3200xf32, #tpu.memory_space<vmem>>, vector<16xf32>,
      %get3A_123 = arith.index_cast %add3A_77 : i32 to index
      %get3A_124 = tpu.vector_load %arg7[%get3A_123] {strides = array<i32>} : memref<3200xf32, #tpu.memory_space<vmem>>, vector<16xf32>,
      %get3A_125 = arith.index_cast %add3A_83 : i32 to index
      %get3A_126 = tpu.vector_load %arg7[%get3A_125] {strides = array<i32>} : memref<3200xf32, #tpu.memory_space<vmem>>, vector<16xf32>,
      %get3A_127 = arith.index_cast %add3A_89 : i32 to index
      %get3A_128 = tpu.vector_load %arg7[%get3A_127] {strides = array<i32>} : memref<3200xf32, #tpu.memory_space<vmem>>, vector<16xf32>,
      %get3A_129 = arith.index_cast %add3A_95 : i32 to index
      %get3A_130 = tpu.vector_load %arg7[%get3A_129] {strides = array<i32>} : memref<3200xf32, #tpu.memory_space<vmem>>, vector<16xf32>,
      %get3A_131 = arith.index_cast %add3A_101 : i32 to index
      %get3A_132 = tpu.vector_load %arg7[%get3A_131] {strides = array<i32>} : memref<3200xf32, #tpu.memory_space<vmem>>, vector<16xf32>,
      %add3A_133 = arith.addi %min3A_1, %add3A_59 : i32
      %add3A_134 = vector.broadcast %add3A_133 : i32 to vector<16xi32>
      %add3A_135 = arith.addi %add3A_134, %iota3A : vector<16xi32>
      %add3A_136 = arith.addi %min3A_1, %add3A_65 : i32
      %add3A_137 = vector.broadcast %add3A_136 : i32 to vector<16xi32>
      %add3A_138 = arith.addi %add3A_137, %iota3A : vector<16xi32>
      %add3A_139 = arith.addi %min3A_1, %add3A_71 : i32
      %add3A_140 = vector.broadcast %add3A_139 : i32 to vector<16xi32>
      %add3A_141 = arith.addi %add3A_140, %iota3A : vector<16xi32>
      %add3A_142 = arith.addi %min3A_1, %add3A_77 : i32
      %add3A_143 = vector.broadcast %add3A_142 : i32 to vector<16xi32>
      %add3A_144 = arith.addi %add3A_143, %iota3A : vector<16xi32>
      %add3A_145 = arith.addi %min3A_1, %add3A_83 : i32
      %add3A_146 = vector.broadcast %add3A_145 : i32 to vector<16xi32>
      %add3A_147 = arith.addi %add3A_146, %iota3A : vector<16xi32>
      %add3A_148 = arith.addi %min3A_1, %add3A_89 : i32
      %add3A_149 = vector.broadcast %add3A_148 : i32 to vector<16xi32>
      %add3A_150 = arith.addi %add3A_149, %iota3A : vector<16xi32>
      %add3A_151 = arith.addi %min3A_1, %add3A_95 : i32
      %add3A_152 = vector.broadcast %add3A_151 : i32 to vector<16xi32>
      %add3A_153 = arith.addi %add3A_152, %iota3A : vector<16xi32>
      %add3A_154 = arith.addi %min3A_1, %add3A_101 : i32
      %add3A_155 = vector.broadcast %add3A_154 : i32 to vector<16xi32>
      %add3A_156 = arith.addi %add3A_155, %iota3A : vector<16xi32>
      %gather3A = tpu.vector_load_idx %arg9[%get3A_102] : memref<1024xf32, #tpu.memory_space<vmem>>[vector<16xi32>], vector<16xf32>,
      %gather3A_157 = tpu.vector_load_idx %arg9[%get3A_104] : memref<1024xf32, #tpu.memory_space<vmem>>[vector<16xi32>], vector<16xf32>,
      %gather3A_158 = tpu.vector_load_idx %arg9[%get3A_106] : memref<1024xf32, #tpu.memory_space<vmem>>[vector<16xi32>], vector<16xf32>,
      %gather3A_159 = tpu.vector_load_idx %arg9[%get3A_108] : memref<1024xf32, #tpu.memory_space<vmem>>[vector<16xi32>], vector<16xf32>,
      %gather3A_160 = tpu.vector_load_idx %arg9[%get3A_110] : memref<1024xf32, #tpu.memory_space<vmem>>[vector<16xi32>], vector<16xf32>,
      %gather3A_161 = tpu.vector_load_idx %arg9[%get3A_112] : memref<1024xf32, #tpu.memory_space<vmem>>[vector<16xi32>], vector<16xf32>,
      %gather3A_162 = tpu.vector_load_idx %arg9[%get3A_114] : memref<1024xf32, #tpu.memory_space<vmem>>[vector<16xi32>], vector<16xf32>,
      %gather3A_163 = tpu.vector_load_idx %arg9[%get3A_116] : memref<1024xf32, #tpu.memory_space<vmem>>[vector<16xi32>], vector<16xf32>,
      %gather3A_164 = tpu.vector_load_idx %arg10[%get3A_102] : memref<1024xi32, #tpu.memory_space<vmem>>[vector<16xi32>], vector<16xi32>,
      %gather3A_165 = tpu.vector_load_idx %arg10[%get3A_104] : memref<1024xi32, #tpu.memory_space<vmem>>[vector<16xi32>], vector<16xi32>,
      %gather3A_166 = tpu.vector_load_idx %arg10[%get3A_106] : memref<1024xi32, #tpu.memory_space<vmem>>[vector<16xi32>], vector<16xi32>,
      %gather3A_167 = tpu.vector_load_idx %arg10[%get3A_108] : memref<1024xi32, #tpu.memory_space<vmem>>[vector<16xi32>], vector<16xi32>,
      %gather3A_168 = tpu.vector_load_idx %arg10[%get3A_110] : memref<1024xi32, #tpu.memory_space<vmem>>[vector<16xi32>], vector<16xi32>,
      %gather3A_169 = tpu.vector_load_idx %arg10[%get3A_112] : memref<1024xi32, #tpu.memory_space<vmem>>[vector<16xi32>], vector<16xi32>,
      %gather3A_170 = tpu.vector_load_idx %arg10[%get3A_114] : memref<1024xi32, #tpu.memory_space<vmem>>[vector<16xi32>], vector<16xi32>,
      %gather3A_171 = tpu.vector_load_idx %arg10[%get3A_116] : memref<1024xi32, #tpu.memory_space<vmem>>[vector<16xi32>], vector<16xi32>,
      %while3A:16 = scf.while (%while3A_172 = %gather3A, %while3A_173 = %gather3A_157, %while3A_174 = %gather3A_158, %while3A_175 = %gather3A_159, %while3A_176 = %gather3A_160, %while3A_177 = %gather3A_161, %while3A_178 = %gather3A_162, %while3A_179 = %gather3A_163, %while3A_180 = %gather3A_164, %while3A_181 = %gather3A_165, %while3A_182 = %gather3A_166, %while3A_183 = %gather3A_167, %while3A_184 = %gather3A_168, %while3A_185 = %gather3A_169, %while3A_186 = %gather3A_170, %while3A_187 = %gather3A_171) : (vector<16xf32>, vector<16xf32>, vector<16xf32>, vector<16xf32>, vector<16xf32>, vector<16xf32>, vector<16xf32>, vector<16xf32>, vector<16xi32>, vector<16xi32>, vector<16xi32>, vector<16xi32>, vector<16xi32>, vector<16xi32>, vector<16xi32>, vector<16xi32>) -> (vector<16xf32>, vector<16xf32>, vector<16xf32>, vector<16xf32>, vector<16xf32>, vector<16xf32>, vector<16xf32>, vector<16xf32>, vector<16xi32>, vector<16xi32>, vector<16xi32>, vector<16xi32>, vector<16xi32>, vector<16xi32>, vector<16xi32>, vector<16xi32>) {
        %gt3A = arith.cmpf ogt, %get3A_118, %while3A_172 : vector<16xf32>
        %eq3A = arith.cmpf oeq, %get3A_118, %while3A_172 : vector<16xf32>
        %lt3A_188 = arith.cmpi slt, %add3A_135, %while3A_180 : vector<16xi32>
        %and3A = arith.andi %eq3A, %lt3A_188 : vector<16xi1>
        %or3A = arith.ori %gt3A, %and3A : vector<16xi1>
        %gt3A_189 = arith.cmpf ogt, %get3A_120, %while3A_173 : vector<16xf32>
        %eq3A_190 = arith.cmpf oeq, %get3A_120, %while3A_173 : vector<16xf32>
        %lt3A_191 = arith.cmpi slt, %add3A_138, %while3A_181 : vector<16xi32>
        %and3A_192 = arith.andi %eq3A_190, %lt3A_191 : vector<16xi1>
        %or3A_193 = arith.ori %gt3A_189, %and3A_192 : vector<16xi1>
        %gt3A_194 = arith.cmpf ogt, %get3A_122, %while3A_174 : vector<16xf32>
        %eq3A_195 = arith.cmpf oeq, %get3A_122, %while3A_174 : vector<16xf32>
        %lt3A_196 = arith.cmpi slt, %add3A_141, %while3A_182 : vector<16xi32>
        %and3A_197 = arith.andi %eq3A_195, %lt3A_196 : vector<16xi1>
        %or3A_198 = arith.ori %gt3A_194, %and3A_197 : vector<16xi1>
        %gt3A_199 = arith.cmpf ogt, %get3A_124, %while3A_175 : vector<16xf32>
        %eq3A_200 = arith.cmpf oeq, %get3A_124, %while3A_175 : vector<16xf32>
        %lt3A_201 = arith.cmpi slt, %add3A_144, %while3A_183 : vector<16xi32>
        %and3A_202 = arith.andi %eq3A_200, %lt3A_201 : vector<16xi1>
        %or3A_203 = arith.ori %gt3A_199, %and3A_202 : vector<16xi1>
        %gt3A_204 = arith.cmpf ogt, %get3A_126, %while3A_176 : vector<16xf32>
        %eq3A_205 = arith.cmpf oeq, %get3A_126, %while3A_176 : vector<16xf32>
        %lt3A_206 = arith.cmpi slt, %add3A_147, %while3A_184 : vector<16xi32>
        %and3A_207 = arith.andi %eq3A_205, %lt3A_206 : vector<16xi1>
        %or3A_208 = arith.ori %gt3A_204, %and3A_207 : vector<16xi1>
        %gt3A_209 = arith.cmpf ogt, %get3A_128, %while3A_177 : vector<16xf32>
        %eq3A_210 = arith.cmpf oeq, %get3A_128, %while3A_177 : vector<16xf32>
        %lt3A_211 = arith.cmpi slt, %add3A_150, %while3A_185 : vector<16xi32>
        %and3A_212 = arith.andi %eq3A_210, %lt3A_211 : vector<16xi1>
        %or3A_213 = arith.ori %gt3A_209, %and3A_212 : vector<16xi1>
        %gt3A_214 = arith.cmpf ogt, %get3A_130, %while3A_178 : vector<16xf32>
        %eq3A_215 = arith.cmpf oeq, %get3A_130, %while3A_178 : vector<16xf32>
        %lt3A_216 = arith.cmpi slt, %add3A_153, %while3A_186 : vector<16xi32>
        %and3A_217 = arith.andi %eq3A_215, %lt3A_216 : vector<16xi1>
        %or3A_218 = arith.ori %gt3A_214, %and3A_217 : vector<16xi1>
        %gt3A_219 = arith.cmpf ogt, %get3A_132, %while3A_179 : vector<16xf32>
        %eq3A_220 = arith.cmpf oeq, %get3A_132, %while3A_179 : vector<16xf32>
        %lt3A_221 = arith.cmpi slt, %add3A_156, %while3A_187 : vector<16xi32>
        %and3A_222 = arith.andi %eq3A_220, %lt3A_221 : vector<16xi1>
        %or3A_223 = arith.ori %gt3A_219, %and3A_222 : vector<16xi1>
        %or3A_224 = arith.ori %or3A, %or3A_193 : vector<16xi1>
        %or3A_225 = arith.ori %or3A_224, %or3A_198 : vector<16xi1>
        %or3A_226 = arith.ori %or3A_225, %or3A_203 : vector<16xi1>
        %or3A_227 = arith.ori %or3A_226, %or3A_208 : vector<16xi1>
        %or3A_228 = arith.ori %or3A_227, %or3A_213 : vector<16xi1>
        %or3A_229 = arith.ori %or3A_228, %or3A_218 : vector<16xi1>
        %or3A_230 = arith.ori %or3A_229, %or3A_223 : vector<16xi1>
        %reduce_or3A = arith.constant 1.000000e+00 : f32
        %reduce_or3A_231 = arith.constant 0.000000e+00 : f32
        %reduce_or3A_232 = vector.broadcast %reduce_or3A : f32 to vector<16xf32>
        %reduce_or3A_233 = vector.broadcast %reduce_or3A_231 : f32 to vector<16xf32>
        %reduce_or3A_234 = arith.select %or3A_230, %reduce_or3A_232, %reduce_or3A_233 : vector<16xi1>, vector<16xf32>
        %reduce_or3A_235 = arith.constant true
        %reduce_or3A_236 = vector.broadcast %reduce_or3A_235 : i1 to vector<16xi1>
        %reduce_or3A_237 = tpu.scan <max>, %reduce_or3A_234 masked %reduce_or3A_236 : vector<16xf32>, vector<16xi1> -> vector<16xf32>
        %reduce_or3A_238 = vector.extract %reduce_or3A_237[15] : f32 from vector<16xf32>
        %reduce_or3A_239 = arith.constant 0.000000e+00 : f32
        %reduce_or3A_240 = arith.cmpf ogt, %reduce_or3A_238, %reduce_or3A_239 : f32
        scf.condition(%reduce_or3A_240) %while3A_172, %while3A_173, %while3A_174, %while3A_175, %while3A_176, %while3A_177, %while3A_178, %while3A_179, %while3A_180, %while3A_181, %while3A_182, %while3A_183, %while3A_184, %while3A_185, %while3A_186, %while3A_187 : vector<16xf32>, vector<16xf32>, vector<16xf32>, vector<16xf32>, vector<16xf32>, vector<16xf32>, vector<16xf32>, vector<16xf32>, vector<16xi32>, vector<16xi32>, vector<16xi32>, vector<16xi32>, vector<16xi32>, vector<16xi32>, vector<16xi32>, vector<16xi32>
      } do {
      ^bb0(%while3A_172: vector<16xf32>, %while3A_173: vector<16xf32>, %while3A_174: vector<16xf32>, %while3A_175: vector<16xf32>, %while3A_176: vector<16xf32>, %while3A_177: vector<16xf32>, %while3A_178: vector<16xf32>, %while3A_179: vector<16xf32>, %while3A_180: vector<16xi32>, %while3A_181: vector<16xi32>, %while3A_182: vector<16xi32>, %while3A_183: vector<16xi32>, %while3A_184: vector<16xi32>, %while3A_185: vector<16xi32>, %while3A_186: vector<16xi32>, %while3A_187: vector<16xi32>):
        %gt3A = arith.cmpf ogt, %get3A_118, %while3A_172 : vector<16xf32>
        %eq3A = arith.cmpf oeq, %get3A_118, %while3A_172 : vector<16xf32>
        %lt3A_188 = arith.cmpi slt, %add3A_135, %while3A_180 : vector<16xi32>
        %and3A = arith.andi %eq3A, %lt3A_188 : vector<16xi1>
        %or3A = arith.ori %gt3A, %and3A : vector<16xi1>
        tpu.vector_store_idx %arg10[%get3A_102], %add3A_135 masked %or3A : memref<1024xi32, #tpu.memory_space<vmem>>[vector<16xi32>], vector<16xi32>, vector<16xi1>
        %gt3A_189 = arith.cmpf ogt, %get3A_120, %while3A_173 : vector<16xf32>
        %eq3A_190 = arith.cmpf oeq, %get3A_120, %while3A_173 : vector<16xf32>
        %lt3A_191 = arith.cmpi slt, %add3A_138, %while3A_181 : vector<16xi32>
        %and3A_192 = arith.andi %eq3A_190, %lt3A_191 : vector<16xi1>
        %or3A_193 = arith.ori %gt3A_189, %and3A_192 : vector<16xi1>
        tpu.vector_store_idx %arg10[%get3A_104], %add3A_138 masked %or3A_193 : memref<1024xi32, #tpu.memory_space<vmem>>[vector<16xi32>], vector<16xi32>, vector<16xi1>
        %gt3A_194 = arith.cmpf ogt, %get3A_122, %while3A_174 : vector<16xf32>
        %eq3A_195 = arith.cmpf oeq, %get3A_122, %while3A_174 : vector<16xf32>
        %lt3A_196 = arith.cmpi slt, %add3A_141, %while3A_182 : vector<16xi32>
        %and3A_197 = arith.andi %eq3A_195, %lt3A_196 : vector<16xi1>
        %or3A_198 = arith.ori %gt3A_194, %and3A_197 : vector<16xi1>
        tpu.vector_store_idx %arg10[%get3A_106], %add3A_141 masked %or3A_198 : memref<1024xi32, #tpu.memory_space<vmem>>[vector<16xi32>], vector<16xi32>, vector<16xi1>
        %gt3A_199 = arith.cmpf ogt, %get3A_124, %while3A_175 : vector<16xf32>
        %eq3A_200 = arith.cmpf oeq, %get3A_124, %while3A_175 : vector<16xf32>
        %lt3A_201 = arith.cmpi slt, %add3A_144, %while3A_183 : vector<16xi32>
        %and3A_202 = arith.andi %eq3A_200, %lt3A_201 : vector<16xi1>
        %or3A_203 = arith.ori %gt3A_199, %and3A_202 : vector<16xi1>
        tpu.vector_store_idx %arg10[%get3A_108], %add3A_144 masked %or3A_203 : memref<1024xi32, #tpu.memory_space<vmem>>[vector<16xi32>], vector<16xi32>, vector<16xi1>
        %gt3A_204 = arith.cmpf ogt, %get3A_126, %while3A_176 : vector<16xf32>
        %eq3A_205 = arith.cmpf oeq, %get3A_126, %while3A_176 : vector<16xf32>
        %lt3A_206 = arith.cmpi slt, %add3A_147, %while3A_184 : vector<16xi32>
        %and3A_207 = arith.andi %eq3A_205, %lt3A_206 : vector<16xi1>
        %or3A_208 = arith.ori %gt3A_204, %and3A_207 : vector<16xi1>
        tpu.vector_store_idx %arg10[%get3A_110], %add3A_147 masked %or3A_208 : memref<1024xi32, #tpu.memory_space<vmem>>[vector<16xi32>], vector<16xi32>, vector<16xi1>
        %gt3A_209 = arith.cmpf ogt, %get3A_128, %while3A_177 : vector<16xf32>
        %eq3A_210 = arith.cmpf oeq, %get3A_128, %while3A_177 : vector<16xf32>
        %lt3A_211 = arith.cmpi slt, %add3A_150, %while3A_185 : vector<16xi32>
        %and3A_212 = arith.andi %eq3A_210, %lt3A_211 : vector<16xi1>
        %or3A_213 = arith.ori %gt3A_209, %and3A_212 : vector<16xi1>
        tpu.vector_store_idx %arg10[%get3A_112], %add3A_150 masked %or3A_213 : memref<1024xi32, #tpu.memory_space<vmem>>[vector<16xi32>], vector<16xi32>, vector<16xi1>
        %gt3A_214 = arith.cmpf ogt, %get3A_130, %while3A_178 : vector<16xf32>
        %eq3A_215 = arith.cmpf oeq, %get3A_130, %while3A_178 : vector<16xf32>
        %lt3A_216 = arith.cmpi slt, %add3A_153, %while3A_186 : vector<16xi32>
        %and3A_217 = arith.andi %eq3A_215, %lt3A_216 : vector<16xi1>
        %or3A_218 = arith.ori %gt3A_214, %and3A_217 : vector<16xi1>
        tpu.vector_store_idx %arg10[%get3A_114], %add3A_153 masked %or3A_218 : memref<1024xi32, #tpu.memory_space<vmem>>[vector<16xi32>], vector<16xi32>, vector<16xi1>
        %gt3A_219 = arith.cmpf ogt, %get3A_132, %while3A_179 : vector<16xf32>
        %eq3A_220 = arith.cmpf oeq, %get3A_132, %while3A_179 : vector<16xf32>
        %lt3A_221 = arith.cmpi slt, %add3A_156, %while3A_187 : vector<16xi32>
        %and3A_222 = arith.andi %eq3A_220, %lt3A_221 : vector<16xi1>
        %or3A_223 = arith.ori %gt3A_219, %and3A_222 : vector<16xi1>
        tpu.vector_store_idx %arg10[%get3A_116], %add3A_156 masked %or3A_223 : memref<1024xi32, #tpu.memory_space<vmem>>[vector<16xi32>], vector<16xi32>, vector<16xi1>
        %gather3A_224 = tpu.vector_load_idx %arg10[%get3A_102] : memref<1024xi32, #tpu.memory_space<vmem>>[vector<16xi32>], vector<16xi32>,
        %gather3A_225 = tpu.vector_load_idx %arg10[%get3A_104] : memref<1024xi32, #tpu.memory_space<vmem>>[vector<16xi32>], vector<16xi32>,
        %gather3A_226 = tpu.vector_load_idx %arg10[%get3A_106] : memref<1024xi32, #tpu.memory_space<vmem>>[vector<16xi32>], vector<16xi32>,
        %gather3A_227 = tpu.vector_load_idx %arg10[%get3A_108] : memref<1024xi32, #tpu.memory_space<vmem>>[vector<16xi32>], vector<16xi32>,
        %gather3A_228 = tpu.vector_load_idx %arg10[%get3A_110] : memref<1024xi32, #tpu.memory_space<vmem>>[vector<16xi32>], vector<16xi32>,
        %gather3A_229 = tpu.vector_load_idx %arg10[%get3A_112] : memref<1024xi32, #tpu.memory_space<vmem>>[vector<16xi32>], vector<16xi32>,
        %gather3A_230 = tpu.vector_load_idx %arg10[%get3A_114] : memref<1024xi32, #tpu.memory_space<vmem>>[vector<16xi32>], vector<16xi32>,
        %gather3A_231 = tpu.vector_load_idx %arg10[%get3A_116] : memref<1024xi32, #tpu.memory_space<vmem>>[vector<16xi32>], vector<16xi32>,
        %eq3A_232 = arith.cmpi eq, %gather3A_224, %add3A_135 : vector<16xi32>
        tpu.vector_store_idx %arg9[%get3A_102], %get3A_118 masked %eq3A_232 : memref<1024xf32, #tpu.memory_space<vmem>>[vector<16xi32>], vector<16xf32>, vector<16xi1>
        %eq3A_233 = arith.cmpi eq, %gather3A_225, %add3A_138 : vector<16xi32>
        tpu.vector_store_idx %arg9[%get3A_104], %get3A_120 masked %eq3A_233 : memref<1024xf32, #tpu.memory_space<vmem>>[vector<16xi32>], vector<16xf32>, vector<16xi1>
        %eq3A_234 = arith.cmpi eq, %gather3A_226, %add3A_141 : vector<16xi32>
        tpu.vector_store_idx %arg9[%get3A_106], %get3A_122 masked %eq3A_234 : memref<1024xf32, #tpu.memory_space<vmem>>[vector<16xi32>], vector<16xf32>, vector<16xi1>
        %eq3A_235 = arith.cmpi eq, %gather3A_227, %add3A_144 : vector<16xi32>
        tpu.vector_store_idx %arg9[%get3A_108], %get3A_124 masked %eq3A_235 : memref<1024xf32, #tpu.memory_space<vmem>>[vector<16xi32>], vector<16xf32>, vector<16xi1>
        %eq3A_236 = arith.cmpi eq, %gather3A_228, %add3A_147 : vector<16xi32>
        tpu.vector_store_idx %arg9[%get3A_110], %get3A_126 masked %eq3A_236 : memref<1024xf32, #tpu.memory_space<vmem>>[vector<16xi32>], vector<16xf32>, vector<16xi1>
        %eq3A_237 = arith.cmpi eq, %gather3A_229, %add3A_150 : vector<16xi32>
        tpu.vector_store_idx %arg9[%get3A_112], %get3A_128 masked %eq3A_237 : memref<1024xf32, #tpu.memory_space<vmem>>[vector<16xi32>], vector<16xf32>, vector<16xi1>
        %eq3A_238 = arith.cmpi eq, %gather3A_230, %add3A_153 : vector<16xi32>
        tpu.vector_store_idx %arg9[%get3A_114], %get3A_130 masked %eq3A_238 : memref<1024xf32, #tpu.memory_space<vmem>>[vector<16xi32>], vector<16xf32>, vector<16xi1>
        %eq3A_239 = arith.cmpi eq, %gather3A_231, %add3A_156 : vector<16xi32>
        tpu.vector_store_idx %arg9[%get3A_116], %get3A_132 masked %eq3A_239 : memref<1024xf32, #tpu.memory_space<vmem>>[vector<16xi32>], vector<16xf32>, vector<16xi1>
        %gather3A_240 = tpu.vector_load_idx %arg9[%get3A_102] : memref<1024xf32, #tpu.memory_space<vmem>>[vector<16xi32>], vector<16xf32>,
        %gather3A_241 = tpu.vector_load_idx %arg9[%get3A_104] : memref<1024xf32, #tpu.memory_space<vmem>>[vector<16xi32>], vector<16xf32>,
        %gather3A_242 = tpu.vector_load_idx %arg9[%get3A_106] : memref<1024xf32, #tpu.memory_space<vmem>>[vector<16xi32>], vector<16xf32>,
        %gather3A_243 = tpu.vector_load_idx %arg9[%get3A_108] : memref<1024xf32, #tpu.memory_space<vmem>>[vector<16xi32>], vector<16xf32>,
        %gather3A_244 = tpu.vector_load_idx %arg9[%get3A_110] : memref<1024xf32, #tpu.memory_space<vmem>>[vector<16xi32>], vector<16xf32>,
        %gather3A_245 = tpu.vector_load_idx %arg9[%get3A_112] : memref<1024xf32, #tpu.memory_space<vmem>>[vector<16xi32>], vector<16xf32>,
        %gather3A_246 = tpu.vector_load_idx %arg9[%get3A_114] : memref<1024xf32, #tpu.memory_space<vmem>>[vector<16xi32>], vector<16xf32>,
        %gather3A_247 = tpu.vector_load_idx %arg9[%get3A_116] : memref<1024xf32, #tpu.memory_space<vmem>>[vector<16xi32>], vector<16xf32>,
        scf.yield %gather3A_240, %gather3A_241, %gather3A_242, %gather3A_243, %gather3A_244, %gather3A_245, %gather3A_246, %gather3A_247, %gather3A_224, %gather3A_225, %gather3A_226, %gather3A_227, %gather3A_228, %gather3A_229, %gather3A_230, %gather3A_231 : vector<16xf32>, vector<16xf32>, vector<16xf32>, vector<16xf32>, vector<16xf32>, vector<16xf32>, vector<16xf32>, vector<16xf32>, vector<16xi32>, vector<16xi32>, vector<16xi32>, vector<16xi32>, vector<16xi32>, vector<16xi32>, vector<16xi32>, vector<16xi32>
      }
    }
    %scan3A_36 = arith.constant 25 : i32
    %mul3A_37 = arith.constant 1024 : i32
    %mul3A_38 = arith.muli %arg1, %mul3A_37 : i32
    %dma_start3A_39 = tpu.memref_slice %arg17[%mul3A_38] : memref<16384xf32, #tpu.memory_space<vmem_shared>> -> memref<1024xf32, #tpu.memory_space<vmem_shared>>
    %dma_start3A_40 = tpu.memref_slice %arg17[%mul3A_38] : memref<16384xf32, #tpu.memory_space<vmem_shared>> -> memref<1024xf32, #tpu.memory_space<vmem_shared>>
    tpu.enqueue_dma source(%arg9 : memref<1024xf32, #tpu.memory_space<vmem>>) target(%dma_start3A_40 : memref<1024xf32, #tpu.memory_space<vmem_shared>>) target_semaphore(%arg20 : memref<!tpu.dma_semaphore, #tpu.memory_space<semaphore_mem>>)
    %mul3A_41 = arith.constant 1024 : i32
    %mul3A_42 = arith.muli %arg1, %mul3A_41 : i32
    %dma_start3A_43 = tpu.memref_slice %arg18[%mul3A_42] : memref<16384xi32, #tpu.memory_space<vmem_shared>> -> memref<1024xi32, #tpu.memory_space<vmem_shared>>
    %dma_start3A_44 = tpu.memref_slice %arg18[%mul3A_42] : memref<16384xi32, #tpu.memory_space<vmem_shared>> -> memref<1024xi32, #tpu.memory_space<vmem_shared>>
    tpu.enqueue_dma source(%arg10 : memref<1024xi32, #tpu.memory_space<vmem>>) target(%dma_start3A_44 : memref<1024xi32, #tpu.memory_space<vmem_shared>>) target_semaphore(%arg20 : memref<!tpu.dma_semaphore, #tpu.memory_space<semaphore_mem>>)
    %dma_wait3A_45 = tpu.memref_slice %arg5[%mul3A_15] : memref<51200xf32, #tpu.memory_space<hbm>> -> memref<3200xf32, #tpu.memory_space<hbm>>
    %dma_wait3A_46 = tpu.memref_slice %arg5[%mul3A_15] : memref<51200xf32, #tpu.memory_space<hbm>> -> memref<3200xf32, #tpu.memory_space<hbm>>
    tpu.wait_dma2 semaphore(%arg19 : memref<!tpu.dma_semaphore, #tpu.memory_space<semaphore_mem>>) src(%arg15 : memref<3200xf32, #tpu.memory_space<vmem>>) dst(%dma_wait3A_46 : memref<3200xf32, #tpu.memory_space<hbm>>)
    %dma_wait3A_47 = tpu.memref_slice %arg17[%mul3A_38] : memref<16384xf32, #tpu.memory_space<vmem_shared>> -> memref<1024xf32, #tpu.memory_space<vmem_shared>>
    %dma_wait3A_48 = tpu.memref_slice %arg17[%mul3A_38] : memref<16384xf32, #tpu.memory_space<vmem_shared>> -> memref<1024xf32, #tpu.memory_space<vmem_shared>>
    tpu.wait_dma2 semaphore(%arg20 : memref<!tpu.dma_semaphore, #tpu.memory_space<semaphore_mem>>) src(%arg9 : memref<1024xf32, #tpu.memory_space<vmem>>) dst(%dma_wait3A_48 : memref<1024xf32, #tpu.memory_space<vmem_shared>>)
    %dma_wait3A_49 = tpu.memref_slice %arg18[%mul3A_42] : memref<16384xi32, #tpu.memory_space<vmem_shared>> -> memref<1024xi32, #tpu.memory_space<vmem_shared>>
    %dma_wait3A_50 = tpu.memref_slice %arg18[%mul3A_42] : memref<16384xi32, #tpu.memory_space<vmem_shared>> -> memref<1024xi32, #tpu.memory_space<vmem_shared>>
    tpu.wait_dma2 semaphore(%arg20 : memref<!tpu.dma_semaphore, #tpu.memory_space<semaphore_mem>>) src(%arg10 : memref<1024xi32, #tpu.memory_space<vmem>>) dst(%dma_wait3A_50 : memref<1024xi32, #tpu.memory_space<vmem_shared>>)
    %barrier3A_51 = arith.constant 0 : index
    tpu.barrier barrier_id(%barrier3A_51)
    %lt3A = arith.constant 8 : i32
    %lt3A_52 = arith.cmpi slt, %arg1, %lt3A : i32
    %convert_element_type3A = arith.extui %lt3A_52 : i1 to i32
    %cond3A = arith.constant 0 : i32
    %cond3A_53 = arith.cmpi ne, %convert_element_type3A, %cond3A : i32
    scf.if %cond3A_53 {
      %mul3A_54 = arith.constant 128 : i32
      %mul3A_55 = arith.muli %arg1, %mul3A_54 : i32
      %add3A = arith.constant 0 : i32
      %add3A_56 = arith.addi %add3A, %mul3A_55 : i32
      %dma_start3A_57 = arith.constant 0 : i32
      %dma_start3A_58 = tpu.memref_slice %arg11[%dma_start3A_57] : memref<2048xf32, #tpu.memory_space<vmem>> -> memref<128xf32, #tpu.memory_space<vmem>>
      %dma_start3A_59 = tpu.memref_slice %arg17[%add3A_56] : memref<16384xf32, #tpu.memory_space<vmem_shared>> -> memref<128xf32, #tpu.memory_space<vmem_shared>>
      %dma_start3A_60 = arith.constant 0 : i32
      %dma_start3A_61 = tpu.memref_slice %arg11[%dma_start3A_60] : memref<2048xf32, #tpu.memory_space<vmem>> -> memref<128xf32, #tpu.memory_space<vmem>>
      %dma_start3A_62 = tpu.memref_slice %arg17[%add3A_56] : memref<16384xf32, #tpu.memory_space<vmem_shared>> -> memref<128xf32, #tpu.memory_space<vmem_shared>>
      tpu.enqueue_dma source(%dma_start3A_62 : memref<128xf32, #tpu.memory_space<vmem_shared>>) target(%dma_start3A_61 : memref<128xf32, #tpu.memory_space<vmem>>) target_semaphore(%arg19 : memref<!tpu.dma_semaphore, #tpu.memory_space<semaphore_mem>>)
      %dma_start3A_63 = arith.constant 0 : i32
      %dma_start3A_64 = tpu.memref_slice %arg12[%dma_start3A_63] : memref<2048xi32, #tpu.memory_space<vmem>> -> memref<128xi32, #tpu.memory_space<vmem>>
      %dma_start3A_65 = tpu.memref_slice %arg18[%add3A_56] : memref<16384xi32, #tpu.memory_space<vmem_shared>> -> memref<128xi32, #tpu.memory_space<vmem_shared>>
      %dma_start3A_66 = arith.constant 0 : i32
      %dma_start3A_67 = tpu.memref_slice %arg12[%dma_start3A_66] : memref<2048xi32, #tpu.memory_space<vmem>> -> memref<128xi32, #tpu.memory_space<vmem>>
      %dma_start3A_68 = tpu.memref_slice %arg18[%add3A_56] : memref<16384xi32, #tpu.memory_space<vmem_shared>> -> memref<128xi32, #tpu.memory_space<vmem_shared>>
      tpu.enqueue_dma source(%dma_start3A_68 : memref<128xi32, #tpu.memory_space<vmem_shared>>) target(%dma_start3A_67 : memref<128xi32, #tpu.memory_space<vmem>>) target_semaphore(%arg19 : memref<!tpu.dma_semaphore, #tpu.memory_space<semaphore_mem>>)
      %mul3A_69 = arith.constant 128 : i32
      %mul3A_70 = arith.muli %arg1, %mul3A_69 : i32
      %add3A_71 = arith.constant 1024 : i32
      %add3A_72 = arith.addi %add3A_71, %mul3A_70 : i32
      %dma_start3A_73 = arith.constant 128 : i32
      %dma_start3A_74 = tpu.memref_slice %arg11[%dma_start3A_73] : memref<2048xf32, #tpu.memory_space<vmem>> -> memref<128xf32, #tpu.memory_space<vmem>>
      %dma_start3A_75 = tpu.memref_slice %arg17[%add3A_72] : memref<16384xf32, #tpu.memory_space<vmem_shared>> -> memref<128xf32, #tpu.memory_space<vmem_shared>>
      %dma_start3A_76 = arith.constant 128 : i32
      %dma_start3A_77 = tpu.memref_slice %arg11[%dma_start3A_76] : memref<2048xf32, #tpu.memory_space<vmem>> -> memref<128xf32, #tpu.memory_space<vmem>>
      %dma_start3A_78 = tpu.memref_slice %arg17[%add3A_72] : memref<16384xf32, #tpu.memory_space<vmem_shared>> -> memref<128xf32, #tpu.memory_space<vmem_shared>>
      tpu.enqueue_dma source(%dma_start3A_78 : memref<128xf32, #tpu.memory_space<vmem_shared>>) target(%dma_start3A_77 : memref<128xf32, #tpu.memory_space<vmem>>) target_semaphore(%arg19 : memref<!tpu.dma_semaphore, #tpu.memory_space<semaphore_mem>>)
      %dma_start3A_79 = arith.constant 128 : i32
      %dma_start3A_80 = tpu.memref_slice %arg12[%dma_start3A_79] : memref<2048xi32, #tpu.memory_space<vmem>> -> memref<128xi32, #tpu.memory_space<vmem>>
      %dma_start3A_81 = tpu.memref_slice %arg18[%add3A_72] : memref<16384xi32, #tpu.memory_space<vmem_shared>> -> memref<128xi32, #tpu.memory_space<vmem_shared>>
      %dma_start3A_82 = arith.constant 128 : i32
      %dma_start3A_83 = tpu.memref_slice %arg12[%dma_start3A_82] : memref<2048xi32, #tpu.memory_space<vmem>> -> memref<128xi32, #tpu.memory_space<vmem>>
      %dma_start3A_84 = tpu.memref_slice %arg18[%add3A_72] : memref<16384xi32, #tpu.memory_space<vmem_shared>> -> memref<128xi32, #tpu.memory_space<vmem_shared>>
      tpu.enqueue_dma source(%dma_start3A_84 : memref<128xi32, #tpu.memory_space<vmem_shared>>) target(%dma_start3A_83 : memref<128xi32, #tpu.memory_space<vmem>>) target_semaphore(%arg19 : memref<!tpu.dma_semaphore, #tpu.memory_space<semaphore_mem>>)
      %mul3A_85 = arith.constant 128 : i32
      %mul3A_86 = arith.muli %arg1, %mul3A_85 : i32
      %add3A_87 = arith.constant 2048 : i32
      %add3A_88 = arith.addi %add3A_87, %mul3A_86 : i32
      %dma_start3A_89 = arith.constant 256 : i32
      %dma_start3A_90 = tpu.memref_slice %arg11[%dma_start3A_89] : memref<2048xf32, #tpu.memory_space<vmem>> -> memref<128xf32, #tpu.memory_space<vmem>>
      %dma_start3A_91 = tpu.memref_slice %arg17[%add3A_88] : memref<16384xf32, #tpu.memory_space<vmem_shared>> -> memref<128xf32, #tpu.memory_space<vmem_shared>>
      %dma_start3A_92 = arith.constant 256 : i32
      %dma_start3A_93 = tpu.memref_slice %arg11[%dma_start3A_92] : memref<2048xf32, #tpu.memory_space<vmem>> -> memref<128xf32, #tpu.memory_space<vmem>>
      %dma_start3A_94 = tpu.memref_slice %arg17[%add3A_88] : memref<16384xf32, #tpu.memory_space<vmem_shared>> -> memref<128xf32, #tpu.memory_space<vmem_shared>>
      tpu.enqueue_dma source(%dma_start3A_94 : memref<128xf32, #tpu.memory_space<vmem_shared>>) target(%dma_start3A_93 : memref<128xf32, #tpu.memory_space<vmem>>) target_semaphore(%arg19 : memref<!tpu.dma_semaphore, #tpu.memory_space<semaphore_mem>>)
      %dma_start3A_95 = arith.constant 256 : i32
      %dma_start3A_96 = tpu.memref_slice %arg12[%dma_start3A_95] : memref<2048xi32, #tpu.memory_space<vmem>> -> memref<128xi32, #tpu.memory_space<vmem>>
      %dma_start3A_97 = tpu.memref_slice %arg18[%add3A_88] : memref<16384xi32, #tpu.memory_space<vmem_shared>> -> memref<128xi32, #tpu.memory_space<vmem_shared>>
      %dma_start3A_98 = arith.constant 256 : i32
      %dma_start3A_99 = tpu.memref_slice %arg12[%dma_start3A_98] : memref<2048xi32, #tpu.memory_space<vmem>> -> memref<128xi32, #tpu.memory_space<vmem>>
      %dma_start3A_100 = tpu.memref_slice %arg18[%add3A_88] : memref<16384xi32, #tpu.memory_space<vmem_shared>> -> memref<128xi32, #tpu.memory_space<vmem_shared>>
      tpu.enqueue_dma source(%dma_start3A_100 : memref<128xi32, #tpu.memory_space<vmem_shared>>) target(%dma_start3A_99 : memref<128xi32, #tpu.memory_space<vmem>>) target_semaphore(%arg19 : memref<!tpu.dma_semaphore, #tpu.memory_space<semaphore_mem>>)
      %mul3A_101 = arith.constant 128 : i32
      %mul3A_102 = arith.muli %arg1, %mul3A_101 : i32
      %add3A_103 = arith.constant 3072 : i32
      %add3A_104 = arith.addi %add3A_103, %mul3A_102 : i32
      %dma_start3A_105 = arith.constant 384 : i32
      %dma_start3A_106 = tpu.memref_slice %arg11[%dma_start3A_105] : memref<2048xf32, #tpu.memory_space<vmem>> -> memref<128xf32, #tpu.memory_space<vmem>>
      %dma_start3A_107 = tpu.memref_slice %arg17[%add3A_104] : memref<16384xf32, #tpu.memory_space<vmem_shared>> -> memref<128xf32, #tpu.memory_space<vmem_shared>>
      %dma_start3A_108 = arith.constant 384 : i32
      %dma_start3A_109 = tpu.memref_slice %arg11[%dma_start3A_108] : memref<2048xf32, #tpu.memory_space<vmem>> -> memref<128xf32, #tpu.memory_space<vmem>>
      %dma_start3A_110 = tpu.memref_slice %arg17[%add3A_104] : memref<16384xf32, #tpu.memory_space<vmem_shared>> -> memref<128xf32, #tpu.memory_space<vmem_shared>>
      tpu.enqueue_dma source(%dma_start3A_110 : memref<128xf32, #tpu.memory_space<vmem_shared>>) target(%dma_start3A_109 : memref<128xf32, #tpu.memory_space<vmem>>) target_semaphore(%arg19 : memref<!tpu.dma_semaphore, #tpu.memory_space<semaphore_mem>>)
      %dma_start3A_111 = arith.constant 384 : i32
      %dma_start3A_112 = tpu.memref_slice %arg12[%dma_start3A_111] : memref<2048xi32, #tpu.memory_space<vmem>> -> memref<128xi32, #tpu.memory_space<vmem>>
      %dma_start3A_113 = tpu.memref_slice %arg18[%add3A_104] : memref<16384xi32, #tpu.memory_space<vmem_shared>> -> memref<128xi32, #tpu.memory_space<vmem_shared>>
      %dma_start3A_114 = arith.constant 384 : i32
      %dma_start3A_115 = tpu.memref_slice %arg12[%dma_start3A_114] : memref<2048xi32, #tpu.memory_space<vmem>> -> memref<128xi32, #tpu.memory_space<vmem>>
      %dma_start3A_116 = tpu.memref_slice %arg18[%add3A_104] : memref<16384xi32, #tpu.memory_space<vmem_shared>> -> memref<128xi32, #tpu.memory_space<vmem_shared>>
      tpu.enqueue_dma source(%dma_start3A_116 : memref<128xi32, #tpu.memory_space<vmem_shared>>) target(%dma_start3A_115 : memref<128xi32, #tpu.memory_space<vmem>>) target_semaphore(%arg19 : memref<!tpu.dma_semaphore, #tpu.memory_space<semaphore_mem>>)
      %mul3A_117 = arith.constant 128 : i32
      %mul3A_118 = arith.muli %arg1, %mul3A_117 : i32
      %add3A_119 = arith.constant 4096 : i32
      %add3A_120 = arith.addi %add3A_119, %mul3A_118 : i32
      %dma_start3A_121 = arith.constant 512 : i32
      %dma_start3A_122 = tpu.memref_slice %arg11[%dma_start3A_121] : memref<2048xf32, #tpu.memory_space<vmem>> -> memref<128xf32, #tpu.memory_space<vmem>>
      %dma_start3A_123 = tpu.memref_slice %arg17[%add3A_120] : memref<16384xf32, #tpu.memory_space<vmem_shared>> -> memref<128xf32, #tpu.memory_space<vmem_shared>>
      %dma_start3A_124 = arith.constant 512 : i32
      %dma_start3A_125 = tpu.memref_slice %arg11[%dma_start3A_124] : memref<2048xf32, #tpu.memory_space<vmem>> -> memref<128xf32, #tpu.memory_space<vmem>>
      %dma_start3A_126 = tpu.memref_slice %arg17[%add3A_120] : memref<16384xf32, #tpu.memory_space<vmem_shared>> -> memref<128xf32, #tpu.memory_space<vmem_shared>>
      tpu.enqueue_dma source(%dma_start3A_126 : memref<128xf32, #tpu.memory_space<vmem_shared>>) target(%dma_start3A_125 : memref<128xf32, #tpu.memory_space<vmem>>) target_semaphore(%arg19 : memref<!tpu.dma_semaphore, #tpu.memory_space<semaphore_mem>>)
      %dma_start3A_127 = arith.constant 512 : i32
      %dma_start3A_128 = tpu.memref_slice %arg12[%dma_start3A_127] : memref<2048xi32, #tpu.memory_space<vmem>> -> memref<128xi32, #tpu.memory_space<vmem>>
      %dma_start3A_129 = tpu.memref_slice %arg18[%add3A_120] : memref<16384xi32, #tpu.memory_space<vmem_shared>> -> memref<128xi32, #tpu.memory_space<vmem_shared>>
      %dma_start3A_130 = arith.constant 512 : i32
      %dma_start3A_131 = tpu.memref_slice %arg12[%dma_start3A_130] : memref<2048xi32, #tpu.memory_space<vmem>> -> memref<128xi32, #tpu.memory_space<vmem>>
      %dma_start3A_132 = tpu.memref_slice %arg18[%add3A_120] : memref<16384xi32, #tpu.memory_space<vmem_shared>> -> memref<128xi32, #tpu.memory_space<vmem_shared>>
      tpu.enqueue_dma source(%dma_start3A_132 : memref<128xi32, #tpu.memory_space<vmem_shared>>) target(%dma_start3A_131 : memref<128xi32, #tpu.memory_space<vmem>>) target_semaphore(%arg19 : memref<!tpu.dma_semaphore, #tpu.memory_space<semaphore_mem>>)
      %mul3A_133 = arith.constant 128 : i32
      %mul3A_134 = arith.muli %arg1, %mul3A_133 : i32
      %add3A_135 = arith.constant 5120 : i32
      %add3A_136 = arith.addi %add3A_135, %mul3A_134 : i32
      %dma_start3A_137 = arith.constant 640 : i32
      %dma_start3A_138 = tpu.memref_slice %arg11[%dma_start3A_137] : memref<2048xf32, #tpu.memory_space<vmem>> -> memref<128xf32, #tpu.memory_space<vmem>>
      %dma_start3A_139 = tpu.memref_slice %arg17[%add3A_136] : memref<16384xf32, #tpu.memory_space<vmem_shared>> -> memref<128xf32, #tpu.memory_space<vmem_shared>>
      %dma_start3A_140 = arith.constant 640 : i32
      %dma_start3A_141 = tpu.memref_slice %arg11[%dma_start3A_140] : memref<2048xf32, #tpu.memory_space<vmem>> -> memref<128xf32, #tpu.memory_space<vmem>>
      %dma_start3A_142 = tpu.memref_slice %arg17[%add3A_136] : memref<16384xf32, #tpu.memory_space<vmem_shared>> -> memref<128xf32, #tpu.memory_space<vmem_shared>>
      tpu.enqueue_dma source(%dma_start3A_142 : memref<128xf32, #tpu.memory_space<vmem_shared>>) target(%dma_start3A_141 : memref<128xf32, #tpu.memory_space<vmem>>) target_semaphore(%arg19 : memref<!tpu.dma_semaphore, #tpu.memory_space<semaphore_mem>>)
      %dma_start3A_143 = arith.constant 640 : i32
      %dma_start3A_144 = tpu.memref_slice %arg12[%dma_start3A_143] : memref<2048xi32, #tpu.memory_space<vmem>> -> memref<128xi32, #tpu.memory_space<vmem>>
      %dma_start3A_145 = tpu.memref_slice %arg18[%add3A_136] : memref<16384xi32, #tpu.memory_space<vmem_shared>> -> memref<128xi32, #tpu.memory_space<vmem_shared>>
      %dma_start3A_146 = arith.constant 640 : i32
      %dma_start3A_147 = tpu.memref_slice %arg12[%dma_start3A_146] : memref<2048xi32, #tpu.memory_space<vmem>> -> memref<128xi32, #tpu.memory_space<vmem>>
      %dma_start3A_148 = tpu.memref_slice %arg18[%add3A_136] : memref<16384xi32, #tpu.memory_space<vmem_shared>> -> memref<128xi32, #tpu.memory_space<vmem_shared>>
      tpu.enqueue_dma source(%dma_start3A_148 : memref<128xi32, #tpu.memory_space<vmem_shared>>) target(%dma_start3A_147 : memref<128xi32, #tpu.memory_space<vmem>>) target_semaphore(%arg19 : memref<!tpu.dma_semaphore, #tpu.memory_space<semaphore_mem>>)
      %mul3A_149 = arith.constant 128 : i32
      %mul3A_150 = arith.muli %arg1, %mul3A_149 : i32
      %add3A_151 = arith.constant 6144 : i32
      %add3A_152 = arith.addi %add3A_151, %mul3A_150 : i32
      %dma_start3A_153 = arith.constant 768 : i32
      %dma_start3A_154 = tpu.memref_slice %arg11[%dma_start3A_153] : memref<2048xf32, #tpu.memory_space<vmem>> -> memref<128xf32, #tpu.memory_space<vmem>>
      %dma_start3A_155 = tpu.memref_slice %arg17[%add3A_152] : memref<16384xf32, #tpu.memory_space<vmem_shared>> -> memref<128xf32, #tpu.memory_space<vmem_shared>>
      %dma_start3A_156 = arith.constant 768 : i32
      %dma_start3A_157 = tpu.memref_slice %arg11[%dma_start3A_156] : memref<2048xf32, #tpu.memory_space<vmem>> -> memref<128xf32, #tpu.memory_space<vmem>>
      %dma_start3A_158 = tpu.memref_slice %arg17[%add3A_152] : memref<16384xf32, #tpu.memory_space<vmem_shared>> -> memref<128xf32, #tpu.memory_space<vmem_shared>>
      tpu.enqueue_dma source(%dma_start3A_158 : memref<128xf32, #tpu.memory_space<vmem_shared>>) target(%dma_start3A_157 : memref<128xf32, #tpu.memory_space<vmem>>) target_semaphore(%arg19 : memref<!tpu.dma_semaphore, #tpu.memory_space<semaphore_mem>>)
      %dma_start3A_159 = arith.constant 768 : i32
      %dma_start3A_160 = tpu.memref_slice %arg12[%dma_start3A_159] : memref<2048xi32, #tpu.memory_space<vmem>> -> memref<128xi32, #tpu.memory_space<vmem>>
      %dma_start3A_161 = tpu.memref_slice %arg18[%add3A_152] : memref<16384xi32, #tpu.memory_space<vmem_shared>> -> memref<128xi32, #tpu.memory_space<vmem_shared>>
      %dma_start3A_162 = arith.constant 768 : i32
      %dma_start3A_163 = tpu.memref_slice %arg12[%dma_start3A_162] : memref<2048xi32, #tpu.memory_space<vmem>> -> memref<128xi32, #tpu.memory_space<vmem>>
      %dma_start3A_164 = tpu.memref_slice %arg18[%add3A_152] : memref<16384xi32, #tpu.memory_space<vmem_shared>> -> memref<128xi32, #tpu.memory_space<vmem_shared>>
      tpu.enqueue_dma source(%dma_start3A_164 : memref<128xi32, #tpu.memory_space<vmem_shared>>) target(%dma_start3A_163 : memref<128xi32, #tpu.memory_space<vmem>>) target_semaphore(%arg19 : memref<!tpu.dma_semaphore, #tpu.memory_space<semaphore_mem>>)
      %mul3A_165 = arith.constant 128 : i32
      %mul3A_166 = arith.muli %arg1, %mul3A_165 : i32
      %add3A_167 = arith.constant 7168 : i32
      %add3A_168 = arith.addi %add3A_167, %mul3A_166 : i32
      %dma_start3A_169 = arith.constant 896 : i32
      %dma_start3A_170 = tpu.memref_slice %arg11[%dma_start3A_169] : memref<2048xf32, #tpu.memory_space<vmem>> -> memref<128xf32, #tpu.memory_space<vmem>>
      %dma_start3A_171 = tpu.memref_slice %arg17[%add3A_168] : memref<16384xf32, #tpu.memory_space<vmem_shared>> -> memref<128xf32, #tpu.memory_space<vmem_shared>>
      %dma_start3A_172 = arith.constant 896 : i32
      %dma_start3A_173 = tpu.memref_slice %arg11[%dma_start3A_172] : memref<2048xf32, #tpu.memory_space<vmem>> -> memref<128xf32, #tpu.memory_space<vmem>>
      %dma_start3A_174 = tpu.memref_slice %arg17[%add3A_168] : memref<16384xf32, #tpu.memory_space<vmem_shared>> -> memref<128xf32, #tpu.memory_space<vmem_shared>>
      tpu.enqueue_dma source(%dma_start3A_174 : memref<128xf32, #tpu.memory_space<vmem_shared>>) target(%dma_start3A_173 : memref<128xf32, #tpu.memory_space<vmem>>) target_semaphore(%arg19 : memref<!tpu.dma_semaphore, #tpu.memory_space<semaphore_mem>>)
      %dma_start3A_175 = arith.constant 896 : i32
      %dma_start3A_176 = tpu.memref_slice %arg12[%dma_start3A_175] : memref<2048xi32, #tpu.memory_space<vmem>> -> memref<128xi32, #tpu.memory_space<vmem>>
      %dma_start3A_177 = tpu.memref_slice %arg18[%add3A_168] : memref<16384xi32, #tpu.memory_space<vmem_shared>> -> memref<128xi32, #tpu.memory_space<vmem_shared>>
      %dma_start3A_178 = arith.constant 896 : i32
      %dma_start3A_179 = tpu.memref_slice %arg12[%dma_start3A_178] : memref<2048xi32, #tpu.memory_space<vmem>> -> memref<128xi32, #tpu.memory_space<vmem>>
      %dma_start3A_180 = tpu.memref_slice %arg18[%add3A_168] : memref<16384xi32, #tpu.memory_space<vmem_shared>> -> memref<128xi32, #tpu.memory_space<vmem_shared>>
      tpu.enqueue_dma source(%dma_start3A_180 : memref<128xi32, #tpu.memory_space<vmem_shared>>) target(%dma_start3A_179 : memref<128xi32, #tpu.memory_space<vmem>>) target_semaphore(%arg19 : memref<!tpu.dma_semaphore, #tpu.memory_space<semaphore_mem>>)
      %mul3A_181 = arith.constant 128 : i32
      %mul3A_182 = arith.muli %arg1, %mul3A_181 : i32
      %add3A_183 = arith.constant 8192 : i32
      %add3A_184 = arith.addi %add3A_183, %mul3A_182 : i32
      %dma_start3A_185 = arith.constant 1024 : i32
      %dma_start3A_186 = tpu.memref_slice %arg11[%dma_start3A_185] : memref<2048xf32, #tpu.memory_space<vmem>> -> memref<128xf32, #tpu.memory_space<vmem>>
      %dma_start3A_187 = tpu.memref_slice %arg17[%add3A_184] : memref<16384xf32, #tpu.memory_space<vmem_shared>> -> memref<128xf32, #tpu.memory_space<vmem_shared>>
      %dma_start3A_188 = arith.constant 1024 : i32
      %dma_start3A_189 = tpu.memref_slice %arg11[%dma_start3A_188] : memref<2048xf32, #tpu.memory_space<vmem>> -> memref<128xf32, #tpu.memory_space<vmem>>
      %dma_start3A_190 = tpu.memref_slice %arg17[%add3A_184] : memref<16384xf32, #tpu.memory_space<vmem_shared>> -> memref<128xf32, #tpu.memory_space<vmem_shared>>
      tpu.enqueue_dma source(%dma_start3A_190 : memref<128xf32, #tpu.memory_space<vmem_shared>>) target(%dma_start3A_189 : memref<128xf32, #tpu.memory_space<vmem>>) target_semaphore(%arg19 : memref<!tpu.dma_semaphore, #tpu.memory_space<semaphore_mem>>)
      %dma_start3A_191 = arith.constant 1024 : i32
      %dma_start3A_192 = tpu.memref_slice %arg12[%dma_start3A_191] : memref<2048xi32, #tpu.memory_space<vmem>> -> memref<128xi32, #tpu.memory_space<vmem>>
      %dma_start3A_193 = tpu.memref_slice %arg18[%add3A_184] : memref<16384xi32, #tpu.memory_space<vmem_shared>> -> memref<128xi32, #tpu.memory_space<vmem_shared>>
      %dma_start3A_194 = arith.constant 1024 : i32
      %dma_start3A_195 = tpu.memref_slice %arg12[%dma_start3A_194] : memref<2048xi32, #tpu.memory_space<vmem>> -> memref<128xi32, #tpu.memory_space<vmem>>
      %dma_start3A_196 = tpu.memref_slice %arg18[%add3A_184] : memref<16384xi32, #tpu.memory_space<vmem_shared>> -> memref<128xi32, #tpu.memory_space<vmem_shared>>
      tpu.enqueue_dma source(%dma_start3A_196 : memref<128xi32, #tpu.memory_space<vmem_shared>>) target(%dma_start3A_195 : memref<128xi32, #tpu.memory_space<vmem>>) target_semaphore(%arg19 : memref<!tpu.dma_semaphore, #tpu.memory_space<semaphore_mem>>)
      %mul3A_197 = arith.constant 128 : i32
      %mul3A_198 = arith.muli %arg1, %mul3A_197 : i32
      %add3A_199 = arith.constant 9216 : i32
      %add3A_200 = arith.addi %add3A_199, %mul3A_198 : i32
      %dma_start3A_201 = arith.constant 1152 : i32
      %dma_start3A_202 = tpu.memref_slice %arg11[%dma_start3A_201] : memref<2048xf32, #tpu.memory_space<vmem>> -> memref<128xf32, #tpu.memory_space<vmem>>
      %dma_start3A_203 = tpu.memref_slice %arg17[%add3A_200] : memref<16384xf32, #tpu.memory_space<vmem_shared>> -> memref<128xf32, #tpu.memory_space<vmem_shared>>
      %dma_start3A_204 = arith.constant 1152 : i32
      %dma_start3A_205 = tpu.memref_slice %arg11[%dma_start3A_204] : memref<2048xf32, #tpu.memory_space<vmem>> -> memref<128xf32, #tpu.memory_space<vmem>>
      %dma_start3A_206 = tpu.memref_slice %arg17[%add3A_200] : memref<16384xf32, #tpu.memory_space<vmem_shared>> -> memref<128xf32, #tpu.memory_space<vmem_shared>>
      tpu.enqueue_dma source(%dma_start3A_206 : memref<128xf32, #tpu.memory_space<vmem_shared>>) target(%dma_start3A_205 : memref<128xf32, #tpu.memory_space<vmem>>) target_semaphore(%arg19 : memref<!tpu.dma_semaphore, #tpu.memory_space<semaphore_mem>>)
      %dma_start3A_207 = arith.constant 1152 : i32
      %dma_start3A_208 = tpu.memref_slice %arg12[%dma_start3A_207] : memref<2048xi32, #tpu.memory_space<vmem>> -> memref<128xi32, #tpu.memory_space<vmem>>
      %dma_start3A_209 = tpu.memref_slice %arg18[%add3A_200] : memref<16384xi32, #tpu.memory_space<vmem_shared>> -> memref<128xi32, #tpu.memory_space<vmem_shared>>
      %dma_start3A_210 = arith.constant 1152 : i32
      %dma_start3A_211 = tpu.memref_slice %arg12[%dma_start3A_210] : memref<2048xi32, #tpu.memory_space<vmem>> -> memref<128xi32, #tpu.memory_space<vmem>>
      %dma_start3A_212 = tpu.memref_slice %arg18[%add3A_200] : memref<16384xi32, #tpu.memory_space<vmem_shared>> -> memref<128xi32, #tpu.memory_space<vmem_shared>>
      tpu.enqueue_dma source(%dma_start3A_212 : memref<128xi32, #tpu.memory_space<vmem_shared>>) target(%dma_start3A_211 : memref<128xi32, #tpu.memory_space<vmem>>) target_semaphore(%arg19 : memref<!tpu.dma_semaphore, #tpu.memory_space<semaphore_mem>>)
      %mul3A_213 = arith.constant 128 : i32
      %mul3A_214 = arith.muli %arg1, %mul3A_213 : i32
      %add3A_215 = arith.constant 10240 : i32
      %add3A_216 = arith.addi %add3A_215, %mul3A_214 : i32
      %dma_start3A_217 = arith.constant 1280 : i32
      %dma_start3A_218 = tpu.memref_slice %arg11[%dma_start3A_217] : memref<2048xf32, #tpu.memory_space<vmem>> -> memref<128xf32, #tpu.memory_space<vmem>>
      %dma_start3A_219 = tpu.memref_slice %arg17[%add3A_216] : memref<16384xf32, #tpu.memory_space<vmem_shared>> -> memref<128xf32, #tpu.memory_space<vmem_shared>>
      %dma_start3A_220 = arith.constant 1280 : i32
      %dma_start3A_221 = tpu.memref_slice %arg11[%dma_start3A_220] : memref<2048xf32, #tpu.memory_space<vmem>> -> memref<128xf32, #tpu.memory_space<vmem>>
      %dma_start3A_222 = tpu.memref_slice %arg17[%add3A_216] : memref<16384xf32, #tpu.memory_space<vmem_shared>> -> memref<128xf32, #tpu.memory_space<vmem_shared>>
      tpu.enqueue_dma source(%dma_start3A_222 : memref<128xf32, #tpu.memory_space<vmem_shared>>) target(%dma_start3A_221 : memref<128xf32, #tpu.memory_space<vmem>>) target_semaphore(%arg19 : memref<!tpu.dma_semaphore, #tpu.memory_space<semaphore_mem>>)
      %dma_start3A_223 = arith.constant 1280 : i32
      %dma_start3A_224 = tpu.memref_slice %arg12[%dma_start3A_223] : memref<2048xi32, #tpu.memory_space<vmem>> -> memref<128xi32, #tpu.memory_space<vmem>>
      %dma_start3A_225 = tpu.memref_slice %arg18[%add3A_216] : memref<16384xi32, #tpu.memory_space<vmem_shared>> -> memref<128xi32, #tpu.memory_space<vmem_shared>>
      %dma_start3A_226 = arith.constant 1280 : i32
      %dma_start3A_227 = tpu.memref_slice %arg12[%dma_start3A_226] : memref<2048xi32, #tpu.memory_space<vmem>> -> memref<128xi32, #tpu.memory_space<vmem>>
      %dma_start3A_228 = tpu.memref_slice %arg18[%add3A_216] : memref<16384xi32, #tpu.memory_space<vmem_shared>> -> memref<128xi32, #tpu.memory_space<vmem_shared>>
      tpu.enqueue_dma source(%dma_start3A_228 : memref<128xi32, #tpu.memory_space<vmem_shared>>) target(%dma_start3A_227 : memref<128xi32, #tpu.memory_space<vmem>>) target_semaphore(%arg19 : memref<!tpu.dma_semaphore, #tpu.memory_space<semaphore_mem>>)
      %mul3A_229 = arith.constant 128 : i32
      %mul3A_230 = arith.muli %arg1, %mul3A_229 : i32
      %add3A_231 = arith.constant 11264 : i32
      %add3A_232 = arith.addi %add3A_231, %mul3A_230 : i32
      %dma_start3A_233 = arith.constant 1408 : i32
      %dma_start3A_234 = tpu.memref_slice %arg11[%dma_start3A_233] : memref<2048xf32, #tpu.memory_space<vmem>> -> memref<128xf32, #tpu.memory_space<vmem>>
      %dma_start3A_235 = tpu.memref_slice %arg17[%add3A_232] : memref<16384xf32, #tpu.memory_space<vmem_shared>> -> memref<128xf32, #tpu.memory_space<vmem_shared>>
      %dma_start3A_236 = arith.constant 1408 : i32
      %dma_start3A_237 = tpu.memref_slice %arg11[%dma_start3A_236] : memref<2048xf32, #tpu.memory_space<vmem>> -> memref<128xf32, #tpu.memory_space<vmem>>
      %dma_start3A_238 = tpu.memref_slice %arg17[%add3A_232] : memref<16384xf32, #tpu.memory_space<vmem_shared>> -> memref<128xf32, #tpu.memory_space<vmem_shared>>
      tpu.enqueue_dma source(%dma_start3A_238 : memref<128xf32, #tpu.memory_space<vmem_shared>>) target(%dma_start3A_237 : memref<128xf32, #tpu.memory_space<vmem>>) target_semaphore(%arg19 : memref<!tpu.dma_semaphore, #tpu.memory_space<semaphore_mem>>)
      %dma_start3A_239 = arith.constant 1408 : i32
      %dma_start3A_240 = tpu.memref_slice %arg12[%dma_start3A_239] : memref<2048xi32, #tpu.memory_space<vmem>> -> memref<128xi32, #tpu.memory_space<vmem>>
      %dma_start3A_241 = tpu.memref_slice %arg18[%add3A_232] : memref<16384xi32, #tpu.memory_space<vmem_shared>> -> memref<128xi32, #tpu.memory_space<vmem_shared>>
      %dma_start3A_242 = arith.constant 1408 : i32
      %dma_start3A_243 = tpu.memref_slice %arg12[%dma_start3A_242] : memref<2048xi32, #tpu.memory_space<vmem>> -> memref<128xi32, #tpu.memory_space<vmem>>
      %dma_start3A_244 = tpu.memref_slice %arg18[%add3A_232] : memref<16384xi32, #tpu.memory_space<vmem_shared>> -> memref<128xi32, #tpu.memory_space<vmem_shared>>
      tpu.enqueue_dma source(%dma_start3A_244 : memref<128xi32, #tpu.memory_space<vmem_shared>>) target(%dma_start3A_243 : memref<128xi32, #tpu.memory_space<vmem>>) target_semaphore(%arg19 : memref<!tpu.dma_semaphore, #tpu.memory_space<semaphore_mem>>)
      %mul3A_245 = arith.constant 128 : i32
      %mul3A_246 = arith.muli %arg1, %mul3A_245 : i32
      %add3A_247 = arith.constant 12288 : i32
      %add3A_248 = arith.addi %add3A_247, %mul3A_246 : i32
      %dma_start3A_249 = arith.constant 1536 : i32
      %dma_start3A_250 = tpu.memref_slice %arg11[%dma_start3A_249] : memref<2048xf32, #tpu.memory_space<vmem>> -> memref<128xf32, #tpu.memory_space<vmem>>
      %dma_start3A_251 = tpu.memref_slice %arg17[%add3A_248] : memref<16384xf32, #tpu.memory_space<vmem_shared>> -> memref<128xf32, #tpu.memory_space<vmem_shared>>
      %dma_start3A_252 = arith.constant 1536 : i32
      %dma_start3A_253 = tpu.memref_slice %arg11[%dma_start3A_252] : memref<2048xf32, #tpu.memory_space<vmem>> -> memref<128xf32, #tpu.memory_space<vmem>>
      %dma_start3A_254 = tpu.memref_slice %arg17[%add3A_248] : memref<16384xf32, #tpu.memory_space<vmem_shared>> -> memref<128xf32, #tpu.memory_space<vmem_shared>>
      tpu.enqueue_dma source(%dma_start3A_254 : memref<128xf32, #tpu.memory_space<vmem_shared>>) target(%dma_start3A_253 : memref<128xf32, #tpu.memory_space<vmem>>) target_semaphore(%arg19 : memref<!tpu.dma_semaphore, #tpu.memory_space<semaphore_mem>>)
      %dma_start3A_255 = arith.constant 1536 : i32
      %dma_start3A_256 = tpu.memref_slice %arg12[%dma_start3A_255] : memref<2048xi32, #tpu.memory_space<vmem>> -> memref<128xi32, #tpu.memory_space<vmem>>
      %dma_start3A_257 = tpu.memref_slice %arg18[%add3A_248] : memref<16384xi32, #tpu.memory_space<vmem_shared>> -> memref<128xi32, #tpu.memory_space<vmem_shared>>
      %dma_start3A_258 = arith.constant 1536 : i32
      %dma_start3A_259 = tpu.memref_slice %arg12[%dma_start3A_258] : memref<2048xi32, #tpu.memory_space<vmem>> -> memref<128xi32, #tpu.memory_space<vmem>>
      %dma_start3A_260 = tpu.memref_slice %arg18[%add3A_248] : memref<16384xi32, #tpu.memory_space<vmem_shared>> -> memref<128xi32, #tpu.memory_space<vmem_shared>>
      tpu.enqueue_dma source(%dma_start3A_260 : memref<128xi32, #tpu.memory_space<vmem_shared>>) target(%dma_start3A_259 : memref<128xi32, #tpu.memory_space<vmem>>) target_semaphore(%arg19 : memref<!tpu.dma_semaphore, #tpu.memory_space<semaphore_mem>>)
      %mul3A_261 = arith.constant 128 : i32
      %mul3A_262 = arith.muli %arg1, %mul3A_261 : i32
      %add3A_263 = arith.constant 13312 : i32
      %add3A_264 = arith.addi %add3A_263, %mul3A_262 : i32
      %dma_start3A_265 = arith.constant 1664 : i32
      %dma_start3A_266 = tpu.memref_slice %arg11[%dma_start3A_265] : memref<2048xf32, #tpu.memory_space<vmem>> -> memref<128xf32, #tpu.memory_space<vmem>>
      %dma_start3A_267 = tpu.memref_slice %arg17[%add3A_264] : memref<16384xf32, #tpu.memory_space<vmem_shared>> -> memref<128xf32, #tpu.memory_space<vmem_shared>>
      %dma_start3A_268 = arith.constant 1664 : i32
      %dma_start3A_269 = tpu.memref_slice %arg11[%dma_start3A_268] : memref<2048xf32, #tpu.memory_space<vmem>> -> memref<128xf32, #tpu.memory_space<vmem>>
      %dma_start3A_270 = tpu.memref_slice %arg17[%add3A_264] : memref<16384xf32, #tpu.memory_space<vmem_shared>> -> memref<128xf32, #tpu.memory_space<vmem_shared>>
      tpu.enqueue_dma source(%dma_start3A_270 : memref<128xf32, #tpu.memory_space<vmem_shared>>) target(%dma_start3A_269 : memref<128xf32, #tpu.memory_space<vmem>>) target_semaphore(%arg19 : memref<!tpu.dma_semaphore, #tpu.memory_space<semaphore_mem>>)
      %dma_start3A_271 = arith.constant 1664 : i32
      %dma_start3A_272 = tpu.memref_slice %arg12[%dma_start3A_271] : memref<2048xi32, #tpu.memory_space<vmem>> -> memref<128xi32, #tpu.memory_space<vmem>>
      %dma_start3A_273 = tpu.memref_slice %arg18[%add3A_264] : memref<16384xi32, #tpu.memory_space<vmem_shared>> -> memref<128xi32, #tpu.memory_space<vmem_shared>>
      %dma_start3A_274 = arith.constant 1664 : i32
      %dma_start3A_275 = tpu.memref_slice %arg12[%dma_start3A_274] : memref<2048xi32, #tpu.memory_space<vmem>> -> memref<128xi32, #tpu.memory_space<vmem>>
      %dma_start3A_276 = tpu.memref_slice %arg18[%add3A_264] : memref<16384xi32, #tpu.memory_space<vmem_shared>> -> memref<128xi32, #tpu.memory_space<vmem_shared>>
      tpu.enqueue_dma source(%dma_start3A_276 : memref<128xi32, #tpu.memory_space<vmem_shared>>) target(%dma_start3A_275 : memref<128xi32, #tpu.memory_space<vmem>>) target_semaphore(%arg19 : memref<!tpu.dma_semaphore, #tpu.memory_space<semaphore_mem>>)
      %mul3A_277 = arith.constant 128 : i32
      %mul3A_278 = arith.muli %arg1, %mul3A_277 : i32
      %add3A_279 = arith.constant 14336 : i32
      %add3A_280 = arith.addi %add3A_279, %mul3A_278 : i32
      %dma_start3A_281 = arith.constant 1792 : i32
      %dma_start3A_282 = tpu.memref_slice %arg11[%dma_start3A_281] : memref<2048xf32, #tpu.memory_space<vmem>> -> memref<128xf32, #tpu.memory_space<vmem>>
      %dma_start3A_283 = tpu.memref_slice %arg17[%add3A_280] : memref<16384xf32, #tpu.memory_space<vmem_shared>> -> memref<128xf32, #tpu.memory_space<vmem_shared>>
      %dma_start3A_284 = arith.constant 1792 : i32
      %dma_start3A_285 = tpu.memref_slice %arg11[%dma_start3A_284] : memref<2048xf32, #tpu.memory_space<vmem>> -> memref<128xf32, #tpu.memory_space<vmem>>
      %dma_start3A_286 = tpu.memref_slice %arg17[%add3A_280] : memref<16384xf32, #tpu.memory_space<vmem_shared>> -> memref<128xf32, #tpu.memory_space<vmem_shared>>
      tpu.enqueue_dma source(%dma_start3A_286 : memref<128xf32, #tpu.memory_space<vmem_shared>>) target(%dma_start3A_285 : memref<128xf32, #tpu.memory_space<vmem>>) target_semaphore(%arg19 : memref<!tpu.dma_semaphore, #tpu.memory_space<semaphore_mem>>)
      %dma_start3A_287 = arith.constant 1792 : i32
      %dma_start3A_288 = tpu.memref_slice %arg12[%dma_start3A_287] : memref<2048xi32, #tpu.memory_space<vmem>> -> memref<128xi32, #tpu.memory_space<vmem>>
      %dma_start3A_289 = tpu.memref_slice %arg18[%add3A_280] : memref<16384xi32, #tpu.memory_space<vmem_shared>> -> memref<128xi32, #tpu.memory_space<vmem_shared>>
      %dma_start3A_290 = arith.constant 1792 : i32
      %dma_start3A_291 = tpu.memref_slice %arg12[%dma_start3A_290] : memref<2048xi32, #tpu.memory_space<vmem>> -> memref<128xi32, #tpu.memory_space<vmem>>
      %dma_start3A_292 = tpu.memref_slice %arg18[%add3A_280] : memref<16384xi32, #tpu.memory_space<vmem_shared>> -> memref<128xi32, #tpu.memory_space<vmem_shared>>
      tpu.enqueue_dma source(%dma_start3A_292 : memref<128xi32, #tpu.memory_space<vmem_shared>>) target(%dma_start3A_291 : memref<128xi32, #tpu.memory_space<vmem>>) target_semaphore(%arg19 : memref<!tpu.dma_semaphore, #tpu.memory_space<semaphore_mem>>)
      %mul3A_293 = arith.constant 128 : i32
      %mul3A_294 = arith.muli %arg1, %mul3A_293 : i32
      %add3A_295 = arith.constant 15360 : i32
      %add3A_296 = arith.addi %add3A_295, %mul3A_294 : i32
      %dma_start3A_297 = arith.constant 1920 : i32
      %dma_start3A_298 = tpu.memref_slice %arg11[%dma_start3A_297] : memref<2048xf32, #tpu.memory_space<vmem>> -> memref<128xf32, #tpu.memory_space<vmem>>
      %dma_start3A_299 = tpu.memref_slice %arg17[%add3A_296] : memref<16384xf32, #tpu.memory_space<vmem_shared>> -> memref<128xf32, #tpu.memory_space<vmem_shared>>
      %dma_start3A_300 = arith.constant 1920 : i32
      %dma_start3A_301 = tpu.memref_slice %arg11[%dma_start3A_300] : memref<2048xf32, #tpu.memory_space<vmem>> -> memref<128xf32, #tpu.memory_space<vmem>>
      %dma_start3A_302 = tpu.memref_slice %arg17[%add3A_296] : memref<16384xf32, #tpu.memory_space<vmem_shared>> -> memref<128xf32, #tpu.memory_space<vmem_shared>>
      tpu.enqueue_dma source(%dma_start3A_302 : memref<128xf32, #tpu.memory_space<vmem_shared>>) target(%dma_start3A_301 : memref<128xf32, #tpu.memory_space<vmem>>) target_semaphore(%arg19 : memref<!tpu.dma_semaphore, #tpu.memory_space<semaphore_mem>>)
      %dma_start3A_303 = arith.constant 1920 : i32
      %dma_start3A_304 = tpu.memref_slice %arg12[%dma_start3A_303] : memref<2048xi32, #tpu.memory_space<vmem>> -> memref<128xi32, #tpu.memory_space<vmem>>
      %dma_start3A_305 = tpu.memref_slice %arg18[%add3A_296] : memref<16384xi32, #tpu.memory_space<vmem_shared>> -> memref<128xi32, #tpu.memory_space<vmem_shared>>
      %dma_start3A_306 = arith.constant 1920 : i32
      %dma_start3A_307 = tpu.memref_slice %arg12[%dma_start3A_306] : memref<2048xi32, #tpu.memory_space<vmem>> -> memref<128xi32, #tpu.memory_space<vmem>>
      %dma_start3A_308 = tpu.memref_slice %arg18[%add3A_296] : memref<16384xi32, #tpu.memory_space<vmem_shared>> -> memref<128xi32, #tpu.memory_space<vmem_shared>>
      tpu.enqueue_dma source(%dma_start3A_308 : memref<128xi32, #tpu.memory_space<vmem_shared>>) target(%dma_start3A_307 : memref<128xi32, #tpu.memory_space<vmem>>) target_semaphore(%arg19 : memref<!tpu.dma_semaphore, #tpu.memory_space<semaphore_mem>>)
      %dma_wait3A_309 = arith.constant 0 : i32
      %dma_wait3A_310 = tpu.memref_slice %arg11[%dma_wait3A_309] : memref<2048xf32, #tpu.memory_space<vmem>> -> memref<128xf32, #tpu.memory_space<vmem>>
      %dma_wait3A_311 = tpu.memref_slice %arg17[%add3A_56] : memref<16384xf32, #tpu.memory_space<vmem_shared>> -> memref<128xf32, #tpu.memory_space<vmem_shared>>
      %dma_wait3A_312 = arith.constant 0 : i32
      %dma_wait3A_313 = tpu.memref_slice %arg11[%dma_wait3A_312] : memref<2048xf32, #tpu.memory_space<vmem>> -> memref<128xf32, #tpu.memory_space<vmem>>
      %dma_wait3A_314 = tpu.memref_slice %arg17[%add3A_56] : memref<16384xf32, #tpu.memory_space<vmem_shared>> -> memref<128xf32, #tpu.memory_space<vmem_shared>>
      tpu.wait_dma2 semaphore(%arg19 : memref<!tpu.dma_semaphore, #tpu.memory_space<semaphore_mem>>) src(%dma_wait3A_314 : memref<128xf32, #tpu.memory_space<vmem_shared>>) dst(%dma_wait3A_313 : memref<128xf32, #tpu.memory_space<vmem>>)
      %dma_wait3A_315 = arith.constant 0 : i32
      %dma_wait3A_316 = tpu.memref_slice %arg12[%dma_wait3A_315] : memref<2048xi32, #tpu.memory_space<vmem>> -> memref<128xi32, #tpu.memory_space<vmem>>
      %dma_wait3A_317 = tpu.memref_slice %arg18[%add3A_56] : memref<16384xi32, #tpu.memory_space<vmem_shared>> -> memref<128xi32, #tpu.memory_space<vmem_shared>>
      %dma_wait3A_318 = arith.constant 0 : i32
      %dma_wait3A_319 = tpu.memref_slice %arg12[%dma_wait3A_318] : memref<2048xi32, #tpu.memory_space<vmem>> -> memref<128xi32, #tpu.memory_space<vmem>>
      %dma_wait3A_320 = tpu.memref_slice %arg18[%add3A_56] : memref<16384xi32, #tpu.memory_space<vmem_shared>> -> memref<128xi32, #tpu.memory_space<vmem_shared>>
      tpu.wait_dma2 semaphore(%arg19 : memref<!tpu.dma_semaphore, #tpu.memory_space<semaphore_mem>>) src(%dma_wait3A_320 : memref<128xi32, #tpu.memory_space<vmem_shared>>) dst(%dma_wait3A_319 : memref<128xi32, #tpu.memory_space<vmem>>)
      %dma_wait3A_321 = arith.constant 128 : i32
      %dma_wait3A_322 = tpu.memref_slice %arg11[%dma_wait3A_321] : memref<2048xf32, #tpu.memory_space<vmem>> -> memref<128xf32, #tpu.memory_space<vmem>>
      %dma_wait3A_323 = tpu.memref_slice %arg17[%add3A_72] : memref<16384xf32, #tpu.memory_space<vmem_shared>> -> memref<128xf32, #tpu.memory_space<vmem_shared>>
      %dma_wait3A_324 = arith.constant 128 : i32
      %dma_wait3A_325 = tpu.memref_slice %arg11[%dma_wait3A_324] : memref<2048xf32, #tpu.memory_space<vmem>> -> memref<128xf32, #tpu.memory_space<vmem>>
      %dma_wait3A_326 = tpu.memref_slice %arg17[%add3A_72] : memref<16384xf32, #tpu.memory_space<vmem_shared>> -> memref<128xf32, #tpu.memory_space<vmem_shared>>
      tpu.wait_dma2 semaphore(%arg19 : memref<!tpu.dma_semaphore, #tpu.memory_space<semaphore_mem>>) src(%dma_wait3A_326 : memref<128xf32, #tpu.memory_space<vmem_shared>>) dst(%dma_wait3A_325 : memref<128xf32, #tpu.memory_space<vmem>>)
      %dma_wait3A_327 = arith.constant 128 : i32
      %dma_wait3A_328 = tpu.memref_slice %arg12[%dma_wait3A_327] : memref<2048xi32, #tpu.memory_space<vmem>> -> memref<128xi32, #tpu.memory_space<vmem>>
      %dma_wait3A_329 = tpu.memref_slice %arg18[%add3A_72] : memref<16384xi32, #tpu.memory_space<vmem_shared>> -> memref<128xi32, #tpu.memory_space<vmem_shared>>
      %dma_wait3A_330 = arith.constant 128 : i32
      %dma_wait3A_331 = tpu.memref_slice %arg12[%dma_wait3A_330] : memref<2048xi32, #tpu.memory_space<vmem>> -> memref<128xi32, #tpu.memory_space<vmem>>
      %dma_wait3A_332 = tpu.memref_slice %arg18[%add3A_72] : memref<16384xi32, #tpu.memory_space<vmem_shared>> -> memref<128xi32, #tpu.memory_space<vmem_shared>>
      tpu.wait_dma2 semaphore(%arg19 : memref<!tpu.dma_semaphore, #tpu.memory_space<semaphore_mem>>) src(%dma_wait3A_332 : memref<128xi32, #tpu.memory_space<vmem_shared>>) dst(%dma_wait3A_331 : memref<128xi32, #tpu.memory_space<vmem>>)
      %dma_wait3A_333 = arith.constant 256 : i32
      %dma_wait3A_334 = tpu.memref_slice %arg11[%dma_wait3A_333] : memref<2048xf32, #tpu.memory_space<vmem>> -> memref<128xf32, #tpu.memory_space<vmem>>
      %dma_wait3A_335 = tpu.memref_slice %arg17[%add3A_88] : memref<16384xf32, #tpu.memory_space<vmem_shared>> -> memref<128xf32, #tpu.memory_space<vmem_shared>>
      %dma_wait3A_336 = arith.constant 256 : i32
      %dma_wait3A_337 = tpu.memref_slice %arg11[%dma_wait3A_336] : memref<2048xf32, #tpu.memory_space<vmem>> -> memref<128xf32, #tpu.memory_space<vmem>>
      %dma_wait3A_338 = tpu.memref_slice %arg17[%add3A_88] : memref<16384xf32, #tpu.memory_space<vmem_shared>> -> memref<128xf32, #tpu.memory_space<vmem_shared>>
      tpu.wait_dma2 semaphore(%arg19 : memref<!tpu.dma_semaphore, #tpu.memory_space<semaphore_mem>>) src(%dma_wait3A_338 : memref<128xf32, #tpu.memory_space<vmem_shared>>) dst(%dma_wait3A_337 : memref<128xf32, #tpu.memory_space<vmem>>)
      %dma_wait3A_339 = arith.constant 256 : i32
      %dma_wait3A_340 = tpu.memref_slice %arg12[%dma_wait3A_339] : memref<2048xi32, #tpu.memory_space<vmem>> -> memref<128xi32, #tpu.memory_space<vmem>>
      %dma_wait3A_341 = tpu.memref_slice %arg18[%add3A_88] : memref<16384xi32, #tpu.memory_space<vmem_shared>> -> memref<128xi32, #tpu.memory_space<vmem_shared>>
      %dma_wait3A_342 = arith.constant 256 : i32
      %dma_wait3A_343 = tpu.memref_slice %arg12[%dma_wait3A_342] : memref<2048xi32, #tpu.memory_space<vmem>> -> memref<128xi32, #tpu.memory_space<vmem>>
      %dma_wait3A_344 = tpu.memref_slice %arg18[%add3A_88] : memref<16384xi32, #tpu.memory_space<vmem_shared>> -> memref<128xi32, #tpu.memory_space<vmem_shared>>
      tpu.wait_dma2 semaphore(%arg19 : memref<!tpu.dma_semaphore, #tpu.memory_space<semaphore_mem>>) src(%dma_wait3A_344 : memref<128xi32, #tpu.memory_space<vmem_shared>>) dst(%dma_wait3A_343 : memref<128xi32, #tpu.memory_space<vmem>>)
      %dma_wait3A_345 = arith.constant 384 : i32
      %dma_wait3A_346 = tpu.memref_slice %arg11[%dma_wait3A_345] : memref<2048xf32, #tpu.memory_space<vmem>> -> memref<128xf32, #tpu.memory_space<vmem>>
      %dma_wait3A_347 = tpu.memref_slice %arg17[%add3A_104] : memref<16384xf32, #tpu.memory_space<vmem_shared>> -> memref<128xf32, #tpu.memory_space<vmem_shared>>
      %dma_wait3A_348 = arith.constant 384 : i32
      %dma_wait3A_349 = tpu.memref_slice %arg11[%dma_wait3A_348] : memref<2048xf32, #tpu.memory_space<vmem>> -> memref<128xf32, #tpu.memory_space<vmem>>
      %dma_wait3A_350 = tpu.memref_slice %arg17[%add3A_104] : memref<16384xf32, #tpu.memory_space<vmem_shared>> -> memref<128xf32, #tpu.memory_space<vmem_shared>>
      tpu.wait_dma2 semaphore(%arg19 : memref<!tpu.dma_semaphore, #tpu.memory_space<semaphore_mem>>) src(%dma_wait3A_350 : memref<128xf32, #tpu.memory_space<vmem_shared>>) dst(%dma_wait3A_349 : memref<128xf32, #tpu.memory_space<vmem>>)
      %dma_wait3A_351 = arith.constant 384 : i32
      %dma_wait3A_352 = tpu.memref_slice %arg12[%dma_wait3A_351] : memref<2048xi32, #tpu.memory_space<vmem>> -> memref<128xi32, #tpu.memory_space<vmem>>
      %dma_wait3A_353 = tpu.memref_slice %arg18[%add3A_104] : memref<16384xi32, #tpu.memory_space<vmem_shared>> -> memref<128xi32, #tpu.memory_space<vmem_shared>>
      %dma_wait3A_354 = arith.constant 384 : i32
      %dma_wait3A_355 = tpu.memref_slice %arg12[%dma_wait3A_354] : memref<2048xi32, #tpu.memory_space<vmem>> -> memref<128xi32, #tpu.memory_space<vmem>>
      %dma_wait3A_356 = tpu.memref_slice %arg18[%add3A_104] : memref<16384xi32, #tpu.memory_space<vmem_shared>> -> memref<128xi32, #tpu.memory_space<vmem_shared>>
      tpu.wait_dma2 semaphore(%arg19 : memref<!tpu.dma_semaphore, #tpu.memory_space<semaphore_mem>>) src(%dma_wait3A_356 : memref<128xi32, #tpu.memory_space<vmem_shared>>) dst(%dma_wait3A_355 : memref<128xi32, #tpu.memory_space<vmem>>)
      %dma_wait3A_357 = arith.constant 512 : i32
      %dma_wait3A_358 = tpu.memref_slice %arg11[%dma_wait3A_357] : memref<2048xf32, #tpu.memory_space<vmem>> -> memref<128xf32, #tpu.memory_space<vmem>>
      %dma_wait3A_359 = tpu.memref_slice %arg17[%add3A_120] : memref<16384xf32, #tpu.memory_space<vmem_shared>> -> memref<128xf32, #tpu.memory_space<vmem_shared>>
      %dma_wait3A_360 = arith.constant 512 : i32
      %dma_wait3A_361 = tpu.memref_slice %arg11[%dma_wait3A_360] : memref<2048xf32, #tpu.memory_space<vmem>> -> memref<128xf32, #tpu.memory_space<vmem>>
      %dma_wait3A_362 = tpu.memref_slice %arg17[%add3A_120] : memref<16384xf32, #tpu.memory_space<vmem_shared>> -> memref<128xf32, #tpu.memory_space<vmem_shared>>
      tpu.wait_dma2 semaphore(%arg19 : memref<!tpu.dma_semaphore, #tpu.memory_space<semaphore_mem>>) src(%dma_wait3A_362 : memref<128xf32, #tpu.memory_space<vmem_shared>>) dst(%dma_wait3A_361 : memref<128xf32, #tpu.memory_space<vmem>>)
      %dma_wait3A_363 = arith.constant 512 : i32
      %dma_wait3A_364 = tpu.memref_slice %arg12[%dma_wait3A_363] : memref<2048xi32, #tpu.memory_space<vmem>> -> memref<128xi32, #tpu.memory_space<vmem>>
      %dma_wait3A_365 = tpu.memref_slice %arg18[%add3A_120] : memref<16384xi32, #tpu.memory_space<vmem_shared>> -> memref<128xi32, #tpu.memory_space<vmem_shared>>
      %dma_wait3A_366 = arith.constant 512 : i32
      %dma_wait3A_367 = tpu.memref_slice %arg12[%dma_wait3A_366] : memref<2048xi32, #tpu.memory_space<vmem>> -> memref<128xi32, #tpu.memory_space<vmem>>
      %dma_wait3A_368 = tpu.memref_slice %arg18[%add3A_120] : memref<16384xi32, #tpu.memory_space<vmem_shared>> -> memref<128xi32, #tpu.memory_space<vmem_shared>>
      tpu.wait_dma2 semaphore(%arg19 : memref<!tpu.dma_semaphore, #tpu.memory_space<semaphore_mem>>) src(%dma_wait3A_368 : memref<128xi32, #tpu.memory_space<vmem_shared>>) dst(%dma_wait3A_367 : memref<128xi32, #tpu.memory_space<vmem>>)
      %dma_wait3A_369 = arith.constant 640 : i32
      %dma_wait3A_370 = tpu.memref_slice %arg11[%dma_wait3A_369] : memref<2048xf32, #tpu.memory_space<vmem>> -> memref<128xf32, #tpu.memory_space<vmem>>
      %dma_wait3A_371 = tpu.memref_slice %arg17[%add3A_136] : memref<16384xf32, #tpu.memory_space<vmem_shared>> -> memref<128xf32, #tpu.memory_space<vmem_shared>>
      %dma_wait3A_372 = arith.constant 640 : i32
      %dma_wait3A_373 = tpu.memref_slice %arg11[%dma_wait3A_372] : memref<2048xf32, #tpu.memory_space<vmem>> -> memref<128xf32, #tpu.memory_space<vmem>>
      %dma_wait3A_374 = tpu.memref_slice %arg17[%add3A_136] : memref<16384xf32, #tpu.memory_space<vmem_shared>> -> memref<128xf32, #tpu.memory_space<vmem_shared>>
      tpu.wait_dma2 semaphore(%arg19 : memref<!tpu.dma_semaphore, #tpu.memory_space<semaphore_mem>>) src(%dma_wait3A_374 : memref<128xf32, #tpu.memory_space<vmem_shared>>) dst(%dma_wait3A_373 : memref<128xf32, #tpu.memory_space<vmem>>)
      %dma_wait3A_375 = arith.constant 640 : i32
      %dma_wait3A_376 = tpu.memref_slice %arg12[%dma_wait3A_375] : memref<2048xi32, #tpu.memory_space<vmem>> -> memref<128xi32, #tpu.memory_space<vmem>>
      %dma_wait3A_377 = tpu.memref_slice %arg18[%add3A_136] : memref<16384xi32, #tpu.memory_space<vmem_shared>> -> memref<128xi32, #tpu.memory_space<vmem_shared>>
      %dma_wait3A_378 = arith.constant 640 : i32
      %dma_wait3A_379 = tpu.memref_slice %arg12[%dma_wait3A_378] : memref<2048xi32, #tpu.memory_space<vmem>> -> memref<128xi32, #tpu.memory_space<vmem>>
      %dma_wait3A_380 = tpu.memref_slice %arg18[%add3A_136] : memref<16384xi32, #tpu.memory_space<vmem_shared>> -> memref<128xi32, #tpu.memory_space<vmem_shared>>
      tpu.wait_dma2 semaphore(%arg19 : memref<!tpu.dma_semaphore, #tpu.memory_space<semaphore_mem>>) src(%dma_wait3A_380 : memref<128xi32, #tpu.memory_space<vmem_shared>>) dst(%dma_wait3A_379 : memref<128xi32, #tpu.memory_space<vmem>>)
      %dma_wait3A_381 = arith.constant 768 : i32
      %dma_wait3A_382 = tpu.memref_slice %arg11[%dma_wait3A_381] : memref<2048xf32, #tpu.memory_space<vmem>> -> memref<128xf32, #tpu.memory_space<vmem>>
      %dma_wait3A_383 = tpu.memref_slice %arg17[%add3A_152] : memref<16384xf32, #tpu.memory_space<vmem_shared>> -> memref<128xf32, #tpu.memory_space<vmem_shared>>
      %dma_wait3A_384 = arith.constant 768 : i32
      %dma_wait3A_385 = tpu.memref_slice %arg11[%dma_wait3A_384] : memref<2048xf32, #tpu.memory_space<vmem>> -> memref<128xf32, #tpu.memory_space<vmem>>
      %dma_wait3A_386 = tpu.memref_slice %arg17[%add3A_152] : memref<16384xf32, #tpu.memory_space<vmem_shared>> -> memref<128xf32, #tpu.memory_space<vmem_shared>>
      tpu.wait_dma2 semaphore(%arg19 : memref<!tpu.dma_semaphore, #tpu.memory_space<semaphore_mem>>) src(%dma_wait3A_386 : memref<128xf32, #tpu.memory_space<vmem_shared>>) dst(%dma_wait3A_385 : memref<128xf32, #tpu.memory_space<vmem>>)
      %dma_wait3A_387 = arith.constant 768 : i32
      %dma_wait3A_388 = tpu.memref_slice %arg12[%dma_wait3A_387] : memref<2048xi32, #tpu.memory_space<vmem>> -> memref<128xi32, #tpu.memory_space<vmem>>
      %dma_wait3A_389 = tpu.memref_slice %arg18[%add3A_152] : memref<16384xi32, #tpu.memory_space<vmem_shared>> -> memref<128xi32, #tpu.memory_space<vmem_shared>>
      %dma_wait3A_390 = arith.constant 768 : i32
      %dma_wait3A_391 = tpu.memref_slice %arg12[%dma_wait3A_390] : memref<2048xi32, #tpu.memory_space<vmem>> -> memref<128xi32, #tpu.memory_space<vmem>>
      %dma_wait3A_392 = tpu.memref_slice %arg18[%add3A_152] : memref<16384xi32, #tpu.memory_space<vmem_shared>> -> memref<128xi32, #tpu.memory_space<vmem_shared>>
      tpu.wait_dma2 semaphore(%arg19 : memref<!tpu.dma_semaphore, #tpu.memory_space<semaphore_mem>>) src(%dma_wait3A_392 : memref<128xi32, #tpu.memory_space<vmem_shared>>) dst(%dma_wait3A_391 : memref<128xi32, #tpu.memory_space<vmem>>)
      %dma_wait3A_393 = arith.constant 896 : i32
      %dma_wait3A_394 = tpu.memref_slice %arg11[%dma_wait3A_393] : memref<2048xf32, #tpu.memory_space<vmem>> -> memref<128xf32, #tpu.memory_space<vmem>>
      %dma_wait3A_395 = tpu.memref_slice %arg17[%add3A_168] : memref<16384xf32, #tpu.memory_space<vmem_shared>> -> memref<128xf32, #tpu.memory_space<vmem_shared>>
      %dma_wait3A_396 = arith.constant 896 : i32
      %dma_wait3A_397 = tpu.memref_slice %arg11[%dma_wait3A_396] : memref<2048xf32, #tpu.memory_space<vmem>> -> memref<128xf32, #tpu.memory_space<vmem>>
      %dma_wait3A_398 = tpu.memref_slice %arg17[%add3A_168] : memref<16384xf32, #tpu.memory_space<vmem_shared>> -> memref<128xf32, #tpu.memory_space<vmem_shared>>
      tpu.wait_dma2 semaphore(%arg19 : memref<!tpu.dma_semaphore, #tpu.memory_space<semaphore_mem>>) src(%dma_wait3A_398 : memref<128xf32, #tpu.memory_space<vmem_shared>>) dst(%dma_wait3A_397 : memref<128xf32, #tpu.memory_space<vmem>>)
      %dma_wait3A_399 = arith.constant 896 : i32
      %dma_wait3A_400 = tpu.memref_slice %arg12[%dma_wait3A_399] : memref<2048xi32, #tpu.memory_space<vmem>> -> memref<128xi32, #tpu.memory_space<vmem>>
      %dma_wait3A_401 = tpu.memref_slice %arg18[%add3A_168] : memref<16384xi32, #tpu.memory_space<vmem_shared>> -> memref<128xi32, #tpu.memory_space<vmem_shared>>
      %dma_wait3A_402 = arith.constant 896 : i32
      %dma_wait3A_403 = tpu.memref_slice %arg12[%dma_wait3A_402] : memref<2048xi32, #tpu.memory_space<vmem>> -> memref<128xi32, #tpu.memory_space<vmem>>
      %dma_wait3A_404 = tpu.memref_slice %arg18[%add3A_168] : memref<16384xi32, #tpu.memory_space<vmem_shared>> -> memref<128xi32, #tpu.memory_space<vmem_shared>>
      tpu.wait_dma2 semaphore(%arg19 : memref<!tpu.dma_semaphore, #tpu.memory_space<semaphore_mem>>) src(%dma_wait3A_404 : memref<128xi32, #tpu.memory_space<vmem_shared>>) dst(%dma_wait3A_403 : memref<128xi32, #tpu.memory_space<vmem>>)
      %dma_wait3A_405 = arith.constant 1024 : i32
      %dma_wait3A_406 = tpu.memref_slice %arg11[%dma_wait3A_405] : memref<2048xf32, #tpu.memory_space<vmem>> -> memref<128xf32, #tpu.memory_space<vmem>>
      %dma_wait3A_407 = tpu.memref_slice %arg17[%add3A_184] : memref<16384xf32, #tpu.memory_space<vmem_shared>> -> memref<128xf32, #tpu.memory_space<vmem_shared>>
      %dma_wait3A_408 = arith.constant 1024 : i32
      %dma_wait3A_409 = tpu.memref_slice %arg11[%dma_wait3A_408] : memref<2048xf32, #tpu.memory_space<vmem>> -> memref<128xf32, #tpu.memory_space<vmem>>
      %dma_wait3A_410 = tpu.memref_slice %arg17[%add3A_184] : memref<16384xf32, #tpu.memory_space<vmem_shared>> -> memref<128xf32, #tpu.memory_space<vmem_shared>>
      tpu.wait_dma2 semaphore(%arg19 : memref<!tpu.dma_semaphore, #tpu.memory_space<semaphore_mem>>) src(%dma_wait3A_410 : memref<128xf32, #tpu.memory_space<vmem_shared>>) dst(%dma_wait3A_409 : memref<128xf32, #tpu.memory_space<vmem>>)
      %dma_wait3A_411 = arith.constant 1024 : i32
      %dma_wait3A_412 = tpu.memref_slice %arg12[%dma_wait3A_411] : memref<2048xi32, #tpu.memory_space<vmem>> -> memref<128xi32, #tpu.memory_space<vmem>>
      %dma_wait3A_413 = tpu.memref_slice %arg18[%add3A_184] : memref<16384xi32, #tpu.memory_space<vmem_shared>> -> memref<128xi32, #tpu.memory_space<vmem_shared>>
      %dma_wait3A_414 = arith.constant 1024 : i32
      %dma_wait3A_415 = tpu.memref_slice %arg12[%dma_wait3A_414] : memref<2048xi32, #tpu.memory_space<vmem>> -> memref<128xi32, #tpu.memory_space<vmem>>
      %dma_wait3A_416 = tpu.memref_slice %arg18[%add3A_184] : memref<16384xi32, #tpu.memory_space<vmem_shared>> -> memref<128xi32, #tpu.memory_space<vmem_shared>>
      tpu.wait_dma2 semaphore(%arg19 : memref<!tpu.dma_semaphore, #tpu.memory_space<semaphore_mem>>) src(%dma_wait3A_416 : memref<128xi32, #tpu.memory_space<vmem_shared>>) dst(%dma_wait3A_415 : memref<128xi32, #tpu.memory_space<vmem>>)
      %dma_wait3A_417 = arith.constant 1152 : i32
      %dma_wait3A_418 = tpu.memref_slice %arg11[%dma_wait3A_417] : memref<2048xf32, #tpu.memory_space<vmem>> -> memref<128xf32, #tpu.memory_space<vmem>>
      %dma_wait3A_419 = tpu.memref_slice %arg17[%add3A_200] : memref<16384xf32, #tpu.memory_space<vmem_shared>> -> memref<128xf32, #tpu.memory_space<vmem_shared>>
      %dma_wait3A_420 = arith.constant 1152 : i32
      %dma_wait3A_421 = tpu.memref_slice %arg11[%dma_wait3A_420] : memref<2048xf32, #tpu.memory_space<vmem>> -> memref<128xf32, #tpu.memory_space<vmem>>
      %dma_wait3A_422 = tpu.memref_slice %arg17[%add3A_200] : memref<16384xf32, #tpu.memory_space<vmem_shared>> -> memref<128xf32, #tpu.memory_space<vmem_shared>>
      tpu.wait_dma2 semaphore(%arg19 : memref<!tpu.dma_semaphore, #tpu.memory_space<semaphore_mem>>) src(%dma_wait3A_422 : memref<128xf32, #tpu.memory_space<vmem_shared>>) dst(%dma_wait3A_421 : memref<128xf32, #tpu.memory_space<vmem>>)
      %dma_wait3A_423 = arith.constant 1152 : i32
      %dma_wait3A_424 = tpu.memref_slice %arg12[%dma_wait3A_423] : memref<2048xi32, #tpu.memory_space<vmem>> -> memref<128xi32, #tpu.memory_space<vmem>>
      %dma_wait3A_425 = tpu.memref_slice %arg18[%add3A_200] : memref<16384xi32, #tpu.memory_space<vmem_shared>> -> memref<128xi32, #tpu.memory_space<vmem_shared>>
      %dma_wait3A_426 = arith.constant 1152 : i32
      %dma_wait3A_427 = tpu.memref_slice %arg12[%dma_wait3A_426] : memref<2048xi32, #tpu.memory_space<vmem>> -> memref<128xi32, #tpu.memory_space<vmem>>
      %dma_wait3A_428 = tpu.memref_slice %arg18[%add3A_200] : memref<16384xi32, #tpu.memory_space<vmem_shared>> -> memref<128xi32, #tpu.memory_space<vmem_shared>>
      tpu.wait_dma2 semaphore(%arg19 : memref<!tpu.dma_semaphore, #tpu.memory_space<semaphore_mem>>) src(%dma_wait3A_428 : memref<128xi32, #tpu.memory_space<vmem_shared>>) dst(%dma_wait3A_427 : memref<128xi32, #tpu.memory_space<vmem>>)
      %dma_wait3A_429 = arith.constant 1280 : i32
      %dma_wait3A_430 = tpu.memref_slice %arg11[%dma_wait3A_429] : memref<2048xf32, #tpu.memory_space<vmem>> -> memref<128xf32, #tpu.memory_space<vmem>>
      %dma_wait3A_431 = tpu.memref_slice %arg17[%add3A_216] : memref<16384xf32, #tpu.memory_space<vmem_shared>> -> memref<128xf32, #tpu.memory_space<vmem_shared>>
      %dma_wait3A_432 = arith.constant 1280 : i32
      %dma_wait3A_433 = tpu.memref_slice %arg11[%dma_wait3A_432] : memref<2048xf32, #tpu.memory_space<vmem>> -> memref<128xf32, #tpu.memory_space<vmem>>
      %dma_wait3A_434 = tpu.memref_slice %arg17[%add3A_216] : memref<16384xf32, #tpu.memory_space<vmem_shared>> -> memref<128xf32, #tpu.memory_space<vmem_shared>>
      tpu.wait_dma2 semaphore(%arg19 : memref<!tpu.dma_semaphore, #tpu.memory_space<semaphore_mem>>) src(%dma_wait3A_434 : memref<128xf32, #tpu.memory_space<vmem_shared>>) dst(%dma_wait3A_433 : memref<128xf32, #tpu.memory_space<vmem>>)
      %dma_wait3A_435 = arith.constant 1280 : i32
      %dma_wait3A_436 = tpu.memref_slice %arg12[%dma_wait3A_435] : memref<2048xi32, #tpu.memory_space<vmem>> -> memref<128xi32, #tpu.memory_space<vmem>>
      %dma_wait3A_437 = tpu.memref_slice %arg18[%add3A_216] : memref<16384xi32, #tpu.memory_space<vmem_shared>> -> memref<128xi32, #tpu.memory_space<vmem_shared>>
      %dma_wait3A_438 = arith.constant 1280 : i32
      %dma_wait3A_439 = tpu.memref_slice %arg12[%dma_wait3A_438] : memref<2048xi32, #tpu.memory_space<vmem>> -> memref<128xi32, #tpu.memory_space<vmem>>
      %dma_wait3A_440 = tpu.memref_slice %arg18[%add3A_216] : memref<16384xi32, #tpu.memory_space<vmem_shared>> -> memref<128xi32, #tpu.memory_space<vmem_shared>>
      tpu.wait_dma2 semaphore(%arg19 : memref<!tpu.dma_semaphore, #tpu.memory_space<semaphore_mem>>) src(%dma_wait3A_440 : memref<128xi32, #tpu.memory_space<vmem_shared>>) dst(%dma_wait3A_439 : memref<128xi32, #tpu.memory_space<vmem>>)
      %dma_wait3A_441 = arith.constant 1408 : i32
      %dma_wait3A_442 = tpu.memref_slice %arg11[%dma_wait3A_441] : memref<2048xf32, #tpu.memory_space<vmem>> -> memref<128xf32, #tpu.memory_space<vmem>>
      %dma_wait3A_443 = tpu.memref_slice %arg17[%add3A_232] : memref<16384xf32, #tpu.memory_space<vmem_shared>> -> memref<128xf32, #tpu.memory_space<vmem_shared>>
      %dma_wait3A_444 = arith.constant 1408 : i32
      %dma_wait3A_445 = tpu.memref_slice %arg11[%dma_wait3A_444] : memref<2048xf32, #tpu.memory_space<vmem>> -> memref<128xf32, #tpu.memory_space<vmem>>
      %dma_wait3A_446 = tpu.memref_slice %arg17[%add3A_232] : memref<16384xf32, #tpu.memory_space<vmem_shared>> -> memref<128xf32, #tpu.memory_space<vmem_shared>>
      tpu.wait_dma2 semaphore(%arg19 : memref<!tpu.dma_semaphore, #tpu.memory_space<semaphore_mem>>) src(%dma_wait3A_446 : memref<128xf32, #tpu.memory_space<vmem_shared>>) dst(%dma_wait3A_445 : memref<128xf32, #tpu.memory_space<vmem>>)
      %dma_wait3A_447 = arith.constant 1408 : i32
      %dma_wait3A_448 = tpu.memref_slice %arg12[%dma_wait3A_447] : memref<2048xi32, #tpu.memory_space<vmem>> -> memref<128xi32, #tpu.memory_space<vmem>>
      %dma_wait3A_449 = tpu.memref_slice %arg18[%add3A_232] : memref<16384xi32, #tpu.memory_space<vmem_shared>> -> memref<128xi32, #tpu.memory_space<vmem_shared>>
      %dma_wait3A_450 = arith.constant 1408 : i32
      %dma_wait3A_451 = tpu.memref_slice %arg12[%dma_wait3A_450] : memref<2048xi32, #tpu.memory_space<vmem>> -> memref<128xi32, #tpu.memory_space<vmem>>
      %dma_wait3A_452 = tpu.memref_slice %arg18[%add3A_232] : memref<16384xi32, #tpu.memory_space<vmem_shared>> -> memref<128xi32, #tpu.memory_space<vmem_shared>>
      tpu.wait_dma2 semaphore(%arg19 : memref<!tpu.dma_semaphore, #tpu.memory_space<semaphore_mem>>) src(%dma_wait3A_452 : memref<128xi32, #tpu.memory_space<vmem_shared>>) dst(%dma_wait3A_451 : memref<128xi32, #tpu.memory_space<vmem>>)
      %dma_wait3A_453 = arith.constant 1536 : i32
      %dma_wait3A_454 = tpu.memref_slice %arg11[%dma_wait3A_453] : memref<2048xf32, #tpu.memory_space<vmem>> -> memref<128xf32, #tpu.memory_space<vmem>>
      %dma_wait3A_455 = tpu.memref_slice %arg17[%add3A_248] : memref<16384xf32, #tpu.memory_space<vmem_shared>> -> memref<128xf32, #tpu.memory_space<vmem_shared>>
      %dma_wait3A_456 = arith.constant 1536 : i32
      %dma_wait3A_457 = tpu.memref_slice %arg11[%dma_wait3A_456] : memref<2048xf32, #tpu.memory_space<vmem>> -> memref<128xf32, #tpu.memory_space<vmem>>
      %dma_wait3A_458 = tpu.memref_slice %arg17[%add3A_248] : memref<16384xf32, #tpu.memory_space<vmem_shared>> -> memref<128xf32, #tpu.memory_space<vmem_shared>>
      tpu.wait_dma2 semaphore(%arg19 : memref<!tpu.dma_semaphore, #tpu.memory_space<semaphore_mem>>) src(%dma_wait3A_458 : memref<128xf32, #tpu.memory_space<vmem_shared>>) dst(%dma_wait3A_457 : memref<128xf32, #tpu.memory_space<vmem>>)
      %dma_wait3A_459 = arith.constant 1536 : i32
      %dma_wait3A_460 = tpu.memref_slice %arg12[%dma_wait3A_459] : memref<2048xi32, #tpu.memory_space<vmem>> -> memref<128xi32, #tpu.memory_space<vmem>>
      %dma_wait3A_461 = tpu.memref_slice %arg18[%add3A_248] : memref<16384xi32, #tpu.memory_space<vmem_shared>> -> memref<128xi32, #tpu.memory_space<vmem_shared>>
      %dma_wait3A_462 = arith.constant 1536 : i32
      %dma_wait3A_463 = tpu.memref_slice %arg12[%dma_wait3A_462] : memref<2048xi32, #tpu.memory_space<vmem>> -> memref<128xi32, #tpu.memory_space<vmem>>
      %dma_wait3A_464 = tpu.memref_slice %arg18[%add3A_248] : memref<16384xi32, #tpu.memory_space<vmem_shared>> -> memref<128xi32, #tpu.memory_space<vmem_shared>>
      tpu.wait_dma2 semaphore(%arg19 : memref<!tpu.dma_semaphore, #tpu.memory_space<semaphore_mem>>) src(%dma_wait3A_464 : memref<128xi32, #tpu.memory_space<vmem_shared>>) dst(%dma_wait3A_463 : memref<128xi32, #tpu.memory_space<vmem>>)
      %dma_wait3A_465 = arith.constant 1664 : i32
      %dma_wait3A_466 = tpu.memref_slice %arg11[%dma_wait3A_465] : memref<2048xf32, #tpu.memory_space<vmem>> -> memref<128xf32, #tpu.memory_space<vmem>>
      %dma_wait3A_467 = tpu.memref_slice %arg17[%add3A_264] : memref<16384xf32, #tpu.memory_space<vmem_shared>> -> memref<128xf32, #tpu.memory_space<vmem_shared>>
      %dma_wait3A_468 = arith.constant 1664 : i32
      %dma_wait3A_469 = tpu.memref_slice %arg11[%dma_wait3A_468] : memref<2048xf32, #tpu.memory_space<vmem>> -> memref<128xf32, #tpu.memory_space<vmem>>
      %dma_wait3A_470 = tpu.memref_slice %arg17[%add3A_264] : memref<16384xf32, #tpu.memory_space<vmem_shared>> -> memref<128xf32, #tpu.memory_space<vmem_shared>>
      tpu.wait_dma2 semaphore(%arg19 : memref<!tpu.dma_semaphore, #tpu.memory_space<semaphore_mem>>) src(%dma_wait3A_470 : memref<128xf32, #tpu.memory_space<vmem_shared>>) dst(%dma_wait3A_469 : memref<128xf32, #tpu.memory_space<vmem>>)
      %dma_wait3A_471 = arith.constant 1664 : i32
      %dma_wait3A_472 = tpu.memref_slice %arg12[%dma_wait3A_471] : memref<2048xi32, #tpu.memory_space<vmem>> -> memref<128xi32, #tpu.memory_space<vmem>>
      %dma_wait3A_473 = tpu.memref_slice %arg18[%add3A_264] : memref<16384xi32, #tpu.memory_space<vmem_shared>> -> memref<128xi32, #tpu.memory_space<vmem_shared>>
      %dma_wait3A_474 = arith.constant 1664 : i32
      %dma_wait3A_475 = tpu.memref_slice %arg12[%dma_wait3A_474] : memref<2048xi32, #tpu.memory_space<vmem>> -> memref<128xi32, #tpu.memory_space<vmem>>
      %dma_wait3A_476 = tpu.memref_slice %arg18[%add3A_264] : memref<16384xi32, #tpu.memory_space<vmem_shared>> -> memref<128xi32, #tpu.memory_space<vmem_shared>>
      tpu.wait_dma2 semaphore(%arg19 : memref<!tpu.dma_semaphore, #tpu.memory_space<semaphore_mem>>) src(%dma_wait3A_476 : memref<128xi32, #tpu.memory_space<vmem_shared>>) dst(%dma_wait3A_475 : memref<128xi32, #tpu.memory_space<vmem>>)
      %dma_wait3A_477 = arith.constant 1792 : i32
      %dma_wait3A_478 = tpu.memref_slice %arg11[%dma_wait3A_477] : memref<2048xf32, #tpu.memory_space<vmem>> -> memref<128xf32, #tpu.memory_space<vmem>>
      %dma_wait3A_479 = tpu.memref_slice %arg17[%add3A_280] : memref<16384xf32, #tpu.memory_space<vmem_shared>> -> memref<128xf32, #tpu.memory_space<vmem_shared>>
      %dma_wait3A_480 = arith.constant 1792 : i32
      %dma_wait3A_481 = tpu.memref_slice %arg11[%dma_wait3A_480] : memref<2048xf32, #tpu.memory_space<vmem>> -> memref<128xf32, #tpu.memory_space<vmem>>
      %dma_wait3A_482 = tpu.memref_slice %arg17[%add3A_280] : memref<16384xf32, #tpu.memory_space<vmem_shared>> -> memref<128xf32, #tpu.memory_space<vmem_shared>>
      tpu.wait_dma2 semaphore(%arg19 : memref<!tpu.dma_semaphore, #tpu.memory_space<semaphore_mem>>) src(%dma_wait3A_482 : memref<128xf32, #tpu.memory_space<vmem_shared>>) dst(%dma_wait3A_481 : memref<128xf32, #tpu.memory_space<vmem>>)
      %dma_wait3A_483 = arith.constant 1792 : i32
      %dma_wait3A_484 = tpu.memref_slice %arg12[%dma_wait3A_483] : memref<2048xi32, #tpu.memory_space<vmem>> -> memref<128xi32, #tpu.memory_space<vmem>>
      %dma_wait3A_485 = tpu.memref_slice %arg18[%add3A_280] : memref<16384xi32, #tpu.memory_space<vmem_shared>> -> memref<128xi32, #tpu.memory_space<vmem_shared>>
      %dma_wait3A_486 = arith.constant 1792 : i32
      %dma_wait3A_487 = tpu.memref_slice %arg12[%dma_wait3A_486] : memref<2048xi32, #tpu.memory_space<vmem>> -> memref<128xi32, #tpu.memory_space<vmem>>
      %dma_wait3A_488 = tpu.memref_slice %arg18[%add3A_280] : memref<16384xi32, #tpu.memory_space<vmem_shared>> -> memref<128xi32, #tpu.memory_space<vmem_shared>>
      tpu.wait_dma2 semaphore(%arg19 : memref<!tpu.dma_semaphore, #tpu.memory_space<semaphore_mem>>) src(%dma_wait3A_488 : memref<128xi32, #tpu.memory_space<vmem_shared>>) dst(%dma_wait3A_487 : memref<128xi32, #tpu.memory_space<vmem>>)
      %dma_wait3A_489 = arith.constant 1920 : i32
      %dma_wait3A_490 = tpu.memref_slice %arg11[%dma_wait3A_489] : memref<2048xf32, #tpu.memory_space<vmem>> -> memref<128xf32, #tpu.memory_space<vmem>>
      %dma_wait3A_491 = tpu.memref_slice %arg17[%add3A_296] : memref<16384xf32, #tpu.memory_space<vmem_shared>> -> memref<128xf32, #tpu.memory_space<vmem_shared>>
      %dma_wait3A_492 = arith.constant 1920 : i32
      %dma_wait3A_493 = tpu.memref_slice %arg11[%dma_wait3A_492] : memref<2048xf32, #tpu.memory_space<vmem>> -> memref<128xf32, #tpu.memory_space<vmem>>
      %dma_wait3A_494 = tpu.memref_slice %arg17[%add3A_296] : memref<16384xf32, #tpu.memory_space<vmem_shared>> -> memref<128xf32, #tpu.memory_space<vmem_shared>>
      tpu.wait_dma2 semaphore(%arg19 : memref<!tpu.dma_semaphore, #tpu.memory_space<semaphore_mem>>) src(%dma_wait3A_494 : memref<128xf32, #tpu.memory_space<vmem_shared>>) dst(%dma_wait3A_493 : memref<128xf32, #tpu.memory_space<vmem>>)
      %dma_wait3A_495 = arith.constant 1920 : i32
      %dma_wait3A_496 = tpu.memref_slice %arg12[%dma_wait3A_495] : memref<2048xi32, #tpu.memory_space<vmem>> -> memref<128xi32, #tpu.memory_space<vmem>>
      %dma_wait3A_497 = tpu.memref_slice %arg18[%add3A_296] : memref<16384xi32, #tpu.memory_space<vmem_shared>> -> memref<128xi32, #tpu.memory_space<vmem_shared>>
      %dma_wait3A_498 = arith.constant 1920 : i32
      %dma_wait3A_499 = tpu.memref_slice %arg12[%dma_wait3A_498] : memref<2048xi32, #tpu.memory_space<vmem>> -> memref<128xi32, #tpu.memory_space<vmem>>
      %dma_wait3A_500 = tpu.memref_slice %arg18[%add3A_296] : memref<16384xi32, #tpu.memory_space<vmem_shared>> -> memref<128xi32, #tpu.memory_space<vmem_shared>>
      tpu.wait_dma2 semaphore(%arg19 : memref<!tpu.dma_semaphore, #tpu.memory_space<semaphore_mem>>) src(%dma_wait3A_500 : memref<128xi32, #tpu.memory_space<vmem_shared>>) dst(%dma_wait3A_499 : memref<128xi32, #tpu.memory_space<vmem>>)
      %get3A = arith.constant 0 : index
      %get3A_501 = tpu.vector_load %arg11[%get3A] {strides = array<i32>} : memref<2048xf32, #tpu.memory_space<vmem>>, vector<16xf32>,
      %get3A_502 = arith.constant 0 : index
      %get3A_503 = tpu.vector_load %arg12[%get3A_502] {strides = array<i32>} : memref<2048xi32, #tpu.memory_space<vmem>>, vector<16xi32>,
      %get3A_504 = arith.constant 128 : index
      %get3A_505 = tpu.vector_load %arg11[%get3A_504] {strides = array<i32>} : memref<2048xf32, #tpu.memory_space<vmem>>, vector<16xf32>,
      %get3A_506 = arith.constant 128 : index
      %get3A_507 = tpu.vector_load %arg12[%get3A_506] {strides = array<i32>} : memref<2048xi32, #tpu.memory_space<vmem>>, vector<16xi32>,
      %gt3A = arith.cmpf ogt, %get3A_505, %get3A_501 : vector<16xf32>
      %eq3A = arith.cmpf oeq, %get3A_505, %get3A_501 : vector<16xf32>
      %lt3A_508 = arith.cmpi slt, %get3A_507, %get3A_503 : vector<16xi32>
      %and3A = arith.andi %eq3A, %lt3A_508 : vector<16xi1>
      %or3A = arith.ori %gt3A, %and3A : vector<16xi1>
      %select_n3A = arith.select %or3A, %get3A_505, %get3A_501 : vector<16xi1>, vector<16xf32>
      %select_n3A_509 = arith.select %or3A, %get3A_507, %get3A_503 : vector<16xi1>, vector<16xi32>
      %get3A_510 = arith.constant 256 : index
      %get3A_511 = tpu.vector_load %arg11[%get3A_510] {strides = array<i32>} : memref<2048xf32, #tpu.memory_space<vmem>>, vector<16xf32>,
      %get3A_512 = arith.constant 256 : index
      %get3A_513 = tpu.vector_load %arg12[%get3A_512] {strides = array<i32>} : memref<2048xi32, #tpu.memory_space<vmem>>, vector<16xi32>,
      %gt3A_514 = arith.cmpf ogt, %get3A_511, %select_n3A : vector<16xf32>
      %eq3A_515 = arith.cmpf oeq, %get3A_511, %select_n3A : vector<16xf32>
      %lt3A_516 = arith.cmpi slt, %get3A_513, %select_n3A_509 : vector<16xi32>
      %and3A_517 = arith.andi %eq3A_515, %lt3A_516 : vector<16xi1>
      %or3A_518 = arith.ori %gt3A_514, %and3A_517 : vector<16xi1>
      %select_n3A_519 = arith.select %or3A_518, %get3A_511, %select_n3A : vector<16xi1>, vector<16xf32>
      %select_n3A_520 = arith.select %or3A_518, %get3A_513, %select_n3A_509 : vector<16xi1>, vector<16xi32>
      %get3A_521 = arith.constant 384 : index
      %get3A_522 = tpu.vector_load %arg11[%get3A_521] {strides = array<i32>} : memref<2048xf32, #tpu.memory_space<vmem>>, vector<16xf32>,
      %get3A_523 = arith.constant 384 : index
      %get3A_524 = tpu.vector_load %arg12[%get3A_523] {strides = array<i32>} : memref<2048xi32, #tpu.memory_space<vmem>>, vector<16xi32>,
      %gt3A_525 = arith.cmpf ogt, %get3A_522, %select_n3A_519 : vector<16xf32>
      %eq3A_526 = arith.cmpf oeq, %get3A_522, %select_n3A_519 : vector<16xf32>
      %lt3A_527 = arith.cmpi slt, %get3A_524, %select_n3A_520 : vector<16xi32>
      %and3A_528 = arith.andi %eq3A_526, %lt3A_527 : vector<16xi1>
      %or3A_529 = arith.ori %gt3A_525, %and3A_528 : vector<16xi1>
      %select_n3A_530 = arith.select %or3A_529, %get3A_522, %select_n3A_519 : vector<16xi1>, vector<16xf32>
      %select_n3A_531 = arith.select %or3A_529, %get3A_524, %select_n3A_520 : vector<16xi1>, vector<16xi32>
      %get3A_532 = arith.constant 512 : index
      %get3A_533 = tpu.vector_load %arg11[%get3A_532] {strides = array<i32>} : memref<2048xf32, #tpu.memory_space<vmem>>, vector<16xf32>,
      %get3A_534 = arith.constant 512 : index
      %get3A_535 = tpu.vector_load %arg12[%get3A_534] {strides = array<i32>} : memref<2048xi32, #tpu.memory_space<vmem>>, vector<16xi32>,
      %gt3A_536 = arith.cmpf ogt, %get3A_533, %select_n3A_530 : vector<16xf32>
      %eq3A_537 = arith.cmpf oeq, %get3A_533, %select_n3A_530 : vector<16xf32>
      %lt3A_538 = arith.cmpi slt, %get3A_535, %select_n3A_531 : vector<16xi32>
      %and3A_539 = arith.andi %eq3A_537, %lt3A_538 : vector<16xi1>
      %or3A_540 = arith.ori %gt3A_536, %and3A_539 : vector<16xi1>
      %select_n3A_541 = arith.select %or3A_540, %get3A_533, %select_n3A_530 : vector<16xi1>, vector<16xf32>
      %select_n3A_542 = arith.select %or3A_540, %get3A_535, %select_n3A_531 : vector<16xi1>, vector<16xi32>
      %get3A_543 = arith.constant 640 : index
      %get3A_544 = tpu.vector_load %arg11[%get3A_543] {strides = array<i32>} : memref<2048xf32, #tpu.memory_space<vmem>>, vector<16xf32>,
      %get3A_545 = arith.constant 640 : index
      %get3A_546 = tpu.vector_load %arg12[%get3A_545] {strides = array<i32>} : memref<2048xi32, #tpu.memory_space<vmem>>, vector<16xi32>,
      %gt3A_547 = arith.cmpf ogt, %get3A_544, %select_n3A_541 : vector<16xf32>
      %eq3A_548 = arith.cmpf oeq, %get3A_544, %select_n3A_541 : vector<16xf32>
      %lt3A_549 = arith.cmpi slt, %get3A_546, %select_n3A_542 : vector<16xi32>
      %and3A_550 = arith.andi %eq3A_548, %lt3A_549 : vector<16xi1>
      %or3A_551 = arith.ori %gt3A_547, %and3A_550 : vector<16xi1>
      %select_n3A_552 = arith.select %or3A_551, %get3A_544, %select_n3A_541 : vector<16xi1>, vector<16xf32>
      %select_n3A_553 = arith.select %or3A_551, %get3A_546, %select_n3A_542 : vector<16xi1>, vector<16xi32>
      %get3A_554 = arith.constant 768 : index
      %get3A_555 = tpu.vector_load %arg11[%get3A_554] {strides = array<i32>} : memref<2048xf32, #tpu.memory_space<vmem>>, vector<16xf32>,
      %get3A_556 = arith.constant 768 : index
      %get3A_557 = tpu.vector_load %arg12[%get3A_556] {strides = array<i32>} : memref<2048xi32, #tpu.memory_space<vmem>>, vector<16xi32>,
      %gt3A_558 = arith.cmpf ogt, %get3A_555, %select_n3A_552 : vector<16xf32>
      %eq3A_559 = arith.cmpf oeq, %get3A_555, %select_n3A_552 : vector<16xf32>
      %lt3A_560 = arith.cmpi slt, %get3A_557, %select_n3A_553 : vector<16xi32>
      %and3A_561 = arith.andi %eq3A_559, %lt3A_560 : vector<16xi1>
      %or3A_562 = arith.ori %gt3A_558, %and3A_561 : vector<16xi1>
      %select_n3A_563 = arith.select %or3A_562, %get3A_555, %select_n3A_552 : vector<16xi1>, vector<16xf32>
      %select_n3A_564 = arith.select %or3A_562, %get3A_557, %select_n3A_553 : vector<16xi1>, vector<16xi32>
      %get3A_565 = arith.constant 896 : index
      %get3A_566 = tpu.vector_load %arg11[%get3A_565] {strides = array<i32>} : memref<2048xf32, #tpu.memory_space<vmem>>, vector<16xf32>,
      %get3A_567 = arith.constant 896 : index
      %get3A_568 = tpu.vector_load %arg12[%get3A_567] {strides = array<i32>} : memref<2048xi32, #tpu.memory_space<vmem>>, vector<16xi32>,
      %gt3A_569 = arith.cmpf ogt, %get3A_566, %select_n3A_563 : vector<16xf32>
      %eq3A_570 = arith.cmpf oeq, %get3A_566, %select_n3A_563 : vector<16xf32>
      %lt3A_571 = arith.cmpi slt, %get3A_568, %select_n3A_564 : vector<16xi32>
      %and3A_572 = arith.andi %eq3A_570, %lt3A_571 : vector<16xi1>
      %or3A_573 = arith.ori %gt3A_569, %and3A_572 : vector<16xi1>
      %select_n3A_574 = arith.select %or3A_573, %get3A_566, %select_n3A_563 : vector<16xi1>, vector<16xf32>
      %select_n3A_575 = arith.select %or3A_573, %get3A_568, %select_n3A_564 : vector<16xi1>, vector<16xi32>
      %get3A_576 = arith.constant 1024 : index
      %get3A_577 = tpu.vector_load %arg11[%get3A_576] {strides = array<i32>} : memref<2048xf32, #tpu.memory_space<vmem>>, vector<16xf32>,
      %get3A_578 = arith.constant 1024 : index
      %get3A_579 = tpu.vector_load %arg12[%get3A_578] {strides = array<i32>} : memref<2048xi32, #tpu.memory_space<vmem>>, vector<16xi32>,
      %gt3A_580 = arith.cmpf ogt, %get3A_577, %select_n3A_574 : vector<16xf32>
      %eq3A_581 = arith.cmpf oeq, %get3A_577, %select_n3A_574 : vector<16xf32>
      %lt3A_582 = arith.cmpi slt, %get3A_579, %select_n3A_575 : vector<16xi32>
      %and3A_583 = arith.andi %eq3A_581, %lt3A_582 : vector<16xi1>
      %or3A_584 = arith.ori %gt3A_580, %and3A_583 : vector<16xi1>
      %select_n3A_585 = arith.select %or3A_584, %get3A_577, %select_n3A_574 : vector<16xi1>, vector<16xf32>
      %select_n3A_586 = arith.select %or3A_584, %get3A_579, %select_n3A_575 : vector<16xi1>, vector<16xi32>
      %get3A_587 = arith.constant 1152 : index
      %get3A_588 = tpu.vector_load %arg11[%get3A_587] {strides = array<i32>} : memref<2048xf32, #tpu.memory_space<vmem>>, vector<16xf32>,
      %get3A_589 = arith.constant 1152 : index
      %get3A_590 = tpu.vector_load %arg12[%get3A_589] {strides = array<i32>} : memref<2048xi32, #tpu.memory_space<vmem>>, vector<16xi32>,
      %gt3A_591 = arith.cmpf ogt, %get3A_588, %select_n3A_585 : vector<16xf32>
      %eq3A_592 = arith.cmpf oeq, %get3A_588, %select_n3A_585 : vector<16xf32>
      %lt3A_593 = arith.cmpi slt, %get3A_590, %select_n3A_586 : vector<16xi32>
      %and3A_594 = arith.andi %eq3A_592, %lt3A_593 : vector<16xi1>
      %or3A_595 = arith.ori %gt3A_591, %and3A_594 : vector<16xi1>
      %select_n3A_596 = arith.select %or3A_595, %get3A_588, %select_n3A_585 : vector<16xi1>, vector<16xf32>
      %select_n3A_597 = arith.select %or3A_595, %get3A_590, %select_n3A_586 : vector<16xi1>, vector<16xi32>
      %get3A_598 = arith.constant 1280 : index
      %get3A_599 = tpu.vector_load %arg11[%get3A_598] {strides = array<i32>} : memref<2048xf32, #tpu.memory_space<vmem>>, vector<16xf32>,
      %get3A_600 = arith.constant 1280 : index
      %get3A_601 = tpu.vector_load %arg12[%get3A_600] {strides = array<i32>} : memref<2048xi32, #tpu.memory_space<vmem>>, vector<16xi32>,
      %gt3A_602 = arith.cmpf ogt, %get3A_599, %select_n3A_596 : vector<16xf32>
      %eq3A_603 = arith.cmpf oeq, %get3A_599, %select_n3A_596 : vector<16xf32>
      %lt3A_604 = arith.cmpi slt, %get3A_601, %select_n3A_597 : vector<16xi32>
      %and3A_605 = arith.andi %eq3A_603, %lt3A_604 : vector<16xi1>
      %or3A_606 = arith.ori %gt3A_602, %and3A_605 : vector<16xi1>
      %select_n3A_607 = arith.select %or3A_606, %get3A_599, %select_n3A_596 : vector<16xi1>, vector<16xf32>
      %select_n3A_608 = arith.select %or3A_606, %get3A_601, %select_n3A_597 : vector<16xi1>, vector<16xi32>
      %get3A_609 = arith.constant 1408 : index
      %get3A_610 = tpu.vector_load %arg11[%get3A_609] {strides = array<i32>} : memref<2048xf32, #tpu.memory_space<vmem>>, vector<16xf32>,
      %get3A_611 = arith.constant 1408 : index
      %get3A_612 = tpu.vector_load %arg12[%get3A_611] {strides = array<i32>} : memref<2048xi32, #tpu.memory_space<vmem>>, vector<16xi32>,
      %gt3A_613 = arith.cmpf ogt, %get3A_610, %select_n3A_607 : vector<16xf32>
      %eq3A_614 = arith.cmpf oeq, %get3A_610, %select_n3A_607 : vector<16xf32>
      %lt3A_615 = arith.cmpi slt, %get3A_612, %select_n3A_608 : vector<16xi32>
      %and3A_616 = arith.andi %eq3A_614, %lt3A_615 : vector<16xi1>
      %or3A_617 = arith.ori %gt3A_613, %and3A_616 : vector<16xi1>
      %select_n3A_618 = arith.select %or3A_617, %get3A_610, %select_n3A_607 : vector<16xi1>, vector<16xf32>
      %select_n3A_619 = arith.select %or3A_617, %get3A_612, %select_n3A_608 : vector<16xi1>, vector<16xi32>
      %get3A_620 = arith.constant 1536 : index
      %get3A_621 = tpu.vector_load %arg11[%get3A_620] {strides = array<i32>} : memref<2048xf32, #tpu.memory_space<vmem>>, vector<16xf32>,
      %get3A_622 = arith.constant 1536 : index
      %get3A_623 = tpu.vector_load %arg12[%get3A_622] {strides = array<i32>} : memref<2048xi32, #tpu.memory_space<vmem>>, vector<16xi32>,
      %gt3A_624 = arith.cmpf ogt, %get3A_621, %select_n3A_618 : vector<16xf32>
      %eq3A_625 = arith.cmpf oeq, %get3A_621, %select_n3A_618 : vector<16xf32>
      %lt3A_626 = arith.cmpi slt, %get3A_623, %select_n3A_619 : vector<16xi32>
      %and3A_627 = arith.andi %eq3A_625, %lt3A_626 : vector<16xi1>
      %or3A_628 = arith.ori %gt3A_624, %and3A_627 : vector<16xi1>
      %select_n3A_629 = arith.select %or3A_628, %get3A_621, %select_n3A_618 : vector<16xi1>, vector<16xf32>
      %select_n3A_630 = arith.select %or3A_628, %get3A_623, %select_n3A_619 : vector<16xi1>, vector<16xi32>
      %get3A_631 = arith.constant 1664 : index
      %get3A_632 = tpu.vector_load %arg11[%get3A_631] {strides = array<i32>} : memref<2048xf32, #tpu.memory_space<vmem>>, vector<16xf32>,
      %get3A_633 = arith.constant 1664 : index
      %get3A_634 = tpu.vector_load %arg12[%get3A_633] {strides = array<i32>} : memref<2048xi32, #tpu.memory_space<vmem>>, vector<16xi32>,
      %gt3A_635 = arith.cmpf ogt, %get3A_632, %select_n3A_629 : vector<16xf32>
      %eq3A_636 = arith.cmpf oeq, %get3A_632, %select_n3A_629 : vector<16xf32>
      %lt3A_637 = arith.cmpi slt, %get3A_634, %select_n3A_630 : vector<16xi32>
      %and3A_638 = arith.andi %eq3A_636, %lt3A_637 : vector<16xi1>
      %or3A_639 = arith.ori %gt3A_635, %and3A_638 : vector<16xi1>
      %select_n3A_640 = arith.select %or3A_639, %get3A_632, %select_n3A_629 : vector<16xi1>, vector<16xf32>
      %select_n3A_641 = arith.select %or3A_639, %get3A_634, %select_n3A_630 : vector<16xi1>, vector<16xi32>
      %get3A_642 = arith.constant 1792 : index
      %get3A_643 = tpu.vector_load %arg11[%get3A_642] {strides = array<i32>} : memref<2048xf32, #tpu.memory_space<vmem>>, vector<16xf32>,
      %get3A_644 = arith.constant 1792 : index
      %get3A_645 = tpu.vector_load %arg12[%get3A_644] {strides = array<i32>} : memref<2048xi32, #tpu.memory_space<vmem>>, vector<16xi32>,
      %gt3A_646 = arith.cmpf ogt, %get3A_643, %select_n3A_640 : vector<16xf32>
      %eq3A_647 = arith.cmpf oeq, %get3A_643, %select_n3A_640 : vector<16xf32>
      %lt3A_648 = arith.cmpi slt, %get3A_645, %select_n3A_641 : vector<16xi32>
      %and3A_649 = arith.andi %eq3A_647, %lt3A_648 : vector<16xi1>
      %or3A_650 = arith.ori %gt3A_646, %and3A_649 : vector<16xi1>
      %select_n3A_651 = arith.select %or3A_650, %get3A_643, %select_n3A_640 : vector<16xi1>, vector<16xf32>
      %select_n3A_652 = arith.select %or3A_650, %get3A_645, %select_n3A_641 : vector<16xi1>, vector<16xi32>
      %get3A_653 = arith.constant 1920 : index
      %get3A_654 = tpu.vector_load %arg11[%get3A_653] {strides = array<i32>} : memref<2048xf32, #tpu.memory_space<vmem>>, vector<16xf32>,
      %get3A_655 = arith.constant 1920 : index
      %get3A_656 = tpu.vector_load %arg12[%get3A_655] {strides = array<i32>} : memref<2048xi32, #tpu.memory_space<vmem>>, vector<16xi32>,
      %gt3A_657 = arith.cmpf ogt, %get3A_654, %select_n3A_651 : vector<16xf32>
      %eq3A_658 = arith.cmpf oeq, %get3A_654, %select_n3A_651 : vector<16xf32>
      %lt3A_659 = arith.cmpi slt, %get3A_656, %select_n3A_652 : vector<16xi32>
      %and3A_660 = arith.andi %eq3A_658, %lt3A_659 : vector<16xi1>
      %or3A_661 = arith.ori %gt3A_657, %and3A_660 : vector<16xi1>
      %select_n3A_662 = arith.select %or3A_661, %get3A_654, %select_n3A_651 : vector<16xi1>, vector<16xf32>
      %select_n3A_663 = arith.select %or3A_661, %get3A_656, %select_n3A_652 : vector<16xi1>, vector<16xi32>
      %lt3A_664 = arith.constant 50000 : i32
      %lt3A_665 = vector.broadcast %lt3A_664 : i32 to vector<16xi32>
      %lt3A_666 = arith.cmpi slt, %select_n3A_663, %lt3A_665 : vector<16xi32>
      %jit3A = arith.constant 51199 : i32
      %broadcast_in_dim3A = vector.broadcast %jit3A : i32 to vector<16xi32>
      %select_n3A_667 = arith.select %lt3A_666, %select_n3A_663, %broadcast_in_dim3A : vector<16xi1>, vector<16xi32>
      %swap3A = arith.constant 0 : index
      %swap3A_668 = tpu.vector_load %arg13[%swap3A] {strides = array<i32>} : memref<128xi32, #tpu.memory_space<vmem>>, vector<16xi32>,
      tpu.vector_store %arg13[%swap3A], %select_n3A_667 {strides = array<i32>} : memref<128xi32, #tpu.memory_space<vmem>>, vector<16xi32>,
      %broadcast_in_dim3A_669 = arith.constant 1.000000e+00 : f32
      %broadcast_in_dim3A_670 = vector.broadcast %broadcast_in_dim3A_669 : f32 to vector<16xf32>
      %swap3A_671 = arith.constant 0 : index
      %swap3A_672 = tpu.vector_load %arg14[%swap3A_671] {strides = array<i32>} : memref<128xf32, #tpu.memory_space<vmem>>, vector<16xf32>,
      tpu.vector_store %arg14[%swap3A_671], %broadcast_in_dim3A_670 {strides = array<i32>} : memref<128xf32, #tpu.memory_space<vmem>>, vector<16xf32>,
      %get3A_673 = arith.constant 16 : index
      %get3A_674 = tpu.vector_load %arg11[%get3A_673] {strides = array<i32>} : memref<2048xf32, #tpu.memory_space<vmem>>, vector<16xf32>,
      %get3A_675 = arith.constant 16 : index
      %get3A_676 = tpu.vector_load %arg12[%get3A_675] {strides = array<i32>} : memref<2048xi32, #tpu.memory_space<vmem>>, vector<16xi32>,
      %get3A_677 = arith.constant 144 : index
      %get3A_678 = tpu.vector_load %arg11[%get3A_677] {strides = array<i32>} : memref<2048xf32, #tpu.memory_space<vmem>>, vector<16xf32>,
      %get3A_679 = arith.constant 144 : index
      %get3A_680 = tpu.vector_load %arg12[%get3A_679] {strides = array<i32>} : memref<2048xi32, #tpu.memory_space<vmem>>, vector<16xi32>,
      %gt3A_681 = arith.cmpf ogt, %get3A_678, %get3A_674 : vector<16xf32>
      %eq3A_682 = arith.cmpf oeq, %get3A_678, %get3A_674 : vector<16xf32>
      %lt3A_683 = arith.cmpi slt, %get3A_680, %get3A_676 : vector<16xi32>
      %and3A_684 = arith.andi %eq3A_682, %lt3A_683 : vector<16xi1>
      %or3A_685 = arith.ori %gt3A_681, %and3A_684 : vector<16xi1>
      %select_n3A_686 = arith.select %or3A_685, %get3A_678, %get3A_674 : vector<16xi1>, vector<16xf32>
      %select_n3A_687 = arith.select %or3A_685, %get3A_680, %get3A_676 : vector<16xi1>, vector<16xi32>
      %get3A_688 = arith.constant 272 : index
      %get3A_689 = tpu.vector_load %arg11[%get3A_688] {strides = array<i32>} : memref<2048xf32, #tpu.memory_space<vmem>>, vector<16xf32>,
      %get3A_690 = arith.constant 272 : index
      %get3A_691 = tpu.vector_load %arg12[%get3A_690] {strides = array<i32>} : memref<2048xi32, #tpu.memory_space<vmem>>, vector<16xi32>,
      %gt3A_692 = arith.cmpf ogt, %get3A_689, %select_n3A_686 : vector<16xf32>
      %eq3A_693 = arith.cmpf oeq, %get3A_689, %select_n3A_686 : vector<16xf32>
      %lt3A_694 = arith.cmpi slt, %get3A_691, %select_n3A_687 : vector<16xi32>
      %and3A_695 = arith.andi %eq3A_693, %lt3A_694 : vector<16xi1>
      %or3A_696 = arith.ori %gt3A_692, %and3A_695 : vector<16xi1>
      %select_n3A_697 = arith.select %or3A_696, %get3A_689, %select_n3A_686 : vector<16xi1>, vector<16xf32>
      %select_n3A_698 = arith.select %or3A_696, %get3A_691, %select_n3A_687 : vector<16xi1>, vector<16xi32>
      %get3A_699 = arith.constant 400 : index
      %get3A_700 = tpu.vector_load %arg11[%get3A_699] {strides = array<i32>} : memref<2048xf32, #tpu.memory_space<vmem>>, vector<16xf32>,
      %get3A_701 = arith.constant 400 : index
      %get3A_702 = tpu.vector_load %arg12[%get3A_701] {strides = array<i32>} : memref<2048xi32, #tpu.memory_space<vmem>>, vector<16xi32>,
      %gt3A_703 = arith.cmpf ogt, %get3A_700, %select_n3A_697 : vector<16xf32>
      %eq3A_704 = arith.cmpf oeq, %get3A_700, %select_n3A_697 : vector<16xf32>
      %lt3A_705 = arith.cmpi slt, %get3A_702, %select_n3A_698 : vector<16xi32>
      %and3A_706 = arith.andi %eq3A_704, %lt3A_705 : vector<16xi1>
      %or3A_707 = arith.ori %gt3A_703, %and3A_706 : vector<16xi1>
      %select_n3A_708 = arith.select %or3A_707, %get3A_700, %select_n3A_697 : vector<16xi1>, vector<16xf32>
      %select_n3A_709 = arith.select %or3A_707, %get3A_702, %select_n3A_698 : vector<16xi1>, vector<16xi32>
      %get3A_710 = arith.constant 528 : index
      %get3A_711 = tpu.vector_load %arg11[%get3A_710] {strides = array<i32>} : memref<2048xf32, #tpu.memory_space<vmem>>, vector<16xf32>,
      %get3A_712 = arith.constant 528 : index
      %get3A_713 = tpu.vector_load %arg12[%get3A_712] {strides = array<i32>} : memref<2048xi32, #tpu.memory_space<vmem>>, vector<16xi32>,
      %gt3A_714 = arith.cmpf ogt, %get3A_711, %select_n3A_708 : vector<16xf32>
      %eq3A_715 = arith.cmpf oeq, %get3A_711, %select_n3A_708 : vector<16xf32>
      %lt3A_716 = arith.cmpi slt, %get3A_713, %select_n3A_709 : vector<16xi32>
      %and3A_717 = arith.andi %eq3A_715, %lt3A_716 : vector<16xi1>
      %or3A_718 = arith.ori %gt3A_714, %and3A_717 : vector<16xi1>
      %select_n3A_719 = arith.select %or3A_718, %get3A_711, %select_n3A_708 : vector<16xi1>, vector<16xf32>
      %select_n3A_720 = arith.select %or3A_718, %get3A_713, %select_n3A_709 : vector<16xi1>, vector<16xi32>
      %get3A_721 = arith.constant 656 : index
      %get3A_722 = tpu.vector_load %arg11[%get3A_721] {strides = array<i32>} : memref<2048xf32, #tpu.memory_space<vmem>>, vector<16xf32>,
      %get3A_723 = arith.constant 656 : index
      %get3A_724 = tpu.vector_load %arg12[%get3A_723] {strides = array<i32>} : memref<2048xi32, #tpu.memory_space<vmem>>, vector<16xi32>,
      %gt3A_725 = arith.cmpf ogt, %get3A_722, %select_n3A_719 : vector<16xf32>
      %eq3A_726 = arith.cmpf oeq, %get3A_722, %select_n3A_719 : vector<16xf32>
      %lt3A_727 = arith.cmpi slt, %get3A_724, %select_n3A_720 : vector<16xi32>
      %and3A_728 = arith.andi %eq3A_726, %lt3A_727 : vector<16xi1>
      %or3A_729 = arith.ori %gt3A_725, %and3A_728 : vector<16xi1>
      %select_n3A_730 = arith.select %or3A_729, %get3A_722, %select_n3A_719 : vector<16xi1>, vector<16xf32>
      %select_n3A_731 = arith.select %or3A_729, %get3A_724, %select_n3A_720 : vector<16xi1>, vector<16xi32>
      %get3A_732 = arith.constant 784 : index
      %get3A_733 = tpu.vector_load %arg11[%get3A_732] {strides = array<i32>} : memref<2048xf32, #tpu.memory_space<vmem>>, vector<16xf32>,
      %get3A_734 = arith.constant 784 : index
      %get3A_735 = tpu.vector_load %arg12[%get3A_734] {strides = array<i32>} : memref<2048xi32, #tpu.memory_space<vmem>>, vector<16xi32>,
      %gt3A_736 = arith.cmpf ogt, %get3A_733, %select_n3A_730 : vector<16xf32>
      %eq3A_737 = arith.cmpf oeq, %get3A_733, %select_n3A_730 : vector<16xf32>
      %lt3A_738 = arith.cmpi slt, %get3A_735, %select_n3A_731 : vector<16xi32>
      %and3A_739 = arith.andi %eq3A_737, %lt3A_738 : vector<16xi1>
      %or3A_740 = arith.ori %gt3A_736, %and3A_739 : vector<16xi1>
      %select_n3A_741 = arith.select %or3A_740, %get3A_733, %select_n3A_730 : vector<16xi1>, vector<16xf32>
      %select_n3A_742 = arith.select %or3A_740, %get3A_735, %select_n3A_731 : vector<16xi1>, vector<16xi32>
      %get3A_743 = arith.constant 912 : index
      %get3A_744 = tpu.vector_load %arg11[%get3A_743] {strides = array<i32>} : memref<2048xf32, #tpu.memory_space<vmem>>, vector<16xf32>,
      %get3A_745 = arith.constant 912 : index
      %get3A_746 = tpu.vector_load %arg12[%get3A_745] {strides = array<i32>} : memref<2048xi32, #tpu.memory_space<vmem>>, vector<16xi32>,
      %gt3A_747 = arith.cmpf ogt, %get3A_744, %select_n3A_741 : vector<16xf32>
      %eq3A_748 = arith.cmpf oeq, %get3A_744, %select_n3A_741 : vector<16xf32>
      %lt3A_749 = arith.cmpi slt, %get3A_746, %select_n3A_742 : vector<16xi32>
      %and3A_750 = arith.andi %eq3A_748, %lt3A_749 : vector<16xi1>
      %or3A_751 = arith.ori %gt3A_747, %and3A_750 : vector<16xi1>
      %select_n3A_752 = arith.select %or3A_751, %get3A_744, %select_n3A_741 : vector<16xi1>, vector<16xf32>
      %select_n3A_753 = arith.select %or3A_751, %get3A_746, %select_n3A_742 : vector<16xi1>, vector<16xi32>
      %get3A_754 = arith.constant 1040 : index
      %get3A_755 = tpu.vector_load %arg11[%get3A_754] {strides = array<i32>} : memref<2048xf32, #tpu.memory_space<vmem>>, vector<16xf32>,
      %get3A_756 = arith.constant 1040 : index
      %get3A_757 = tpu.vector_load %arg12[%get3A_756] {strides = array<i32>} : memref<2048xi32, #tpu.memory_space<vmem>>, vector<16xi32>,
      %gt3A_758 = arith.cmpf ogt, %get3A_755, %select_n3A_752 : vector<16xf32>
      %eq3A_759 = arith.cmpf oeq, %get3A_755, %select_n3A_752 : vector<16xf32>
      %lt3A_760 = arith.cmpi slt, %get3A_757, %select_n3A_753 : vector<16xi32>
      %and3A_761 = arith.andi %eq3A_759, %lt3A_760 : vector<16xi1>
      %or3A_762 = arith.ori %gt3A_758, %and3A_761 : vector<16xi1>
      %select_n3A_763 = arith.select %or3A_762, %get3A_755, %select_n3A_752 : vector<16xi1>, vector<16xf32>
      %select_n3A_764 = arith.select %or3A_762, %get3A_757, %select_n3A_753 : vector<16xi1>, vector<16xi32>
      %get3A_765 = arith.constant 1168 : index
      %get3A_766 = tpu.vector_load %arg11[%get3A_765] {strides = array<i32>} : memref<2048xf32, #tpu.memory_space<vmem>>, vector<16xf32>,
      %get3A_767 = arith.constant 1168 : index
      %get3A_768 = tpu.vector_load %arg12[%get3A_767] {strides = array<i32>} : memref<2048xi32, #tpu.memory_space<vmem>>, vector<16xi32>,
      %gt3A_769 = arith.cmpf ogt, %get3A_766, %select_n3A_763 : vector<16xf32>
      %eq3A_770 = arith.cmpf oeq, %get3A_766, %select_n3A_763 : vector<16xf32>
      %lt3A_771 = arith.cmpi slt, %get3A_768, %select_n3A_764 : vector<16xi32>
      %and3A_772 = arith.andi %eq3A_770, %lt3A_771 : vector<16xi1>
      %or3A_773 = arith.ori %gt3A_769, %and3A_772 : vector<16xi1>
      %select_n3A_774 = arith.select %or3A_773, %get3A_766, %select_n3A_763 : vector<16xi1>, vector<16xf32>
      %select_n3A_775 = arith.select %or3A_773, %get3A_768, %select_n3A_764 : vector<16xi1>, vector<16xi32>
      %get3A_776 = arith.constant 1296 : index
      %get3A_777 = tpu.vector_load %arg11[%get3A_776] {strides = array<i32>} : memref<2048xf32, #tpu.memory_space<vmem>>, vector<16xf32>,
      %get3A_778 = arith.constant 1296 : index
      %get3A_779 = tpu.vector_load %arg12[%get3A_778] {strides = array<i32>} : memref<2048xi32, #tpu.memory_space<vmem>>, vector<16xi32>,
      %gt3A_780 = arith.cmpf ogt, %get3A_777, %select_n3A_774 : vector<16xf32>
      %eq3A_781 = arith.cmpf oeq, %get3A_777, %select_n3A_774 : vector<16xf32>
      %lt3A_782 = arith.cmpi slt, %get3A_779, %select_n3A_775 : vector<16xi32>
      %and3A_783 = arith.andi %eq3A_781, %lt3A_782 : vector<16xi1>
      %or3A_784 = arith.ori %gt3A_780, %and3A_783 : vector<16xi1>
      %select_n3A_785 = arith.select %or3A_784, %get3A_777, %select_n3A_774 : vector<16xi1>, vector<16xf32>
      %select_n3A_786 = arith.select %or3A_784, %get3A_779, %select_n3A_775 : vector<16xi1>, vector<16xi32>
      %get3A_787 = arith.constant 1424 : index
      %get3A_788 = tpu.vector_load %arg11[%get3A_787] {strides = array<i32>} : memref<2048xf32, #tpu.memory_space<vmem>>, vector<16xf32>,
      %get3A_789 = arith.constant 1424 : index
      %get3A_790 = tpu.vector_load %arg12[%get3A_789] {strides = array<i32>} : memref<2048xi32, #tpu.memory_space<vmem>>, vector<16xi32>,
      %gt3A_791 = arith.cmpf ogt, %get3A_788, %select_n3A_785 : vector<16xf32>
      %eq3A_792 = arith.cmpf oeq, %get3A_788, %select_n3A_785 : vector<16xf32>
      %lt3A_793 = arith.cmpi slt, %get3A_790, %select_n3A_786 : vector<16xi32>
      %and3A_794 = arith.andi %eq3A_792, %lt3A_793 : vector<16xi1>
      %or3A_795 = arith.ori %gt3A_791, %and3A_794 : vector<16xi1>
      %select_n3A_796 = arith.select %or3A_795, %get3A_788, %select_n3A_785 : vector<16xi1>, vector<16xf32>
      %select_n3A_797 = arith.select %or3A_795, %get3A_790, %select_n3A_786 : vector<16xi1>, vector<16xi32>
      %get3A_798 = arith.constant 1552 : index
      %get3A_799 = tpu.vector_load %arg11[%get3A_798] {strides = array<i32>} : memref<2048xf32, #tpu.memory_space<vmem>>, vector<16xf32>,
      %get3A_800 = arith.constant 1552 : index
      %get3A_801 = tpu.vector_load %arg12[%get3A_800] {strides = array<i32>} : memref<2048xi32, #tpu.memory_space<vmem>>, vector<16xi32>,
      %gt3A_802 = arith.cmpf ogt, %get3A_799, %select_n3A_796 : vector<16xf32>
      %eq3A_803 = arith.cmpf oeq, %get3A_799, %select_n3A_796 : vector<16xf32>
      %lt3A_804 = arith.cmpi slt, %get3A_801, %select_n3A_797 : vector<16xi32>
      %and3A_805 = arith.andi %eq3A_803, %lt3A_804 : vector<16xi1>
      %or3A_806 = arith.ori %gt3A_802, %and3A_805 : vector<16xi1>
      %select_n3A_807 = arith.select %or3A_806, %get3A_799, %select_n3A_796 : vector<16xi1>, vector<16xf32>
      %select_n3A_808 = arith.select %or3A_806, %get3A_801, %select_n3A_797 : vector<16xi1>, vector<16xi32>
      %get3A_809 = arith.constant 1680 : index
      %get3A_810 = tpu.vector_load %arg11[%get3A_809] {strides = array<i32>} : memref<2048xf32, #tpu.memory_space<vmem>>, vector<16xf32>,
      %get3A_811 = arith.constant 1680 : index
      %get3A_812 = tpu.vector_load %arg12[%get3A_811] {strides = array<i32>} : memref<2048xi32, #tpu.memory_space<vmem>>, vector<16xi32>,
      %gt3A_813 = arith.cmpf ogt, %get3A_810, %select_n3A_807 : vector<16xf32>
      %eq3A_814 = arith.cmpf oeq, %get3A_810, %select_n3A_807 : vector<16xf32>
      %lt3A_815 = arith.cmpi slt, %get3A_812, %select_n3A_808 : vector<16xi32>
      %and3A_816 = arith.andi %eq3A_814, %lt3A_815 : vector<16xi1>
      %or3A_817 = arith.ori %gt3A_813, %and3A_816 : vector<16xi1>
      %select_n3A_818 = arith.select %or3A_817, %get3A_810, %select_n3A_807 : vector<16xi1>, vector<16xf32>
      %select_n3A_819 = arith.select %or3A_817, %get3A_812, %select_n3A_808 : vector<16xi1>, vector<16xi32>
      %get3A_820 = arith.constant 1808 : index
      %get3A_821 = tpu.vector_load %arg11[%get3A_820] {strides = array<i32>} : memref<2048xf32, #tpu.memory_space<vmem>>, vector<16xf32>,
      %get3A_822 = arith.constant 1808 : index
      %get3A_823 = tpu.vector_load %arg12[%get3A_822] {strides = array<i32>} : memref<2048xi32, #tpu.memory_space<vmem>>, vector<16xi32>,
      %gt3A_824 = arith.cmpf ogt, %get3A_821, %select_n3A_818 : vector<16xf32>
      %eq3A_825 = arith.cmpf oeq, %get3A_821, %select_n3A_818 : vector<16xf32>
      %lt3A_826 = arith.cmpi slt, %get3A_823, %select_n3A_819 : vector<16xi32>
      %and3A_827 = arith.andi %eq3A_825, %lt3A_826 : vector<16xi1>
      %or3A_828 = arith.ori %gt3A_824, %and3A_827 : vector<16xi1>
      %select_n3A_829 = arith.select %or3A_828, %get3A_821, %select_n3A_818 : vector<16xi1>, vector<16xf32>
      %select_n3A_830 = arith.select %or3A_828, %get3A_823, %select_n3A_819 : vector<16xi1>, vector<16xi32>
      %get3A_831 = arith.constant 1936 : index
      %get3A_832 = tpu.vector_load %arg11[%get3A_831] {strides = array<i32>} : memref<2048xf32, #tpu.memory_space<vmem>>, vector<16xf32>,
      %get3A_833 = arith.constant 1936 : index
      %get3A_834 = tpu.vector_load %arg12[%get3A_833] {strides = array<i32>} : memref<2048xi32, #tpu.memory_space<vmem>>, vector<16xi32>,
      %gt3A_835 = arith.cmpf ogt, %get3A_832, %select_n3A_829 : vector<16xf32>
      %eq3A_836 = arith.cmpf oeq, %get3A_832, %select_n3A_829 : vector<16xf32>
      %lt3A_837 = arith.cmpi slt, %get3A_834, %select_n3A_830 : vector<16xi32>
      %and3A_838 = arith.andi %eq3A_836, %lt3A_837 : vector<16xi1>
      %or3A_839 = arith.ori %gt3A_835, %and3A_838 : vector<16xi1>
      %select_n3A_840 = arith.select %or3A_839, %get3A_832, %select_n3A_829 : vector<16xi1>, vector<16xf32>
      %select_n3A_841 = arith.select %or3A_839, %get3A_834, %select_n3A_830 : vector<16xi1>, vector<16xi32>
      %lt3A_842 = arith.constant 50000 : i32
      %lt3A_843 = vector.broadcast %lt3A_842 : i32 to vector<16xi32>
      %lt3A_844 = arith.cmpi slt, %select_n3A_841, %lt3A_843 : vector<16xi32>
      %jit3A_845 = arith.constant 51199 : i32
      %broadcast_in_dim3A_846 = vector.broadcast %jit3A_845 : i32 to vector<16xi32>
      %select_n3A_847 = arith.select %lt3A_844, %select_n3A_841, %broadcast_in_dim3A_846 : vector<16xi1>, vector<16xi32>
      %swap3A_848 = arith.constant 16 : index
      %swap3A_849 = tpu.vector_load %arg13[%swap3A_848] {strides = array<i32>} : memref<128xi32, #tpu.memory_space<vmem>>, vector<16xi32>,
      tpu.vector_store %arg13[%swap3A_848], %select_n3A_847 {strides = array<i32>} : memref<128xi32, #tpu.memory_space<vmem>>, vector<16xi32>,
      %broadcast_in_dim3A_850 = arith.constant 1.000000e+00 : f32
      %broadcast_in_dim3A_851 = vector.broadcast %broadcast_in_dim3A_850 : f32 to vector<16xf32>
      %swap3A_852 = arith.constant 16 : index
      %swap3A_853 = tpu.vector_load %arg14[%swap3A_852] {strides = array<i32>} : memref<128xf32, #tpu.memory_space<vmem>>, vector<16xf32>,
      tpu.vector_store %arg14[%swap3A_852], %broadcast_in_dim3A_851 {strides = array<i32>} : memref<128xf32, #tpu.memory_space<vmem>>, vector<16xf32>,
      %get3A_854 = arith.constant 32 : index
      %get3A_855 = tpu.vector_load %arg11[%get3A_854] {strides = array<i32>} : memref<2048xf32, #tpu.memory_space<vmem>>, vector<16xf32>,
      %get3A_856 = arith.constant 32 : index
      %get3A_857 = tpu.vector_load %arg12[%get3A_856] {strides = array<i32>} : memref<2048xi32, #tpu.memory_space<vmem>>, vector<16xi32>,
      %get3A_858 = arith.constant 160 : index
      %get3A_859 = tpu.vector_load %arg11[%get3A_858] {strides = array<i32>} : memref<2048xf32, #tpu.memory_space<vmem>>, vector<16xf32>,
      %get3A_860 = arith.constant 160 : index
      %get3A_861 = tpu.vector_load %arg12[%get3A_860] {strides = array<i32>} : memref<2048xi32, #tpu.memory_space<vmem>>, vector<16xi32>,
      %gt3A_862 = arith.cmpf ogt, %get3A_859, %get3A_855 : vector<16xf32>
      %eq3A_863 = arith.cmpf oeq, %get3A_859, %get3A_855 : vector<16xf32>
      %lt3A_864 = arith.cmpi slt, %get3A_861, %get3A_857 : vector<16xi32>
      %and3A_865 = arith.andi %eq3A_863, %lt3A_864 : vector<16xi1>
      %or3A_866 = arith.ori %gt3A_862, %and3A_865 : vector<16xi1>
      %select_n3A_867 = arith.select %or3A_866, %get3A_859, %get3A_855 : vector<16xi1>, vector<16xf32>
      %select_n3A_868 = arith.select %or3A_866, %get3A_861, %get3A_857 : vector<16xi1>, vector<16xi32>
      %get3A_869 = arith.constant 288 : index
      %get3A_870 = tpu.vector_load %arg11[%get3A_869] {strides = array<i32>} : memref<2048xf32, #tpu.memory_space<vmem>>, vector<16xf32>,
      %get3A_871 = arith.constant 288 : index
      %get3A_872 = tpu.vector_load %arg12[%get3A_871] {strides = array<i32>} : memref<2048xi32, #tpu.memory_space<vmem>>, vector<16xi32>,
      %gt3A_873 = arith.cmpf ogt, %get3A_870, %select_n3A_867 : vector<16xf32>
      %eq3A_874 = arith.cmpf oeq, %get3A_870, %select_n3A_867 : vector<16xf32>
      %lt3A_875 = arith.cmpi slt, %get3A_872, %select_n3A_868 : vector<16xi32>
      %and3A_876 = arith.andi %eq3A_874, %lt3A_875 : vector<16xi1>
      %or3A_877 = arith.ori %gt3A_873, %and3A_876 : vector<16xi1>
      %select_n3A_878 = arith.select %or3A_877, %get3A_870, %select_n3A_867 : vector<16xi1>, vector<16xf32>
      %select_n3A_879 = arith.select %or3A_877, %get3A_872, %select_n3A_868 : vector<16xi1>, vector<16xi32>
      %get3A_880 = arith.constant 416 : index
      %get3A_881 = tpu.vector_load %arg11[%get3A_880] {strides = array<i32>} : memref<2048xf32, #tpu.memory_space<vmem>>, vector<16xf32>,
      %get3A_882 = arith.constant 416 : index
      %get3A_883 = tpu.vector_load %arg12[%get3A_882] {strides = array<i32>} : memref<2048xi32, #tpu.memory_space<vmem>>, vector<16xi32>,
      %gt3A_884 = arith.cmpf ogt, %get3A_881, %select_n3A_878 : vector<16xf32>
      %eq3A_885 = arith.cmpf oeq, %get3A_881, %select_n3A_878 : vector<16xf32>
      %lt3A_886 = arith.cmpi slt, %get3A_883, %select_n3A_879 : vector<16xi32>
      %and3A_887 = arith.andi %eq3A_885, %lt3A_886 : vector<16xi1>
      %or3A_888 = arith.ori %gt3A_884, %and3A_887 : vector<16xi1>
      %select_n3A_889 = arith.select %or3A_888, %get3A_881, %select_n3A_878 : vector<16xi1>, vector<16xf32>
      %select_n3A_890 = arith.select %or3A_888, %get3A_883, %select_n3A_879 : vector<16xi1>, vector<16xi32>
      %get3A_891 = arith.constant 544 : index
      %get3A_892 = tpu.vector_load %arg11[%get3A_891] {strides = array<i32>} : memref<2048xf32, #tpu.memory_space<vmem>>, vector<16xf32>,
      %get3A_893 = arith.constant 544 : index
      %get3A_894 = tpu.vector_load %arg12[%get3A_893] {strides = array<i32>} : memref<2048xi32, #tpu.memory_space<vmem>>, vector<16xi32>,
      %gt3A_895 = arith.cmpf ogt, %get3A_892, %select_n3A_889 : vector<16xf32>
      %eq3A_896 = arith.cmpf oeq, %get3A_892, %select_n3A_889 : vector<16xf32>
      %lt3A_897 = arith.cmpi slt, %get3A_894, %select_n3A_890 : vector<16xi32>
      %and3A_898 = arith.andi %eq3A_896, %lt3A_897 : vector<16xi1>
      %or3A_899 = arith.ori %gt3A_895, %and3A_898 : vector<16xi1>
      %select_n3A_900 = arith.select %or3A_899, %get3A_892, %select_n3A_889 : vector<16xi1>, vector<16xf32>
      %select_n3A_901 = arith.select %or3A_899, %get3A_894, %select_n3A_890 : vector<16xi1>, vector<16xi32>
      %get3A_902 = arith.constant 672 : index
      %get3A_903 = tpu.vector_load %arg11[%get3A_902] {strides = array<i32>} : memref<2048xf32, #tpu.memory_space<vmem>>, vector<16xf32>,
      %get3A_904 = arith.constant 672 : index
      %get3A_905 = tpu.vector_load %arg12[%get3A_904] {strides = array<i32>} : memref<2048xi32, #tpu.memory_space<vmem>>, vector<16xi32>,
      %gt3A_906 = arith.cmpf ogt, %get3A_903, %select_n3A_900 : vector<16xf32>
      %eq3A_907 = arith.cmpf oeq, %get3A_903, %select_n3A_900 : vector<16xf32>
      %lt3A_908 = arith.cmpi slt, %get3A_905, %select_n3A_901 : vector<16xi32>
      %and3A_909 = arith.andi %eq3A_907, %lt3A_908 : vector<16xi1>
      %or3A_910 = arith.ori %gt3A_906, %and3A_909 : vector<16xi1>
      %select_n3A_911 = arith.select %or3A_910, %get3A_903, %select_n3A_900 : vector<16xi1>, vector<16xf32>
      %select_n3A_912 = arith.select %or3A_910, %get3A_905, %select_n3A_901 : vector<16xi1>, vector<16xi32>
      %get3A_913 = arith.constant 800 : index
      %get3A_914 = tpu.vector_load %arg11[%get3A_913] {strides = array<i32>} : memref<2048xf32, #tpu.memory_space<vmem>>, vector<16xf32>,
      %get3A_915 = arith.constant 800 : index
      %get3A_916 = tpu.vector_load %arg12[%get3A_915] {strides = array<i32>} : memref<2048xi32, #tpu.memory_space<vmem>>, vector<16xi32>,
      %gt3A_917 = arith.cmpf ogt, %get3A_914, %select_n3A_911 : vector<16xf32>
      %eq3A_918 = arith.cmpf oeq, %get3A_914, %select_n3A_911 : vector<16xf32>
      %lt3A_919 = arith.cmpi slt, %get3A_916, %select_n3A_912 : vector<16xi32>
      %and3A_920 = arith.andi %eq3A_918, %lt3A_919 : vector<16xi1>
      %or3A_921 = arith.ori %gt3A_917, %and3A_920 : vector<16xi1>
      %select_n3A_922 = arith.select %or3A_921, %get3A_914, %select_n3A_911 : vector<16xi1>, vector<16xf32>
      %select_n3A_923 = arith.select %or3A_921, %get3A_916, %select_n3A_912 : vector<16xi1>, vector<16xi32>
      %get3A_924 = arith.constant 928 : index
      %get3A_925 = tpu.vector_load %arg11[%get3A_924] {strides = array<i32>} : memref<2048xf32, #tpu.memory_space<vmem>>, vector<16xf32>,
      %get3A_926 = arith.constant 928 : index
      %get3A_927 = tpu.vector_load %arg12[%get3A_926] {strides = array<i32>} : memref<2048xi32, #tpu.memory_space<vmem>>, vector<16xi32>,
      %gt3A_928 = arith.cmpf ogt, %get3A_925, %select_n3A_922 : vector<16xf32>
      %eq3A_929 = arith.cmpf oeq, %get3A_925, %select_n3A_922 : vector<16xf32>
      %lt3A_930 = arith.cmpi slt, %get3A_927, %select_n3A_923 : vector<16xi32>
      %and3A_931 = arith.andi %eq3A_929, %lt3A_930 : vector<16xi1>
      %or3A_932 = arith.ori %gt3A_928, %and3A_931 : vector<16xi1>
      %select_n3A_933 = arith.select %or3A_932, %get3A_925, %select_n3A_922 : vector<16xi1>, vector<16xf32>
      %select_n3A_934 = arith.select %or3A_932, %get3A_927, %select_n3A_923 : vector<16xi1>, vector<16xi32>
      %get3A_935 = arith.constant 1056 : index
      %get3A_936 = tpu.vector_load %arg11[%get3A_935] {strides = array<i32>} : memref<2048xf32, #tpu.memory_space<vmem>>, vector<16xf32>,
      %get3A_937 = arith.constant 1056 : index
      %get3A_938 = tpu.vector_load %arg12[%get3A_937] {strides = array<i32>} : memref<2048xi32, #tpu.memory_space<vmem>>, vector<16xi32>,
      %gt3A_939 = arith.cmpf ogt, %get3A_936, %select_n3A_933 : vector<16xf32>
      %eq3A_940 = arith.cmpf oeq, %get3A_936, %select_n3A_933 : vector<16xf32>
      %lt3A_941 = arith.cmpi slt, %get3A_938, %select_n3A_934 : vector<16xi32>
      %and3A_942 = arith.andi %eq3A_940, %lt3A_941 : vector<16xi1>
      %or3A_943 = arith.ori %gt3A_939, %and3A_942 : vector<16xi1>
      %select_n3A_944 = arith.select %or3A_943, %get3A_936, %select_n3A_933 : vector<16xi1>, vector<16xf32>
      %select_n3A_945 = arith.select %or3A_943, %get3A_938, %select_n3A_934 : vector<16xi1>, vector<16xi32>
      %get3A_946 = arith.constant 1184 : index
      %get3A_947 = tpu.vector_load %arg11[%get3A_946] {strides = array<i32>} : memref<2048xf32, #tpu.memory_space<vmem>>, vector<16xf32>,
      %get3A_948 = arith.constant 1184 : index
      %get3A_949 = tpu.vector_load %arg12[%get3A_948] {strides = array<i32>} : memref<2048xi32, #tpu.memory_space<vmem>>, vector<16xi32>,
      %gt3A_950 = arith.cmpf ogt, %get3A_947, %select_n3A_944 : vector<16xf32>
      %eq3A_951 = arith.cmpf oeq, %get3A_947, %select_n3A_944 : vector<16xf32>
      %lt3A_952 = arith.cmpi slt, %get3A_949, %select_n3A_945 : vector<16xi32>
      %and3A_953 = arith.andi %eq3A_951, %lt3A_952 : vector<16xi1>
      %or3A_954 = arith.ori %gt3A_950, %and3A_953 : vector<16xi1>
      %select_n3A_955 = arith.select %or3A_954, %get3A_947, %select_n3A_944 : vector<16xi1>, vector<16xf32>
      %select_n3A_956 = arith.select %or3A_954, %get3A_949, %select_n3A_945 : vector<16xi1>, vector<16xi32>
      %get3A_957 = arith.constant 1312 : index
      %get3A_958 = tpu.vector_load %arg11[%get3A_957] {strides = array<i32>} : memref<2048xf32, #tpu.memory_space<vmem>>, vector<16xf32>,
      %get3A_959 = arith.constant 1312 : index
      %get3A_960 = tpu.vector_load %arg12[%get3A_959] {strides = array<i32>} : memref<2048xi32, #tpu.memory_space<vmem>>, vector<16xi32>,
      %gt3A_961 = arith.cmpf ogt, %get3A_958, %select_n3A_955 : vector<16xf32>
      %eq3A_962 = arith.cmpf oeq, %get3A_958, %select_n3A_955 : vector<16xf32>
      %lt3A_963 = arith.cmpi slt, %get3A_960, %select_n3A_956 : vector<16xi32>
      %and3A_964 = arith.andi %eq3A_962, %lt3A_963 : vector<16xi1>
      %or3A_965 = arith.ori %gt3A_961, %and3A_964 : vector<16xi1>
      %select_n3A_966 = arith.select %or3A_965, %get3A_958, %select_n3A_955 : vector<16xi1>, vector<16xf32>
      %select_n3A_967 = arith.select %or3A_965, %get3A_960, %select_n3A_956 : vector<16xi1>, vector<16xi32>
      %get3A_968 = arith.constant 1440 : index
      %get3A_969 = tpu.vector_load %arg11[%get3A_968] {strides = array<i32>} : memref<2048xf32, #tpu.memory_space<vmem>>, vector<16xf32>,
      %get3A_970 = arith.constant 1440 : index
      %get3A_971 = tpu.vector_load %arg12[%get3A_970] {strides = array<i32>} : memref<2048xi32, #tpu.memory_space<vmem>>, vector<16xi32>,
      %gt3A_972 = arith.cmpf ogt, %get3A_969, %select_n3A_966 : vector<16xf32>
      %eq3A_973 = arith.cmpf oeq, %get3A_969, %select_n3A_966 : vector<16xf32>
      %lt3A_974 = arith.cmpi slt, %get3A_971, %select_n3A_967 : vector<16xi32>
      %and3A_975 = arith.andi %eq3A_973, %lt3A_974 : vector<16xi1>
      %or3A_976 = arith.ori %gt3A_972, %and3A_975 : vector<16xi1>
      %select_n3A_977 = arith.select %or3A_976, %get3A_969, %select_n3A_966 : vector<16xi1>, vector<16xf32>
      %select_n3A_978 = arith.select %or3A_976, %get3A_971, %select_n3A_967 : vector<16xi1>, vector<16xi32>
      %get3A_979 = arith.constant 1568 : index
      %get3A_980 = tpu.vector_load %arg11[%get3A_979] {strides = array<i32>} : memref<2048xf32, #tpu.memory_space<vmem>>, vector<16xf32>,
      %get3A_981 = arith.constant 1568 : index
      %get3A_982 = tpu.vector_load %arg12[%get3A_981] {strides = array<i32>} : memref<2048xi32, #tpu.memory_space<vmem>>, vector<16xi32>,
      %gt3A_983 = arith.cmpf ogt, %get3A_980, %select_n3A_977 : vector<16xf32>
      %eq3A_984 = arith.cmpf oeq, %get3A_980, %select_n3A_977 : vector<16xf32>
      %lt3A_985 = arith.cmpi slt, %get3A_982, %select_n3A_978 : vector<16xi32>
      %and3A_986 = arith.andi %eq3A_984, %lt3A_985 : vector<16xi1>
      %or3A_987 = arith.ori %gt3A_983, %and3A_986 : vector<16xi1>
      %select_n3A_988 = arith.select %or3A_987, %get3A_980, %select_n3A_977 : vector<16xi1>, vector<16xf32>
      %select_n3A_989 = arith.select %or3A_987, %get3A_982, %select_n3A_978 : vector<16xi1>, vector<16xi32>
      %get3A_990 = arith.constant 1696 : index
      %get3A_991 = tpu.vector_load %arg11[%get3A_990] {strides = array<i32>} : memref<2048xf32, #tpu.memory_space<vmem>>, vector<16xf32>,
      %get3A_992 = arith.constant 1696 : index
      %get3A_993 = tpu.vector_load %arg12[%get3A_992] {strides = array<i32>} : memref<2048xi32, #tpu.memory_space<vmem>>, vector<16xi32>,
      %gt3A_994 = arith.cmpf ogt, %get3A_991, %select_n3A_988 : vector<16xf32>
      %eq3A_995 = arith.cmpf oeq, %get3A_991, %select_n3A_988 : vector<16xf32>
      %lt3A_996 = arith.cmpi slt, %get3A_993, %select_n3A_989 : vector<16xi32>
      %and3A_997 = arith.andi %eq3A_995, %lt3A_996 : vector<16xi1>
      %or3A_998 = arith.ori %gt3A_994, %and3A_997 : vector<16xi1>
      %select_n3A_999 = arith.select %or3A_998, %get3A_991, %select_n3A_988 : vector<16xi1>, vector<16xf32>
      %select_n3A_1000 = arith.select %or3A_998, %get3A_993, %select_n3A_989 : vector<16xi1>, vector<16xi32>
      %get3A_1001 = arith.constant 1824 : index
      %get3A_1002 = tpu.vector_load %arg11[%get3A_1001] {strides = array<i32>} : memref<2048xf32, #tpu.memory_space<vmem>>, vector<16xf32>,
      %get3A_1003 = arith.constant 1824 : index
      %get3A_1004 = tpu.vector_load %arg12[%get3A_1003] {strides = array<i32>} : memref<2048xi32, #tpu.memory_space<vmem>>, vector<16xi32>,
      %gt3A_1005 = arith.cmpf ogt, %get3A_1002, %select_n3A_999 : vector<16xf32>
      %eq3A_1006 = arith.cmpf oeq, %get3A_1002, %select_n3A_999 : vector<16xf32>
      %lt3A_1007 = arith.cmpi slt, %get3A_1004, %select_n3A_1000 : vector<16xi32>
      %and3A_1008 = arith.andi %eq3A_1006, %lt3A_1007 : vector<16xi1>
      %or3A_1009 = arith.ori %gt3A_1005, %and3A_1008 : vector<16xi1>
      %select_n3A_1010 = arith.select %or3A_1009, %get3A_1002, %select_n3A_999 : vector<16xi1>, vector<16xf32>
      %select_n3A_1011 = arith.select %or3A_1009, %get3A_1004, %select_n3A_1000 : vector<16xi1>, vector<16xi32>
      %get3A_1012 = arith.constant 1952 : index
      %get3A_1013 = tpu.vector_load %arg11[%get3A_1012] {strides = array<i32>} : memref<2048xf32, #tpu.memory_space<vmem>>, vector<16xf32>,
      %get3A_1014 = arith.constant 1952 : index
      %get3A_1015 = tpu.vector_load %arg12[%get3A_1014] {strides = array<i32>} : memref<2048xi32, #tpu.memory_space<vmem>>, vector<16xi32>,
      %gt3A_1016 = arith.cmpf ogt, %get3A_1013, %select_n3A_1010 : vector<16xf32>
      %eq3A_1017 = arith.cmpf oeq, %get3A_1013, %select_n3A_1010 : vector<16xf32>
      %lt3A_1018 = arith.cmpi slt, %get3A_1015, %select_n3A_1011 : vector<16xi32>
      %and3A_1019 = arith.andi %eq3A_1017, %lt3A_1018 : vector<16xi1>
      %or3A_1020 = arith.ori %gt3A_1016, %and3A_1019 : vector<16xi1>
      %select_n3A_1021 = arith.select %or3A_1020, %get3A_1013, %select_n3A_1010 : vector<16xi1>, vector<16xf32>
      %select_n3A_1022 = arith.select %or3A_1020, %get3A_1015, %select_n3A_1011 : vector<16xi1>, vector<16xi32>
      %lt3A_1023 = arith.constant 50000 : i32
      %lt3A_1024 = vector.broadcast %lt3A_1023 : i32 to vector<16xi32>
      %lt3A_1025 = arith.cmpi slt, %select_n3A_1022, %lt3A_1024 : vector<16xi32>
      %jit3A_1026 = arith.constant 51199 : i32
      %broadcast_in_dim3A_1027 = vector.broadcast %jit3A_1026 : i32 to vector<16xi32>
      %select_n3A_1028 = arith.select %lt3A_1025, %select_n3A_1022, %broadcast_in_dim3A_1027 : vector<16xi1>, vector<16xi32>
      %swap3A_1029 = arith.constant 32 : index
      %swap3A_1030 = tpu.vector_load %arg13[%swap3A_1029] {strides = array<i32>} : memref<128xi32, #tpu.memory_space<vmem>>, vector<16xi32>,
      tpu.vector_store %arg13[%swap3A_1029], %select_n3A_1028 {strides = array<i32>} : memref<128xi32, #tpu.memory_space<vmem>>, vector<16xi32>,
      %broadcast_in_dim3A_1031 = arith.constant 1.000000e+00 : f32
      %broadcast_in_dim3A_1032 = vector.broadcast %broadcast_in_dim3A_1031 : f32 to vector<16xf32>
      %swap3A_1033 = arith.constant 32 : index
      %swap3A_1034 = tpu.vector_load %arg14[%swap3A_1033] {strides = array<i32>} : memref<128xf32, #tpu.memory_space<vmem>>, vector<16xf32>,
      tpu.vector_store %arg14[%swap3A_1033], %broadcast_in_dim3A_1032 {strides = array<i32>} : memref<128xf32, #tpu.memory_space<vmem>>, vector<16xf32>,
      %get3A_1035 = arith.constant 48 : index
      %get3A_1036 = tpu.vector_load %arg11[%get3A_1035] {strides = array<i32>} : memref<2048xf32, #tpu.memory_space<vmem>>, vector<16xf32>,
      %get3A_1037 = arith.constant 48 : index
      %get3A_1038 = tpu.vector_load %arg12[%get3A_1037] {strides = array<i32>} : memref<2048xi32, #tpu.memory_space<vmem>>, vector<16xi32>,
      %get3A_1039 = arith.constant 176 : index
      %get3A_1040 = tpu.vector_load %arg11[%get3A_1039] {strides = array<i32>} : memref<2048xf32, #tpu.memory_space<vmem>>, vector<16xf32>,
      %get3A_1041 = arith.constant 176 : index
      %get3A_1042 = tpu.vector_load %arg12[%get3A_1041] {strides = array<i32>} : memref<2048xi32, #tpu.memory_space<vmem>>, vector<16xi32>,
      %gt3A_1043 = arith.cmpf ogt, %get3A_1040, %get3A_1036 : vector<16xf32>
      %eq3A_1044 = arith.cmpf oeq, %get3A_1040, %get3A_1036 : vector<16xf32>
      %lt3A_1045 = arith.cmpi slt, %get3A_1042, %get3A_1038 : vector<16xi32>
      %and3A_1046 = arith.andi %eq3A_1044, %lt3A_1045 : vector<16xi1>
      %or3A_1047 = arith.ori %gt3A_1043, %and3A_1046 : vector<16xi1>
      %select_n3A_1048 = arith.select %or3A_1047, %get3A_1040, %get3A_1036 : vector<16xi1>, vector<16xf32>
      %select_n3A_1049 = arith.select %or3A_1047, %get3A_1042, %get3A_1038 : vector<16xi1>, vector<16xi32>
      %get3A_1050 = arith.constant 304 : index
      %get3A_1051 = tpu.vector_load %arg11[%get3A_1050] {strides = array<i32>} : memref<2048xf32, #tpu.memory_space<vmem>>, vector<16xf32>,
      %get3A_1052 = arith.constant 304 : index
      %get3A_1053 = tpu.vector_load %arg12[%get3A_1052] {strides = array<i32>} : memref<2048xi32, #tpu.memory_space<vmem>>, vector<16xi32>,
      %gt3A_1054 = arith.cmpf ogt, %get3A_1051, %select_n3A_1048 : vector<16xf32>
      %eq3A_1055 = arith.cmpf oeq, %get3A_1051, %select_n3A_1048 : vector<16xf32>
      %lt3A_1056 = arith.cmpi slt, %get3A_1053, %select_n3A_1049 : vector<16xi32>
      %and3A_1057 = arith.andi %eq3A_1055, %lt3A_1056 : vector<16xi1>
      %or3A_1058 = arith.ori %gt3A_1054, %and3A_1057 : vector<16xi1>
      %select_n3A_1059 = arith.select %or3A_1058, %get3A_1051, %select_n3A_1048 : vector<16xi1>, vector<16xf32>
      %select_n3A_1060 = arith.select %or3A_1058, %get3A_1053, %select_n3A_1049 : vector<16xi1>, vector<16xi32>
      %get3A_1061 = arith.constant 432 : index
      %get3A_1062 = tpu.vector_load %arg11[%get3A_1061] {strides = array<i32>} : memref<2048xf32, #tpu.memory_space<vmem>>, vector<16xf32>,
      %get3A_1063 = arith.constant 432 : index
      %get3A_1064 = tpu.vector_load %arg12[%get3A_1063] {strides = array<i32>} : memref<2048xi32, #tpu.memory_space<vmem>>, vector<16xi32>,
      %gt3A_1065 = arith.cmpf ogt, %get3A_1062, %select_n3A_1059 : vector<16xf32>
      %eq3A_1066 = arith.cmpf oeq, %get3A_1062, %select_n3A_1059 : vector<16xf32>
      %lt3A_1067 = arith.cmpi slt, %get3A_1064, %select_n3A_1060 : vector<16xi32>
      %and3A_1068 = arith.andi %eq3A_1066, %lt3A_1067 : vector<16xi1>
      %or3A_1069 = arith.ori %gt3A_1065, %and3A_1068 : vector<16xi1>
      %select_n3A_1070 = arith.select %or3A_1069, %get3A_1062, %select_n3A_1059 : vector<16xi1>, vector<16xf32>
      %select_n3A_1071 = arith.select %or3A_1069, %get3A_1064, %select_n3A_1060 : vector<16xi1>, vector<16xi32>
      %get3A_1072 = arith.constant 560 : index
      %get3A_1073 = tpu.vector_load %arg11[%get3A_1072] {strides = array<i32>} : memref<2048xf32, #tpu.memory_space<vmem>>, vector<16xf32>,
      %get3A_1074 = arith.constant 560 : index
      %get3A_1075 = tpu.vector_load %arg12[%get3A_1074] {strides = array<i32>} : memref<2048xi32, #tpu.memory_space<vmem>>, vector<16xi32>,
      %gt3A_1076 = arith.cmpf ogt, %get3A_1073, %select_n3A_1070 : vector<16xf32>
      %eq3A_1077 = arith.cmpf oeq, %get3A_1073, %select_n3A_1070 : vector<16xf32>
      %lt3A_1078 = arith.cmpi slt, %get3A_1075, %select_n3A_1071 : vector<16xi32>
      %and3A_1079 = arith.andi %eq3A_1077, %lt3A_1078 : vector<16xi1>
      %or3A_1080 = arith.ori %gt3A_1076, %and3A_1079 : vector<16xi1>
      %select_n3A_1081 = arith.select %or3A_1080, %get3A_1073, %select_n3A_1070 : vector<16xi1>, vector<16xf32>
      %select_n3A_1082 = arith.select %or3A_1080, %get3A_1075, %select_n3A_1071 : vector<16xi1>, vector<16xi32>
      %get3A_1083 = arith.constant 688 : index
      %get3A_1084 = tpu.vector_load %arg11[%get3A_1083] {strides = array<i32>} : memref<2048xf32, #tpu.memory_space<vmem>>, vector<16xf32>,
      %get3A_1085 = arith.constant 688 : index
      %get3A_1086 = tpu.vector_load %arg12[%get3A_1085] {strides = array<i32>} : memref<2048xi32, #tpu.memory_space<vmem>>, vector<16xi32>,
      %gt3A_1087 = arith.cmpf ogt, %get3A_1084, %select_n3A_1081 : vector<16xf32>
      %eq3A_1088 = arith.cmpf oeq, %get3A_1084, %select_n3A_1081 : vector<16xf32>
      %lt3A_1089 = arith.cmpi slt, %get3A_1086, %select_n3A_1082 : vector<16xi32>
      %and3A_1090 = arith.andi %eq3A_1088, %lt3A_1089 : vector<16xi1>
      %or3A_1091 = arith.ori %gt3A_1087, %and3A_1090 : vector<16xi1>
      %select_n3A_1092 = arith.select %or3A_1091, %get3A_1084, %select_n3A_1081 : vector<16xi1>, vector<16xf32>
      %select_n3A_1093 = arith.select %or3A_1091, %get3A_1086, %select_n3A_1082 : vector<16xi1>, vector<16xi32>
      %get3A_1094 = arith.constant 816 : index
      %get3A_1095 = tpu.vector_load %arg11[%get3A_1094] {strides = array<i32>} : memref<2048xf32, #tpu.memory_space<vmem>>, vector<16xf32>,
      %get3A_1096 = arith.constant 816 : index
      %get3A_1097 = tpu.vector_load %arg12[%get3A_1096] {strides = array<i32>} : memref<2048xi32, #tpu.memory_space<vmem>>, vector<16xi32>,
      %gt3A_1098 = arith.cmpf ogt, %get3A_1095, %select_n3A_1092 : vector<16xf32>
      %eq3A_1099 = arith.cmpf oeq, %get3A_1095, %select_n3A_1092 : vector<16xf32>
      %lt3A_1100 = arith.cmpi slt, %get3A_1097, %select_n3A_1093 : vector<16xi32>
      %and3A_1101 = arith.andi %eq3A_1099, %lt3A_1100 : vector<16xi1>
      %or3A_1102 = arith.ori %gt3A_1098, %and3A_1101 : vector<16xi1>
      %select_n3A_1103 = arith.select %or3A_1102, %get3A_1095, %select_n3A_1092 : vector<16xi1>, vector<16xf32>
      %select_n3A_1104 = arith.select %or3A_1102, %get3A_1097, %select_n3A_1093 : vector<16xi1>, vector<16xi32>
      %get3A_1105 = arith.constant 944 : index
      %get3A_1106 = tpu.vector_load %arg11[%get3A_1105] {strides = array<i32>} : memref<2048xf32, #tpu.memory_space<vmem>>, vector<16xf32>,
      %get3A_1107 = arith.constant 944 : index
      %get3A_1108 = tpu.vector_load %arg12[%get3A_1107] {strides = array<i32>} : memref<2048xi32, #tpu.memory_space<vmem>>, vector<16xi32>,
      %gt3A_1109 = arith.cmpf ogt, %get3A_1106, %select_n3A_1103 : vector<16xf32>
      %eq3A_1110 = arith.cmpf oeq, %get3A_1106, %select_n3A_1103 : vector<16xf32>
      %lt3A_1111 = arith.cmpi slt, %get3A_1108, %select_n3A_1104 : vector<16xi32>
      %and3A_1112 = arith.andi %eq3A_1110, %lt3A_1111 : vector<16xi1>
      %or3A_1113 = arith.ori %gt3A_1109, %and3A_1112 : vector<16xi1>
      %select_n3A_1114 = arith.select %or3A_1113, %get3A_1106, %select_n3A_1103 : vector<16xi1>, vector<16xf32>
      %select_n3A_1115 = arith.select %or3A_1113, %get3A_1108, %select_n3A_1104 : vector<16xi1>, vector<16xi32>
      %get3A_1116 = arith.constant 1072 : index
      %get3A_1117 = tpu.vector_load %arg11[%get3A_1116] {strides = array<i32>} : memref<2048xf32, #tpu.memory_space<vmem>>, vector<16xf32>,
      %get3A_1118 = arith.constant 1072 : index
      %get3A_1119 = tpu.vector_load %arg12[%get3A_1118] {strides = array<i32>} : memref<2048xi32, #tpu.memory_space<vmem>>, vector<16xi32>,
      %gt3A_1120 = arith.cmpf ogt, %get3A_1117, %select_n3A_1114 : vector<16xf32>
      %eq3A_1121 = arith.cmpf oeq, %get3A_1117, %select_n3A_1114 : vector<16xf32>
      %lt3A_1122 = arith.cmpi slt, %get3A_1119, %select_n3A_1115 : vector<16xi32>
      %and3A_1123 = arith.andi %eq3A_1121, %lt3A_1122 : vector<16xi1>
      %or3A_1124 = arith.ori %gt3A_1120, %and3A_1123 : vector<16xi1>
      %select_n3A_1125 = arith.select %or3A_1124, %get3A_1117, %select_n3A_1114 : vector<16xi1>, vector<16xf32>
      %select_n3A_1126 = arith.select %or3A_1124, %get3A_1119, %select_n3A_1115 : vector<16xi1>, vector<16xi32>
      %get3A_1127 = arith.constant 1200 : index
      %get3A_1128 = tpu.vector_load %arg11[%get3A_1127] {strides = array<i32>} : memref<2048xf32, #tpu.memory_space<vmem>>, vector<16xf32>,
      %get3A_1129 = arith.constant 1200 : index
      %get3A_1130 = tpu.vector_load %arg12[%get3A_1129] {strides = array<i32>} : memref<2048xi32, #tpu.memory_space<vmem>>, vector<16xi32>,
      %gt3A_1131 = arith.cmpf ogt, %get3A_1128, %select_n3A_1125 : vector<16xf32>
      %eq3A_1132 = arith.cmpf oeq, %get3A_1128, %select_n3A_1125 : vector<16xf32>
      %lt3A_1133 = arith.cmpi slt, %get3A_1130, %select_n3A_1126 : vector<16xi32>
      %and3A_1134 = arith.andi %eq3A_1132, %lt3A_1133 : vector<16xi1>
      %or3A_1135 = arith.ori %gt3A_1131, %and3A_1134 : vector<16xi1>
      %select_n3A_1136 = arith.select %or3A_1135, %get3A_1128, %select_n3A_1125 : vector<16xi1>, vector<16xf32>
      %select_n3A_1137 = arith.select %or3A_1135, %get3A_1130, %select_n3A_1126 : vector<16xi1>, vector<16xi32>
      %get3A_1138 = arith.constant 1328 : index
      %get3A_1139 = tpu.vector_load %arg11[%get3A_1138] {strides = array<i32>} : memref<2048xf32, #tpu.memory_space<vmem>>, vector<16xf32>,
      %get3A_1140 = arith.constant 1328 : index
      %get3A_1141 = tpu.vector_load %arg12[%get3A_1140] {strides = array<i32>} : memref<2048xi32, #tpu.memory_space<vmem>>, vector<16xi32>,
      %gt3A_1142 = arith.cmpf ogt, %get3A_1139, %select_n3A_1136 : vector<16xf32>
      %eq3A_1143 = arith.cmpf oeq, %get3A_1139, %select_n3A_1136 : vector<16xf32>
      %lt3A_1144 = arith.cmpi slt, %get3A_1141, %select_n3A_1137 : vector<16xi32>
      %and3A_1145 = arith.andi %eq3A_1143, %lt3A_1144 : vector<16xi1>
      %or3A_1146 = arith.ori %gt3A_1142, %and3A_1145 : vector<16xi1>
      %select_n3A_1147 = arith.select %or3A_1146, %get3A_1139, %select_n3A_1136 : vector<16xi1>, vector<16xf32>
      %select_n3A_1148 = arith.select %or3A_1146, %get3A_1141, %select_n3A_1137 : vector<16xi1>, vector<16xi32>
      %get3A_1149 = arith.constant 1456 : index
      %get3A_1150 = tpu.vector_load %arg11[%get3A_1149] {strides = array<i32>} : memref<2048xf32, #tpu.memory_space<vmem>>, vector<16xf32>,
      %get3A_1151 = arith.constant 1456 : index
      %get3A_1152 = tpu.vector_load %arg12[%get3A_1151] {strides = array<i32>} : memref<2048xi32, #tpu.memory_space<vmem>>, vector<16xi32>,
      %gt3A_1153 = arith.cmpf ogt, %get3A_1150, %select_n3A_1147 : vector<16xf32>
      %eq3A_1154 = arith.cmpf oeq, %get3A_1150, %select_n3A_1147 : vector<16xf32>
      %lt3A_1155 = arith.cmpi slt, %get3A_1152, %select_n3A_1148 : vector<16xi32>
      %and3A_1156 = arith.andi %eq3A_1154, %lt3A_1155 : vector<16xi1>
      %or3A_1157 = arith.ori %gt3A_1153, %and3A_1156 : vector<16xi1>
      %select_n3A_1158 = arith.select %or3A_1157, %get3A_1150, %select_n3A_1147 : vector<16xi1>, vector<16xf32>
      %select_n3A_1159 = arith.select %or3A_1157, %get3A_1152, %select_n3A_1148 : vector<16xi1>, vector<16xi32>
      %get3A_1160 = arith.constant 1584 : index
      %get3A_1161 = tpu.vector_load %arg11[%get3A_1160] {strides = array<i32>} : memref<2048xf32, #tpu.memory_space<vmem>>, vector<16xf32>,
      %get3A_1162 = arith.constant 1584 : index
      %get3A_1163 = tpu.vector_load %arg12[%get3A_1162] {strides = array<i32>} : memref<2048xi32, #tpu.memory_space<vmem>>, vector<16xi32>,
      %gt3A_1164 = arith.cmpf ogt, %get3A_1161, %select_n3A_1158 : vector<16xf32>
      %eq3A_1165 = arith.cmpf oeq, %get3A_1161, %select_n3A_1158 : vector<16xf32>
      %lt3A_1166 = arith.cmpi slt, %get3A_1163, %select_n3A_1159 : vector<16xi32>
      %and3A_1167 = arith.andi %eq3A_1165, %lt3A_1166 : vector<16xi1>
      %or3A_1168 = arith.ori %gt3A_1164, %and3A_1167 : vector<16xi1>
      %select_n3A_1169 = arith.select %or3A_1168, %get3A_1161, %select_n3A_1158 : vector<16xi1>, vector<16xf32>
      %select_n3A_1170 = arith.select %or3A_1168, %get3A_1163, %select_n3A_1159 : vector<16xi1>, vector<16xi32>
      %get3A_1171 = arith.constant 1712 : index
      %get3A_1172 = tpu.vector_load %arg11[%get3A_1171] {strides = array<i32>} : memref<2048xf32, #tpu.memory_space<vmem>>, vector<16xf32>,
      %get3A_1173 = arith.constant 1712 : index
      %get3A_1174 = tpu.vector_load %arg12[%get3A_1173] {strides = array<i32>} : memref<2048xi32, #tpu.memory_space<vmem>>, vector<16xi32>,
      %gt3A_1175 = arith.cmpf ogt, %get3A_1172, %select_n3A_1169 : vector<16xf32>
      %eq3A_1176 = arith.cmpf oeq, %get3A_1172, %select_n3A_1169 : vector<16xf32>
      %lt3A_1177 = arith.cmpi slt, %get3A_1174, %select_n3A_1170 : vector<16xi32>
      %and3A_1178 = arith.andi %eq3A_1176, %lt3A_1177 : vector<16xi1>
      %or3A_1179 = arith.ori %gt3A_1175, %and3A_1178 : vector<16xi1>
      %select_n3A_1180 = arith.select %or3A_1179, %get3A_1172, %select_n3A_1169 : vector<16xi1>, vector<16xf32>
      %select_n3A_1181 = arith.select %or3A_1179, %get3A_1174, %select_n3A_1170 : vector<16xi1>, vector<16xi32>
      %get3A_1182 = arith.constant 1840 : index
      %get3A_1183 = tpu.vector_load %arg11[%get3A_1182] {strides = array<i32>} : memref<2048xf32, #tpu.memory_space<vmem>>, vector<16xf32>,
      %get3A_1184 = arith.constant 1840 : index
      %get3A_1185 = tpu.vector_load %arg12[%get3A_1184] {strides = array<i32>} : memref<2048xi32, #tpu.memory_space<vmem>>, vector<16xi32>,
      %gt3A_1186 = arith.cmpf ogt, %get3A_1183, %select_n3A_1180 : vector<16xf32>
      %eq3A_1187 = arith.cmpf oeq, %get3A_1183, %select_n3A_1180 : vector<16xf32>
      %lt3A_1188 = arith.cmpi slt, %get3A_1185, %select_n3A_1181 : vector<16xi32>
      %and3A_1189 = arith.andi %eq3A_1187, %lt3A_1188 : vector<16xi1>
      %or3A_1190 = arith.ori %gt3A_1186, %and3A_1189 : vector<16xi1>
      %select_n3A_1191 = arith.select %or3A_1190, %get3A_1183, %select_n3A_1180 : vector<16xi1>, vector<16xf32>
      %select_n3A_1192 = arith.select %or3A_1190, %get3A_1185, %select_n3A_1181 : vector<16xi1>, vector<16xi32>
      %get3A_1193 = arith.constant 1968 : index
      %get3A_1194 = tpu.vector_load %arg11[%get3A_1193] {strides = array<i32>} : memref<2048xf32, #tpu.memory_space<vmem>>, vector<16xf32>,
      %get3A_1195 = arith.constant 1968 : index
      %get3A_1196 = tpu.vector_load %arg12[%get3A_1195] {strides = array<i32>} : memref<2048xi32, #tpu.memory_space<vmem>>, vector<16xi32>,
      %gt3A_1197 = arith.cmpf ogt, %get3A_1194, %select_n3A_1191 : vector<16xf32>
      %eq3A_1198 = arith.cmpf oeq, %get3A_1194, %select_n3A_1191 : vector<16xf32>
      %lt3A_1199 = arith.cmpi slt, %get3A_1196, %select_n3A_1192 : vector<16xi32>
      %and3A_1200 = arith.andi %eq3A_1198, %lt3A_1199 : vector<16xi1>
      %or3A_1201 = arith.ori %gt3A_1197, %and3A_1200 : vector<16xi1>
      %select_n3A_1202 = arith.select %or3A_1201, %get3A_1194, %select_n3A_1191 : vector<16xi1>, vector<16xf32>
      %select_n3A_1203 = arith.select %or3A_1201, %get3A_1196, %select_n3A_1192 : vector<16xi1>, vector<16xi32>
      %lt3A_1204 = arith.constant 50000 : i32
      %lt3A_1205 = vector.broadcast %lt3A_1204 : i32 to vector<16xi32>
      %lt3A_1206 = arith.cmpi slt, %select_n3A_1203, %lt3A_1205 : vector<16xi32>
      %jit3A_1207 = arith.constant 51199 : i32
      %broadcast_in_dim3A_1208 = vector.broadcast %jit3A_1207 : i32 to vector<16xi32>
      %select_n3A_1209 = arith.select %lt3A_1206, %select_n3A_1203, %broadcast_in_dim3A_1208 : vector<16xi1>, vector<16xi32>
      %swap3A_1210 = arith.constant 48 : index
      %swap3A_1211 = tpu.vector_load %arg13[%swap3A_1210] {strides = array<i32>} : memref<128xi32, #tpu.memory_space<vmem>>, vector<16xi32>,
      tpu.vector_store %arg13[%swap3A_1210], %select_n3A_1209 {strides = array<i32>} : memref<128xi32, #tpu.memory_space<vmem>>, vector<16xi32>,
      %broadcast_in_dim3A_1212 = arith.constant 1.000000e+00 : f32
      %broadcast_in_dim3A_1213 = vector.broadcast %broadcast_in_dim3A_1212 : f32 to vector<16xf32>
      %swap3A_1214 = arith.constant 48 : index
      %swap3A_1215 = tpu.vector_load %arg14[%swap3A_1214] {strides = array<i32>} : memref<128xf32, #tpu.memory_space<vmem>>, vector<16xf32>,
      tpu.vector_store %arg14[%swap3A_1214], %broadcast_in_dim3A_1213 {strides = array<i32>} : memref<128xf32, #tpu.memory_space<vmem>>, vector<16xf32>,
      %get3A_1216 = arith.constant 64 : index
      %get3A_1217 = tpu.vector_load %arg11[%get3A_1216] {strides = array<i32>} : memref<2048xf32, #tpu.memory_space<vmem>>, vector<16xf32>,
      %get3A_1218 = arith.constant 64 : index
      %get3A_1219 = tpu.vector_load %arg12[%get3A_1218] {strides = array<i32>} : memref<2048xi32, #tpu.memory_space<vmem>>, vector<16xi32>,
      %get3A_1220 = arith.constant 192 : index
      %get3A_1221 = tpu.vector_load %arg11[%get3A_1220] {strides = array<i32>} : memref<2048xf32, #tpu.memory_space<vmem>>, vector<16xf32>,
      %get3A_1222 = arith.constant 192 : index
      %get3A_1223 = tpu.vector_load %arg12[%get3A_1222] {strides = array<i32>} : memref<2048xi32, #tpu.memory_space<vmem>>, vector<16xi32>,
      %gt3A_1224 = arith.cmpf ogt, %get3A_1221, %get3A_1217 : vector<16xf32>
      %eq3A_1225 = arith.cmpf oeq, %get3A_1221, %get3A_1217 : vector<16xf32>
      %lt3A_1226 = arith.cmpi slt, %get3A_1223, %get3A_1219 : vector<16xi32>
      %and3A_1227 = arith.andi %eq3A_1225, %lt3A_1226 : vector<16xi1>
      %or3A_1228 = arith.ori %gt3A_1224, %and3A_1227 : vector<16xi1>
      %select_n3A_1229 = arith.select %or3A_1228, %get3A_1221, %get3A_1217 : vector<16xi1>, vector<16xf32>
      %select_n3A_1230 = arith.select %or3A_1228, %get3A_1223, %get3A_1219 : vector<16xi1>, vector<16xi32>
      %get3A_1231 = arith.constant 320 : index
      %get3A_1232 = tpu.vector_load %arg11[%get3A_1231] {strides = array<i32>} : memref<2048xf32, #tpu.memory_space<vmem>>, vector<16xf32>,
      %get3A_1233 = arith.constant 320 : index
      %get3A_1234 = tpu.vector_load %arg12[%get3A_1233] {strides = array<i32>} : memref<2048xi32, #tpu.memory_space<vmem>>, vector<16xi32>,
      %gt3A_1235 = arith.cmpf ogt, %get3A_1232, %select_n3A_1229 : vector<16xf32>
      %eq3A_1236 = arith.cmpf oeq, %get3A_1232, %select_n3A_1229 : vector<16xf32>
      %lt3A_1237 = arith.cmpi slt, %get3A_1234, %select_n3A_1230 : vector<16xi32>
      %and3A_1238 = arith.andi %eq3A_1236, %lt3A_1237 : vector<16xi1>
      %or3A_1239 = arith.ori %gt3A_1235, %and3A_1238 : vector<16xi1>
      %select_n3A_1240 = arith.select %or3A_1239, %get3A_1232, %select_n3A_1229 : vector<16xi1>, vector<16xf32>
      %select_n3A_1241 = arith.select %or3A_1239, %get3A_1234, %select_n3A_1230 : vector<16xi1>, vector<16xi32>
      %get3A_1242 = arith.constant 448 : index
      %get3A_1243 = tpu.vector_load %arg11[%get3A_1242] {strides = array<i32>} : memref<2048xf32, #tpu.memory_space<vmem>>, vector<16xf32>,
      %get3A_1244 = arith.constant 448 : index
      %get3A_1245 = tpu.vector_load %arg12[%get3A_1244] {strides = array<i32>} : memref<2048xi32, #tpu.memory_space<vmem>>, vector<16xi32>,
      %gt3A_1246 = arith.cmpf ogt, %get3A_1243, %select_n3A_1240 : vector<16xf32>
      %eq3A_1247 = arith.cmpf oeq, %get3A_1243, %select_n3A_1240 : vector<16xf32>
      %lt3A_1248 = arith.cmpi slt, %get3A_1245, %select_n3A_1241 : vector<16xi32>
      %and3A_1249 = arith.andi %eq3A_1247, %lt3A_1248 : vector<16xi1>
      %or3A_1250 = arith.ori %gt3A_1246, %and3A_1249 : vector<16xi1>
      %select_n3A_1251 = arith.select %or3A_1250, %get3A_1243, %select_n3A_1240 : vector<16xi1>, vector<16xf32>
      %select_n3A_1252 = arith.select %or3A_1250, %get3A_1245, %select_n3A_1241 : vector<16xi1>, vector<16xi32>
      %get3A_1253 = arith.constant 576 : index
      %get3A_1254 = tpu.vector_load %arg11[%get3A_1253] {strides = array<i32>} : memref<2048xf32, #tpu.memory_space<vmem>>, vector<16xf32>,
      %get3A_1255 = arith.constant 576 : index
      %get3A_1256 = tpu.vector_load %arg12[%get3A_1255] {strides = array<i32>} : memref<2048xi32, #tpu.memory_space<vmem>>, vector<16xi32>,
      %gt3A_1257 = arith.cmpf ogt, %get3A_1254, %select_n3A_1251 : vector<16xf32>
      %eq3A_1258 = arith.cmpf oeq, %get3A_1254, %select_n3A_1251 : vector<16xf32>
      %lt3A_1259 = arith.cmpi slt, %get3A_1256, %select_n3A_1252 : vector<16xi32>
      %and3A_1260 = arith.andi %eq3A_1258, %lt3A_1259 : vector<16xi1>
      %or3A_1261 = arith.ori %gt3A_1257, %and3A_1260 : vector<16xi1>
      %select_n3A_1262 = arith.select %or3A_1261, %get3A_1254, %select_n3A_1251 : vector<16xi1>, vector<16xf32>
      %select_n3A_1263 = arith.select %or3A_1261, %get3A_1256, %select_n3A_1252 : vector<16xi1>, vector<16xi32>
      %get3A_1264 = arith.constant 704 : index
      %get3A_1265 = tpu.vector_load %arg11[%get3A_1264] {strides = array<i32>} : memref<2048xf32, #tpu.memory_space<vmem>>, vector<16xf32>,
      %get3A_1266 = arith.constant 704 : index
      %get3A_1267 = tpu.vector_load %arg12[%get3A_1266] {strides = array<i32>} : memref<2048xi32, #tpu.memory_space<vmem>>, vector<16xi32>,
      %gt3A_1268 = arith.cmpf ogt, %get3A_1265, %select_n3A_1262 : vector<16xf32>
      %eq3A_1269 = arith.cmpf oeq, %get3A_1265, %select_n3A_1262 : vector<16xf32>
      %lt3A_1270 = arith.cmpi slt, %get3A_1267, %select_n3A_1263 : vector<16xi32>
      %and3A_1271 = arith.andi %eq3A_1269, %lt3A_1270 : vector<16xi1>
      %or3A_1272 = arith.ori %gt3A_1268, %and3A_1271 : vector<16xi1>
      %select_n3A_1273 = arith.select %or3A_1272, %get3A_1265, %select_n3A_1262 : vector<16xi1>, vector<16xf32>
      %select_n3A_1274 = arith.select %or3A_1272, %get3A_1267, %select_n3A_1263 : vector<16xi1>, vector<16xi32>
      %get3A_1275 = arith.constant 832 : index
      %get3A_1276 = tpu.vector_load %arg11[%get3A_1275] {strides = array<i32>} : memref<2048xf32, #tpu.memory_space<vmem>>, vector<16xf32>,
      %get3A_1277 = arith.constant 832 : index
      %get3A_1278 = tpu.vector_load %arg12[%get3A_1277] {strides = array<i32>} : memref<2048xi32, #tpu.memory_space<vmem>>, vector<16xi32>,
      %gt3A_1279 = arith.cmpf ogt, %get3A_1276, %select_n3A_1273 : vector<16xf32>
      %eq3A_1280 = arith.cmpf oeq, %get3A_1276, %select_n3A_1273 : vector<16xf32>
      %lt3A_1281 = arith.cmpi slt, %get3A_1278, %select_n3A_1274 : vector<16xi32>
      %and3A_1282 = arith.andi %eq3A_1280, %lt3A_1281 : vector<16xi1>
      %or3A_1283 = arith.ori %gt3A_1279, %and3A_1282 : vector<16xi1>
      %select_n3A_1284 = arith.select %or3A_1283, %get3A_1276, %select_n3A_1273 : vector<16xi1>, vector<16xf32>
      %select_n3A_1285 = arith.select %or3A_1283, %get3A_1278, %select_n3A_1274 : vector<16xi1>, vector<16xi32>
      %get3A_1286 = arith.constant 960 : index
      %get3A_1287 = tpu.vector_load %arg11[%get3A_1286] {strides = array<i32>} : memref<2048xf32, #tpu.memory_space<vmem>>, vector<16xf32>,
      %get3A_1288 = arith.constant 960 : index
      %get3A_1289 = tpu.vector_load %arg12[%get3A_1288] {strides = array<i32>} : memref<2048xi32, #tpu.memory_space<vmem>>, vector<16xi32>,
      %gt3A_1290 = arith.cmpf ogt, %get3A_1287, %select_n3A_1284 : vector<16xf32>
      %eq3A_1291 = arith.cmpf oeq, %get3A_1287, %select_n3A_1284 : vector<16xf32>
      %lt3A_1292 = arith.cmpi slt, %get3A_1289, %select_n3A_1285 : vector<16xi32>
      %and3A_1293 = arith.andi %eq3A_1291, %lt3A_1292 : vector<16xi1>
      %or3A_1294 = arith.ori %gt3A_1290, %and3A_1293 : vector<16xi1>
      %select_n3A_1295 = arith.select %or3A_1294, %get3A_1287, %select_n3A_1284 : vector<16xi1>, vector<16xf32>
      %select_n3A_1296 = arith.select %or3A_1294, %get3A_1289, %select_n3A_1285 : vector<16xi1>, vector<16xi32>
      %get3A_1297 = arith.constant 1088 : index
      %get3A_1298 = tpu.vector_load %arg11[%get3A_1297] {strides = array<i32>} : memref<2048xf32, #tpu.memory_space<vmem>>, vector<16xf32>,
      %get3A_1299 = arith.constant 1088 : index
      %get3A_1300 = tpu.vector_load %arg12[%get3A_1299] {strides = array<i32>} : memref<2048xi32, #tpu.memory_space<vmem>>, vector<16xi32>,
      %gt3A_1301 = arith.cmpf ogt, %get3A_1298, %select_n3A_1295 : vector<16xf32>
      %eq3A_1302 = arith.cmpf oeq, %get3A_1298, %select_n3A_1295 : vector<16xf32>
      %lt3A_1303 = arith.cmpi slt, %get3A_1300, %select_n3A_1296 : vector<16xi32>
      %and3A_1304 = arith.andi %eq3A_1302, %lt3A_1303 : vector<16xi1>
      %or3A_1305 = arith.ori %gt3A_1301, %and3A_1304 : vector<16xi1>
      %select_n3A_1306 = arith.select %or3A_1305, %get3A_1298, %select_n3A_1295 : vector<16xi1>, vector<16xf32>
      %select_n3A_1307 = arith.select %or3A_1305, %get3A_1300, %select_n3A_1296 : vector<16xi1>, vector<16xi32>
      %get3A_1308 = arith.constant 1216 : index
      %get3A_1309 = tpu.vector_load %arg11[%get3A_1308] {strides = array<i32>} : memref<2048xf32, #tpu.memory_space<vmem>>, vector<16xf32>,
      %get3A_1310 = arith.constant 1216 : index
      %get3A_1311 = tpu.vector_load %arg12[%get3A_1310] {strides = array<i32>} : memref<2048xi32, #tpu.memory_space<vmem>>, vector<16xi32>,
      %gt3A_1312 = arith.cmpf ogt, %get3A_1309, %select_n3A_1306 : vector<16xf32>
      %eq3A_1313 = arith.cmpf oeq, %get3A_1309, %select_n3A_1306 : vector<16xf32>
      %lt3A_1314 = arith.cmpi slt, %get3A_1311, %select_n3A_1307 : vector<16xi32>
      %and3A_1315 = arith.andi %eq3A_1313, %lt3A_1314 : vector<16xi1>
      %or3A_1316 = arith.ori %gt3A_1312, %and3A_1315 : vector<16xi1>
      %select_n3A_1317 = arith.select %or3A_1316, %get3A_1309, %select_n3A_1306 : vector<16xi1>, vector<16xf32>
      %select_n3A_1318 = arith.select %or3A_1316, %get3A_1311, %select_n3A_1307 : vector<16xi1>, vector<16xi32>
      %get3A_1319 = arith.constant 1344 : index
      %get3A_1320 = tpu.vector_load %arg11[%get3A_1319] {strides = array<i32>} : memref<2048xf32, #tpu.memory_space<vmem>>, vector<16xf32>,
      %get3A_1321 = arith.constant 1344 : index
      %get3A_1322 = tpu.vector_load %arg12[%get3A_1321] {strides = array<i32>} : memref<2048xi32, #tpu.memory_space<vmem>>, vector<16xi32>,
      %gt3A_1323 = arith.cmpf ogt, %get3A_1320, %select_n3A_1317 : vector<16xf32>
      %eq3A_1324 = arith.cmpf oeq, %get3A_1320, %select_n3A_1317 : vector<16xf32>
      %lt3A_1325 = arith.cmpi slt, %get3A_1322, %select_n3A_1318 : vector<16xi32>
      %and3A_1326 = arith.andi %eq3A_1324, %lt3A_1325 : vector<16xi1>
      %or3A_1327 = arith.ori %gt3A_1323, %and3A_1326 : vector<16xi1>
      %select_n3A_1328 = arith.select %or3A_1327, %get3A_1320, %select_n3A_1317 : vector<16xi1>, vector<16xf32>
      %select_n3A_1329 = arith.select %or3A_1327, %get3A_1322, %select_n3A_1318 : vector<16xi1>, vector<16xi32>
      %get3A_1330 = arith.constant 1472 : index
      %get3A_1331 = tpu.vector_load %arg11[%get3A_1330] {strides = array<i32>} : memref<2048xf32, #tpu.memory_space<vmem>>, vector<16xf32>,
      %get3A_1332 = arith.constant 1472 : index
      %get3A_1333 = tpu.vector_load %arg12[%get3A_1332] {strides = array<i32>} : memref<2048xi32, #tpu.memory_space<vmem>>, vector<16xi32>,
      %gt3A_1334 = arith.cmpf ogt, %get3A_1331, %select_n3A_1328 : vector<16xf32>
      %eq3A_1335 = arith.cmpf oeq, %get3A_1331, %select_n3A_1328 : vector<16xf32>
      %lt3A_1336 = arith.cmpi slt, %get3A_1333, %select_n3A_1329 : vector<16xi32>
      %and3A_1337 = arith.andi %eq3A_1335, %lt3A_1336 : vector<16xi1>
      %or3A_1338 = arith.ori %gt3A_1334, %and3A_1337 : vector<16xi1>
      %select_n3A_1339 = arith.select %or3A_1338, %get3A_1331, %select_n3A_1328 : vector<16xi1>, vector<16xf32>
      %select_n3A_1340 = arith.select %or3A_1338, %get3A_1333, %select_n3A_1329 : vector<16xi1>, vector<16xi32>
      %get3A_1341 = arith.constant 1600 : index
      %get3A_1342 = tpu.vector_load %arg11[%get3A_1341] {strides = array<i32>} : memref<2048xf32, #tpu.memory_space<vmem>>, vector<16xf32>,
      %get3A_1343 = arith.constant 1600 : index
      %get3A_1344 = tpu.vector_load %arg12[%get3A_1343] {strides = array<i32>} : memref<2048xi32, #tpu.memory_space<vmem>>, vector<16xi32>,
      %gt3A_1345 = arith.cmpf ogt, %get3A_1342, %select_n3A_1339 : vector<16xf32>
      %eq3A_1346 = arith.cmpf oeq, %get3A_1342, %select_n3A_1339 : vector<16xf32>
      %lt3A_1347 = arith.cmpi slt, %get3A_1344, %select_n3A_1340 : vector<16xi32>
      %and3A_1348 = arith.andi %eq3A_1346, %lt3A_1347 : vector<16xi1>
      %or3A_1349 = arith.ori %gt3A_1345, %and3A_1348 : vector<16xi1>
      %select_n3A_1350 = arith.select %or3A_1349, %get3A_1342, %select_n3A_1339 : vector<16xi1>, vector<16xf32>
      %select_n3A_1351 = arith.select %or3A_1349, %get3A_1344, %select_n3A_1340 : vector<16xi1>, vector<16xi32>
      %get3A_1352 = arith.constant 1728 : index
      %get3A_1353 = tpu.vector_load %arg11[%get3A_1352] {strides = array<i32>} : memref<2048xf32, #tpu.memory_space<vmem>>, vector<16xf32>,
      %get3A_1354 = arith.constant 1728 : index
      %get3A_1355 = tpu.vector_load %arg12[%get3A_1354] {strides = array<i32>} : memref<2048xi32, #tpu.memory_space<vmem>>, vector<16xi32>,
      %gt3A_1356 = arith.cmpf ogt, %get3A_1353, %select_n3A_1350 : vector<16xf32>
      %eq3A_1357 = arith.cmpf oeq, %get3A_1353, %select_n3A_1350 : vector<16xf32>
      %lt3A_1358 = arith.cmpi slt, %get3A_1355, %select_n3A_1351 : vector<16xi32>
      %and3A_1359 = arith.andi %eq3A_1357, %lt3A_1358 : vector<16xi1>
      %or3A_1360 = arith.ori %gt3A_1356, %and3A_1359 : vector<16xi1>
      %select_n3A_1361 = arith.select %or3A_1360, %get3A_1353, %select_n3A_1350 : vector<16xi1>, vector<16xf32>
      %select_n3A_1362 = arith.select %or3A_1360, %get3A_1355, %select_n3A_1351 : vector<16xi1>, vector<16xi32>
      %get3A_1363 = arith.constant 1856 : index
      %get3A_1364 = tpu.vector_load %arg11[%get3A_1363] {strides = array<i32>} : memref<2048xf32, #tpu.memory_space<vmem>>, vector<16xf32>,
      %get3A_1365 = arith.constant 1856 : index
      %get3A_1366 = tpu.vector_load %arg12[%get3A_1365] {strides = array<i32>} : memref<2048xi32, #tpu.memory_space<vmem>>, vector<16xi32>,
      %gt3A_1367 = arith.cmpf ogt, %get3A_1364, %select_n3A_1361 : vector<16xf32>
      %eq3A_1368 = arith.cmpf oeq, %get3A_1364, %select_n3A_1361 : vector<16xf32>
      %lt3A_1369 = arith.cmpi slt, %get3A_1366, %select_n3A_1362 : vector<16xi32>
      %and3A_1370 = arith.andi %eq3A_1368, %lt3A_1369 : vector<16xi1>
      %or3A_1371 = arith.ori %gt3A_1367, %and3A_1370 : vector<16xi1>
      %select_n3A_1372 = arith.select %or3A_1371, %get3A_1364, %select_n3A_1361 : vector<16xi1>, vector<16xf32>
      %select_n3A_1373 = arith.select %or3A_1371, %get3A_1366, %select_n3A_1362 : vector<16xi1>, vector<16xi32>
      %get3A_1374 = arith.constant 1984 : index
      %get3A_1375 = tpu.vector_load %arg11[%get3A_1374] {strides = array<i32>} : memref<2048xf32, #tpu.memory_space<vmem>>, vector<16xf32>,
      %get3A_1376 = arith.constant 1984 : index
      %get3A_1377 = tpu.vector_load %arg12[%get3A_1376] {strides = array<i32>} : memref<2048xi32, #tpu.memory_space<vmem>>, vector<16xi32>,
      %gt3A_1378 = arith.cmpf ogt, %get3A_1375, %select_n3A_1372 : vector<16xf32>
      %eq3A_1379 = arith.cmpf oeq, %get3A_1375, %select_n3A_1372 : vector<16xf32>
      %lt3A_1380 = arith.cmpi slt, %get3A_1377, %select_n3A_1373 : vector<16xi32>
      %and3A_1381 = arith.andi %eq3A_1379, %lt3A_1380 : vector<16xi1>
      %or3A_1382 = arith.ori %gt3A_1378, %and3A_1381 : vector<16xi1>
      %select_n3A_1383 = arith.select %or3A_1382, %get3A_1375, %select_n3A_1372 : vector<16xi1>, vector<16xf32>
      %select_n3A_1384 = arith.select %or3A_1382, %get3A_1377, %select_n3A_1373 : vector<16xi1>, vector<16xi32>
      %lt3A_1385 = arith.constant 50000 : i32
      %lt3A_1386 = vector.broadcast %lt3A_1385 : i32 to vector<16xi32>
      %lt3A_1387 = arith.cmpi slt, %select_n3A_1384, %lt3A_1386 : vector<16xi32>
      %jit3A_1388 = arith.constant 51199 : i32
      %broadcast_in_dim3A_1389 = vector.broadcast %jit3A_1388 : i32 to vector<16xi32>
      %select_n3A_1390 = arith.select %lt3A_1387, %select_n3A_1384, %broadcast_in_dim3A_1389 : vector<16xi1>, vector<16xi32>
      %swap3A_1391 = arith.constant 64 : index
      %swap3A_1392 = tpu.vector_load %arg13[%swap3A_1391] {strides = array<i32>} : memref<128xi32, #tpu.memory_space<vmem>>, vector<16xi32>,
      tpu.vector_store %arg13[%swap3A_1391], %select_n3A_1390 {strides = array<i32>} : memref<128xi32, #tpu.memory_space<vmem>>, vector<16xi32>,
      %broadcast_in_dim3A_1393 = arith.constant 1.000000e+00 : f32
      %broadcast_in_dim3A_1394 = vector.broadcast %broadcast_in_dim3A_1393 : f32 to vector<16xf32>
      %swap3A_1395 = arith.constant 64 : index
      %swap3A_1396 = tpu.vector_load %arg14[%swap3A_1395] {strides = array<i32>} : memref<128xf32, #tpu.memory_space<vmem>>, vector<16xf32>,
      tpu.vector_store %arg14[%swap3A_1395], %broadcast_in_dim3A_1394 {strides = array<i32>} : memref<128xf32, #tpu.memory_space<vmem>>, vector<16xf32>,
      %get3A_1397 = arith.constant 80 : index
      %get3A_1398 = tpu.vector_load %arg11[%get3A_1397] {strides = array<i32>} : memref<2048xf32, #tpu.memory_space<vmem>>, vector<16xf32>,
      %get3A_1399 = arith.constant 80 : index
      %get3A_1400 = tpu.vector_load %arg12[%get3A_1399] {strides = array<i32>} : memref<2048xi32, #tpu.memory_space<vmem>>, vector<16xi32>,
      %get3A_1401 = arith.constant 208 : index
      %get3A_1402 = tpu.vector_load %arg11[%get3A_1401] {strides = array<i32>} : memref<2048xf32, #tpu.memory_space<vmem>>, vector<16xf32>,
      %get3A_1403 = arith.constant 208 : index
      %get3A_1404 = tpu.vector_load %arg12[%get3A_1403] {strides = array<i32>} : memref<2048xi32, #tpu.memory_space<vmem>>, vector<16xi32>,
      %gt3A_1405 = arith.cmpf ogt, %get3A_1402, %get3A_1398 : vector<16xf32>
      %eq3A_1406 = arith.cmpf oeq, %get3A_1402, %get3A_1398 : vector<16xf32>
      %lt3A_1407 = arith.cmpi slt, %get3A_1404, %get3A_1400 : vector<16xi32>
      %and3A_1408 = arith.andi %eq3A_1406, %lt3A_1407 : vector<16xi1>
      %or3A_1409 = arith.ori %gt3A_1405, %and3A_1408 : vector<16xi1>
      %select_n3A_1410 = arith.select %or3A_1409, %get3A_1402, %get3A_1398 : vector<16xi1>, vector<16xf32>
      %select_n3A_1411 = arith.select %or3A_1409, %get3A_1404, %get3A_1400 : vector<16xi1>, vector<16xi32>
      %get3A_1412 = arith.constant 336 : index
      %get3A_1413 = tpu.vector_load %arg11[%get3A_1412] {strides = array<i32>} : memref<2048xf32, #tpu.memory_space<vmem>>, vector<16xf32>,
      %get3A_1414 = arith.constant 336 : index
      %get3A_1415 = tpu.vector_load %arg12[%get3A_1414] {strides = array<i32>} : memref<2048xi32, #tpu.memory_space<vmem>>, vector<16xi32>,
      %gt3A_1416 = arith.cmpf ogt, %get3A_1413, %select_n3A_1410 : vector<16xf32>
      %eq3A_1417 = arith.cmpf oeq, %get3A_1413, %select_n3A_1410 : vector<16xf32>
      %lt3A_1418 = arith.cmpi slt, %get3A_1415, %select_n3A_1411 : vector<16xi32>
      %and3A_1419 = arith.andi %eq3A_1417, %lt3A_1418 : vector<16xi1>
      %or3A_1420 = arith.ori %gt3A_1416, %and3A_1419 : vector<16xi1>
      %select_n3A_1421 = arith.select %or3A_1420, %get3A_1413, %select_n3A_1410 : vector<16xi1>, vector<16xf32>
      %select_n3A_1422 = arith.select %or3A_1420, %get3A_1415, %select_n3A_1411 : vector<16xi1>, vector<16xi32>
      %get3A_1423 = arith.constant 464 : index
      %get3A_1424 = tpu.vector_load %arg11[%get3A_1423] {strides = array<i32>} : memref<2048xf32, #tpu.memory_space<vmem>>, vector<16xf32>,
      %get3A_1425 = arith.constant 464 : index
      %get3A_1426 = tpu.vector_load %arg12[%get3A_1425] {strides = array<i32>} : memref<2048xi32, #tpu.memory_space<vmem>>, vector<16xi32>,
      %gt3A_1427 = arith.cmpf ogt, %get3A_1424, %select_n3A_1421 : vector<16xf32>
      %eq3A_1428 = arith.cmpf oeq, %get3A_1424, %select_n3A_1421 : vector<16xf32>
      %lt3A_1429 = arith.cmpi slt, %get3A_1426, %select_n3A_1422 : vector<16xi32>
      %and3A_1430 = arith.andi %eq3A_1428, %lt3A_1429 : vector<16xi1>
      %or3A_1431 = arith.ori %gt3A_1427, %and3A_1430 : vector<16xi1>
      %select_n3A_1432 = arith.select %or3A_1431, %get3A_1424, %select_n3A_1421 : vector<16xi1>, vector<16xf32>
      %select_n3A_1433 = arith.select %or3A_1431, %get3A_1426, %select_n3A_1422 : vector<16xi1>, vector<16xi32>
      %get3A_1434 = arith.constant 592 : index
      %get3A_1435 = tpu.vector_load %arg11[%get3A_1434] {strides = array<i32>} : memref<2048xf32, #tpu.memory_space<vmem>>, vector<16xf32>,
      %get3A_1436 = arith.constant 592 : index
      %get3A_1437 = tpu.vector_load %arg12[%get3A_1436] {strides = array<i32>} : memref<2048xi32, #tpu.memory_space<vmem>>, vector<16xi32>,
      %gt3A_1438 = arith.cmpf ogt, %get3A_1435, %select_n3A_1432 : vector<16xf32>
      %eq3A_1439 = arith.cmpf oeq, %get3A_1435, %select_n3A_1432 : vector<16xf32>
      %lt3A_1440 = arith.cmpi slt, %get3A_1437, %select_n3A_1433 : vector<16xi32>
      %and3A_1441 = arith.andi %eq3A_1439, %lt3A_1440 : vector<16xi1>
      %or3A_1442 = arith.ori %gt3A_1438, %and3A_1441 : vector<16xi1>
      %select_n3A_1443 = arith.select %or3A_1442, %get3A_1435, %select_n3A_1432 : vector<16xi1>, vector<16xf32>
      %select_n3A_1444 = arith.select %or3A_1442, %get3A_1437, %select_n3A_1433 : vector<16xi1>, vector<16xi32>
      %get3A_1445 = arith.constant 720 : index
      %get3A_1446 = tpu.vector_load %arg11[%get3A_1445] {strides = array<i32>} : memref<2048xf32, #tpu.memory_space<vmem>>, vector<16xf32>,
      %get3A_1447 = arith.constant 720 : index
      %get3A_1448 = tpu.vector_load %arg12[%get3A_1447] {strides = array<i32>} : memref<2048xi32, #tpu.memory_space<vmem>>, vector<16xi32>,
      %gt3A_1449 = arith.cmpf ogt, %get3A_1446, %select_n3A_1443 : vector<16xf32>
      %eq3A_1450 = arith.cmpf oeq, %get3A_1446, %select_n3A_1443 : vector<16xf32>
      %lt3A_1451 = arith.cmpi slt, %get3A_1448, %select_n3A_1444 : vector<16xi32>
      %and3A_1452 = arith.andi %eq3A_1450, %lt3A_1451 : vector<16xi1>
      %or3A_1453 = arith.ori %gt3A_1449, %and3A_1452 : vector<16xi1>
      %select_n3A_1454 = arith.select %or3A_1453, %get3A_1446, %select_n3A_1443 : vector<16xi1>, vector<16xf32>
      %select_n3A_1455 = arith.select %or3A_1453, %get3A_1448, %select_n3A_1444 : vector<16xi1>, vector<16xi32>
      %get3A_1456 = arith.constant 848 : index
      %get3A_1457 = tpu.vector_load %arg11[%get3A_1456] {strides = array<i32>} : memref<2048xf32, #tpu.memory_space<vmem>>, vector<16xf32>,
      %get3A_1458 = arith.constant 848 : index
      %get3A_1459 = tpu.vector_load %arg12[%get3A_1458] {strides = array<i32>} : memref<2048xi32, #tpu.memory_space<vmem>>, vector<16xi32>,
      %gt3A_1460 = arith.cmpf ogt, %get3A_1457, %select_n3A_1454 : vector<16xf32>
      %eq3A_1461 = arith.cmpf oeq, %get3A_1457, %select_n3A_1454 : vector<16xf32>
      %lt3A_1462 = arith.cmpi slt, %get3A_1459, %select_n3A_1455 : vector<16xi32>
      %and3A_1463 = arith.andi %eq3A_1461, %lt3A_1462 : vector<16xi1>
      %or3A_1464 = arith.ori %gt3A_1460, %and3A_1463 : vector<16xi1>
      %select_n3A_1465 = arith.select %or3A_1464, %get3A_1457, %select_n3A_1454 : vector<16xi1>, vector<16xf32>
      %select_n3A_1466 = arith.select %or3A_1464, %get3A_1459, %select_n3A_1455 : vector<16xi1>, vector<16xi32>
      %get3A_1467 = arith.constant 976 : index
      %get3A_1468 = tpu.vector_load %arg11[%get3A_1467] {strides = array<i32>} : memref<2048xf32, #tpu.memory_space<vmem>>, vector<16xf32>,
      %get3A_1469 = arith.constant 976 : index
      %get3A_1470 = tpu.vector_load %arg12[%get3A_1469] {strides = array<i32>} : memref<2048xi32, #tpu.memory_space<vmem>>, vector<16xi32>,
      %gt3A_1471 = arith.cmpf ogt, %get3A_1468, %select_n3A_1465 : vector<16xf32>
      %eq3A_1472 = arith.cmpf oeq, %get3A_1468, %select_n3A_1465 : vector<16xf32>
      %lt3A_1473 = arith.cmpi slt, %get3A_1470, %select_n3A_1466 : vector<16xi32>
      %and3A_1474 = arith.andi %eq3A_1472, %lt3A_1473 : vector<16xi1>
      %or3A_1475 = arith.ori %gt3A_1471, %and3A_1474 : vector<16xi1>
      %select_n3A_1476 = arith.select %or3A_1475, %get3A_1468, %select_n3A_1465 : vector<16xi1>, vector<16xf32>
      %select_n3A_1477 = arith.select %or3A_1475, %get3A_1470, %select_n3A_1466 : vector<16xi1>, vector<16xi32>
      %get3A_1478 = arith.constant 1104 : index
      %get3A_1479 = tpu.vector_load %arg11[%get3A_1478] {strides = array<i32>} : memref<2048xf32, #tpu.memory_space<vmem>>, vector<16xf32>,
      %get3A_1480 = arith.constant 1104 : index
      %get3A_1481 = tpu.vector_load %arg12[%get3A_1480] {strides = array<i32>} : memref<2048xi32, #tpu.memory_space<vmem>>, vector<16xi32>,
      %gt3A_1482 = arith.cmpf ogt, %get3A_1479, %select_n3A_1476 : vector<16xf32>
      %eq3A_1483 = arith.cmpf oeq, %get3A_1479, %select_n3A_1476 : vector<16xf32>
      %lt3A_1484 = arith.cmpi slt, %get3A_1481, %select_n3A_1477 : vector<16xi32>
      %and3A_1485 = arith.andi %eq3A_1483, %lt3A_1484 : vector<16xi1>
      %or3A_1486 = arith.ori %gt3A_1482, %and3A_1485 : vector<16xi1>
      %select_n3A_1487 = arith.select %or3A_1486, %get3A_1479, %select_n3A_1476 : vector<16xi1>, vector<16xf32>
      %select_n3A_1488 = arith.select %or3A_1486, %get3A_1481, %select_n3A_1477 : vector<16xi1>, vector<16xi32>
      %get3A_1489 = arith.constant 1232 : index
      %get3A_1490 = tpu.vector_load %arg11[%get3A_1489] {strides = array<i32>} : memref<2048xf32, #tpu.memory_space<vmem>>, vector<16xf32>,
      %get3A_1491 = arith.constant 1232 : index
      %get3A_1492 = tpu.vector_load %arg12[%get3A_1491] {strides = array<i32>} : memref<2048xi32, #tpu.memory_space<vmem>>, vector<16xi32>,
      %gt3A_1493 = arith.cmpf ogt, %get3A_1490, %select_n3A_1487 : vector<16xf32>
      %eq3A_1494 = arith.cmpf oeq, %get3A_1490, %select_n3A_1487 : vector<16xf32>
      %lt3A_1495 = arith.cmpi slt, %get3A_1492, %select_n3A_1488 : vector<16xi32>
      %and3A_1496 = arith.andi %eq3A_1494, %lt3A_1495 : vector<16xi1>
      %or3A_1497 = arith.ori %gt3A_1493, %and3A_1496 : vector<16xi1>
      %select_n3A_1498 = arith.select %or3A_1497, %get3A_1490, %select_n3A_1487 : vector<16xi1>, vector<16xf32>
      %select_n3A_1499 = arith.select %or3A_1497, %get3A_1492, %select_n3A_1488 : vector<16xi1>, vector<16xi32>
      %get3A_1500 = arith.constant 1360 : index
      %get3A_1501 = tpu.vector_load %arg11[%get3A_1500] {strides = array<i32>} : memref<2048xf32, #tpu.memory_space<vmem>>, vector<16xf32>,
      %get3A_1502 = arith.constant 1360 : index
      %get3A_1503 = tpu.vector_load %arg12[%get3A_1502] {strides = array<i32>} : memref<2048xi32, #tpu.memory_space<vmem>>, vector<16xi32>,
      %gt3A_1504 = arith.cmpf ogt, %get3A_1501, %select_n3A_1498 : vector<16xf32>
      %eq3A_1505 = arith.cmpf oeq, %get3A_1501, %select_n3A_1498 : vector<16xf32>
      %lt3A_1506 = arith.cmpi slt, %get3A_1503, %select_n3A_1499 : vector<16xi32>
      %and3A_1507 = arith.andi %eq3A_1505, %lt3A_1506 : vector<16xi1>
      %or3A_1508 = arith.ori %gt3A_1504, %and3A_1507 : vector<16xi1>
      %select_n3A_1509 = arith.select %or3A_1508, %get3A_1501, %select_n3A_1498 : vector<16xi1>, vector<16xf32>
      %select_n3A_1510 = arith.select %or3A_1508, %get3A_1503, %select_n3A_1499 : vector<16xi1>, vector<16xi32>
      %get3A_1511 = arith.constant 1488 : index
      %get3A_1512 = tpu.vector_load %arg11[%get3A_1511] {strides = array<i32>} : memref<2048xf32, #tpu.memory_space<vmem>>, vector<16xf32>,
      %get3A_1513 = arith.constant 1488 : index
      %get3A_1514 = tpu.vector_load %arg12[%get3A_1513] {strides = array<i32>} : memref<2048xi32, #tpu.memory_space<vmem>>, vector<16xi32>,
      %gt3A_1515 = arith.cmpf ogt, %get3A_1512, %select_n3A_1509 : vector<16xf32>
      %eq3A_1516 = arith.cmpf oeq, %get3A_1512, %select_n3A_1509 : vector<16xf32>
      %lt3A_1517 = arith.cmpi slt, %get3A_1514, %select_n3A_1510 : vector<16xi32>
      %and3A_1518 = arith.andi %eq3A_1516, %lt3A_1517 : vector<16xi1>
      %or3A_1519 = arith.ori %gt3A_1515, %and3A_1518 : vector<16xi1>
      %select_n3A_1520 = arith.select %or3A_1519, %get3A_1512, %select_n3A_1509 : vector<16xi1>, vector<16xf32>
      %select_n3A_1521 = arith.select %or3A_1519, %get3A_1514, %select_n3A_1510 : vector<16xi1>, vector<16xi32>
      %get3A_1522 = arith.constant 1616 : index
      %get3A_1523 = tpu.vector_load %arg11[%get3A_1522] {strides = array<i32>} : memref<2048xf32, #tpu.memory_space<vmem>>, vector<16xf32>,
      %get3A_1524 = arith.constant 1616 : index
      %get3A_1525 = tpu.vector_load %arg12[%get3A_1524] {strides = array<i32>} : memref<2048xi32, #tpu.memory_space<vmem>>, vector<16xi32>,
      %gt3A_1526 = arith.cmpf ogt, %get3A_1523, %select_n3A_1520 : vector<16xf32>
      %eq3A_1527 = arith.cmpf oeq, %get3A_1523, %select_n3A_1520 : vector<16xf32>
      %lt3A_1528 = arith.cmpi slt, %get3A_1525, %select_n3A_1521 : vector<16xi32>
      %and3A_1529 = arith.andi %eq3A_1527, %lt3A_1528 : vector<16xi1>
      %or3A_1530 = arith.ori %gt3A_1526, %and3A_1529 : vector<16xi1>
      %select_n3A_1531 = arith.select %or3A_1530, %get3A_1523, %select_n3A_1520 : vector<16xi1>, vector<16xf32>
      %select_n3A_1532 = arith.select %or3A_1530, %get3A_1525, %select_n3A_1521 : vector<16xi1>, vector<16xi32>
      %get3A_1533 = arith.constant 1744 : index
      %get3A_1534 = tpu.vector_load %arg11[%get3A_1533] {strides = array<i32>} : memref<2048xf32, #tpu.memory_space<vmem>>, vector<16xf32>,
      %get3A_1535 = arith.constant 1744 : index
      %get3A_1536 = tpu.vector_load %arg12[%get3A_1535] {strides = array<i32>} : memref<2048xi32, #tpu.memory_space<vmem>>, vector<16xi32>,
      %gt3A_1537 = arith.cmpf ogt, %get3A_1534, %select_n3A_1531 : vector<16xf32>
      %eq3A_1538 = arith.cmpf oeq, %get3A_1534, %select_n3A_1531 : vector<16xf32>
      %lt3A_1539 = arith.cmpi slt, %get3A_1536, %select_n3A_1532 : vector<16xi32>
      %and3A_1540 = arith.andi %eq3A_1538, %lt3A_1539 : vector<16xi1>
      %or3A_1541 = arith.ori %gt3A_1537, %and3A_1540 : vector<16xi1>
      %select_n3A_1542 = arith.select %or3A_1541, %get3A_1534, %select_n3A_1531 : vector<16xi1>, vector<16xf32>
      %select_n3A_1543 = arith.select %or3A_1541, %get3A_1536, %select_n3A_1532 : vector<16xi1>, vector<16xi32>
      %get3A_1544 = arith.constant 1872 : index
      %get3A_1545 = tpu.vector_load %arg11[%get3A_1544] {strides = array<i32>} : memref<2048xf32, #tpu.memory_space<vmem>>, vector<16xf32>,
      %get3A_1546 = arith.constant 1872 : index
      %get3A_1547 = tpu.vector_load %arg12[%get3A_1546] {strides = array<i32>} : memref<2048xi32, #tpu.memory_space<vmem>>, vector<16xi32>,
      %gt3A_1548 = arith.cmpf ogt, %get3A_1545, %select_n3A_1542 : vector<16xf32>
      %eq3A_1549 = arith.cmpf oeq, %get3A_1545, %select_n3A_1542 : vector<16xf32>
      %lt3A_1550 = arith.cmpi slt, %get3A_1547, %select_n3A_1543 : vector<16xi32>
      %and3A_1551 = arith.andi %eq3A_1549, %lt3A_1550 : vector<16xi1>
      %or3A_1552 = arith.ori %gt3A_1548, %and3A_1551 : vector<16xi1>
      %select_n3A_1553 = arith.select %or3A_1552, %get3A_1545, %select_n3A_1542 : vector<16xi1>, vector<16xf32>
      %select_n3A_1554 = arith.select %or3A_1552, %get3A_1547, %select_n3A_1543 : vector<16xi1>, vector<16xi32>
      %get3A_1555 = arith.constant 2000 : index
      %get3A_1556 = tpu.vector_load %arg11[%get3A_1555] {strides = array<i32>} : memref<2048xf32, #tpu.memory_space<vmem>>, vector<16xf32>,
      %get3A_1557 = arith.constant 2000 : index
      %get3A_1558 = tpu.vector_load %arg12[%get3A_1557] {strides = array<i32>} : memref<2048xi32, #tpu.memory_space<vmem>>, vector<16xi32>,
      %gt3A_1559 = arith.cmpf ogt, %get3A_1556, %select_n3A_1553 : vector<16xf32>
      %eq3A_1560 = arith.cmpf oeq, %get3A_1556, %select_n3A_1553 : vector<16xf32>
      %lt3A_1561 = arith.cmpi slt, %get3A_1558, %select_n3A_1554 : vector<16xi32>
      %and3A_1562 = arith.andi %eq3A_1560, %lt3A_1561 : vector<16xi1>
      %or3A_1563 = arith.ori %gt3A_1559, %and3A_1562 : vector<16xi1>
      %select_n3A_1564 = arith.select %or3A_1563, %get3A_1556, %select_n3A_1553 : vector<16xi1>, vector<16xf32>
      %select_n3A_1565 = arith.select %or3A_1563, %get3A_1558, %select_n3A_1554 : vector<16xi1>, vector<16xi32>
      %lt3A_1566 = arith.constant 50000 : i32
      %lt3A_1567 = vector.broadcast %lt3A_1566 : i32 to vector<16xi32>
      %lt3A_1568 = arith.cmpi slt, %select_n3A_1565, %lt3A_1567 : vector<16xi32>
      %jit3A_1569 = arith.constant 51199 : i32
      %broadcast_in_dim3A_1570 = vector.broadcast %jit3A_1569 : i32 to vector<16xi32>
      %select_n3A_1571 = arith.select %lt3A_1568, %select_n3A_1565, %broadcast_in_dim3A_1570 : vector<16xi1>, vector<16xi32>
      %swap3A_1572 = arith.constant 80 : index
      %swap3A_1573 = tpu.vector_load %arg13[%swap3A_1572] {strides = array<i32>} : memref<128xi32, #tpu.memory_space<vmem>>, vector<16xi32>,
      tpu.vector_store %arg13[%swap3A_1572], %select_n3A_1571 {strides = array<i32>} : memref<128xi32, #tpu.memory_space<vmem>>, vector<16xi32>,
      %broadcast_in_dim3A_1574 = arith.constant 1.000000e+00 : f32
      %broadcast_in_dim3A_1575 = vector.broadcast %broadcast_in_dim3A_1574 : f32 to vector<16xf32>
      %swap3A_1576 = arith.constant 80 : index
      %swap3A_1577 = tpu.vector_load %arg14[%swap3A_1576] {strides = array<i32>} : memref<128xf32, #tpu.memory_space<vmem>>, vector<16xf32>,
      tpu.vector_store %arg14[%swap3A_1576], %broadcast_in_dim3A_1575 {strides = array<i32>} : memref<128xf32, #tpu.memory_space<vmem>>, vector<16xf32>,
      %get3A_1578 = arith.constant 96 : index
      %get3A_1579 = tpu.vector_load %arg11[%get3A_1578] {strides = array<i32>} : memref<2048xf32, #tpu.memory_space<vmem>>, vector<16xf32>,
      %get3A_1580 = arith.constant 96 : index
      %get3A_1581 = tpu.vector_load %arg12[%get3A_1580] {strides = array<i32>} : memref<2048xi32, #tpu.memory_space<vmem>>, vector<16xi32>,
      %get3A_1582 = arith.constant 224 : index
      %get3A_1583 = tpu.vector_load %arg11[%get3A_1582] {strides = array<i32>} : memref<2048xf32, #tpu.memory_space<vmem>>, vector<16xf32>,
      %get3A_1584 = arith.constant 224 : index
      %get3A_1585 = tpu.vector_load %arg12[%get3A_1584] {strides = array<i32>} : memref<2048xi32, #tpu.memory_space<vmem>>, vector<16xi32>,
      %gt3A_1586 = arith.cmpf ogt, %get3A_1583, %get3A_1579 : vector<16xf32>
      %eq3A_1587 = arith.cmpf oeq, %get3A_1583, %get3A_1579 : vector<16xf32>
      %lt3A_1588 = arith.cmpi slt, %get3A_1585, %get3A_1581 : vector<16xi32>
      %and3A_1589 = arith.andi %eq3A_1587, %lt3A_1588 : vector<16xi1>
      %or3A_1590 = arith.ori %gt3A_1586, %and3A_1589 : vector<16xi1>
      %select_n3A_1591 = arith.select %or3A_1590, %get3A_1583, %get3A_1579 : vector<16xi1>, vector<16xf32>
      %select_n3A_1592 = arith.select %or3A_1590, %get3A_1585, %get3A_1581 : vector<16xi1>, vector<16xi32>
      %get3A_1593 = arith.constant 352 : index
      %get3A_1594 = tpu.vector_load %arg11[%get3A_1593] {strides = array<i32>} : memref<2048xf32, #tpu.memory_space<vmem>>, vector<16xf32>,
      %get3A_1595 = arith.constant 352 : index
      %get3A_1596 = tpu.vector_load %arg12[%get3A_1595] {strides = array<i32>} : memref<2048xi32, #tpu.memory_space<vmem>>, vector<16xi32>,
      %gt3A_1597 = arith.cmpf ogt, %get3A_1594, %select_n3A_1591 : vector<16xf32>
      %eq3A_1598 = arith.cmpf oeq, %get3A_1594, %select_n3A_1591 : vector<16xf32>
      %lt3A_1599 = arith.cmpi slt, %get3A_1596, %select_n3A_1592 : vector<16xi32>
      %and3A_1600 = arith.andi %eq3A_1598, %lt3A_1599 : vector<16xi1>
      %or3A_1601 = arith.ori %gt3A_1597, %and3A_1600 : vector<16xi1>
      %select_n3A_1602 = arith.select %or3A_1601, %get3A_1594, %select_n3A_1591 : vector<16xi1>, vector<16xf32>
      %select_n3A_1603 = arith.select %or3A_1601, %get3A_1596, %select_n3A_1592 : vector<16xi1>, vector<16xi32>
      %get3A_1604 = arith.constant 480 : index
      %get3A_1605 = tpu.vector_load %arg11[%get3A_1604] {strides = array<i32>} : memref<2048xf32, #tpu.memory_space<vmem>>, vector<16xf32>,
      %get3A_1606 = arith.constant 480 : index
      %get3A_1607 = tpu.vector_load %arg12[%get3A_1606] {strides = array<i32>} : memref<2048xi32, #tpu.memory_space<vmem>>, vector<16xi32>,
      %gt3A_1608 = arith.cmpf ogt, %get3A_1605, %select_n3A_1602 : vector<16xf32>
      %eq3A_1609 = arith.cmpf oeq, %get3A_1605, %select_n3A_1602 : vector<16xf32>
      %lt3A_1610 = arith.cmpi slt, %get3A_1607, %select_n3A_1603 : vector<16xi32>
      %and3A_1611 = arith.andi %eq3A_1609, %lt3A_1610 : vector<16xi1>
      %or3A_1612 = arith.ori %gt3A_1608, %and3A_1611 : vector<16xi1>
      %select_n3A_1613 = arith.select %or3A_1612, %get3A_1605, %select_n3A_1602 : vector<16xi1>, vector<16xf32>
      %select_n3A_1614 = arith.select %or3A_1612, %get3A_1607, %select_n3A_1603 : vector<16xi1>, vector<16xi32>
      %get3A_1615 = arith.constant 608 : index
      %get3A_1616 = tpu.vector_load %arg11[%get3A_1615] {strides = array<i32>} : memref<2048xf32, #tpu.memory_space<vmem>>, vector<16xf32>,
      %get3A_1617 = arith.constant 608 : index
      %get3A_1618 = tpu.vector_load %arg12[%get3A_1617] {strides = array<i32>} : memref<2048xi32, #tpu.memory_space<vmem>>, vector<16xi32>,
      %gt3A_1619 = arith.cmpf ogt, %get3A_1616, %select_n3A_1613 : vector<16xf32>
      %eq3A_1620 = arith.cmpf oeq, %get3A_1616, %select_n3A_1613 : vector<16xf32>
      %lt3A_1621 = arith.cmpi slt, %get3A_1618, %select_n3A_1614 : vector<16xi32>
      %and3A_1622 = arith.andi %eq3A_1620, %lt3A_1621 : vector<16xi1>
      %or3A_1623 = arith.ori %gt3A_1619, %and3A_1622 : vector<16xi1>
      %select_n3A_1624 = arith.select %or3A_1623, %get3A_1616, %select_n3A_1613 : vector<16xi1>, vector<16xf32>
      %select_n3A_1625 = arith.select %or3A_1623, %get3A_1618, %select_n3A_1614 : vector<16xi1>, vector<16xi32>
      %get3A_1626 = arith.constant 736 : index
      %get3A_1627 = tpu.vector_load %arg11[%get3A_1626] {strides = array<i32>} : memref<2048xf32, #tpu.memory_space<vmem>>, vector<16xf32>,
      %get3A_1628 = arith.constant 736 : index
      %get3A_1629 = tpu.vector_load %arg12[%get3A_1628] {strides = array<i32>} : memref<2048xi32, #tpu.memory_space<vmem>>, vector<16xi32>,
      %gt3A_1630 = arith.cmpf ogt, %get3A_1627, %select_n3A_1624 : vector<16xf32>
      %eq3A_1631 = arith.cmpf oeq, %get3A_1627, %select_n3A_1624 : vector<16xf32>
      %lt3A_1632 = arith.cmpi slt, %get3A_1629, %select_n3A_1625 : vector<16xi32>
      %and3A_1633 = arith.andi %eq3A_1631, %lt3A_1632 : vector<16xi1>
      %or3A_1634 = arith.ori %gt3A_1630, %and3A_1633 : vector<16xi1>
      %select_n3A_1635 = arith.select %or3A_1634, %get3A_1627, %select_n3A_1624 : vector<16xi1>, vector<16xf32>
      %select_n3A_1636 = arith.select %or3A_1634, %get3A_1629, %select_n3A_1625 : vector<16xi1>, vector<16xi32>
      %get3A_1637 = arith.constant 864 : index
      %get3A_1638 = tpu.vector_load %arg11[%get3A_1637] {strides = array<i32>} : memref<2048xf32, #tpu.memory_space<vmem>>, vector<16xf32>,
      %get3A_1639 = arith.constant 864 : index
      %get3A_1640 = tpu.vector_load %arg12[%get3A_1639] {strides = array<i32>} : memref<2048xi32, #tpu.memory_space<vmem>>, vector<16xi32>,
      %gt3A_1641 = arith.cmpf ogt, %get3A_1638, %select_n3A_1635 : vector<16xf32>
      %eq3A_1642 = arith.cmpf oeq, %get3A_1638, %select_n3A_1635 : vector<16xf32>
      %lt3A_1643 = arith.cmpi slt, %get3A_1640, %select_n3A_1636 : vector<16xi32>
      %and3A_1644 = arith.andi %eq3A_1642, %lt3A_1643 : vector<16xi1>
      %or3A_1645 = arith.ori %gt3A_1641, %and3A_1644 : vector<16xi1>
      %select_n3A_1646 = arith.select %or3A_1645, %get3A_1638, %select_n3A_1635 : vector<16xi1>, vector<16xf32>
      %select_n3A_1647 = arith.select %or3A_1645, %get3A_1640, %select_n3A_1636 : vector<16xi1>, vector<16xi32>
      %get3A_1648 = arith.constant 992 : index
      %get3A_1649 = tpu.vector_load %arg11[%get3A_1648] {strides = array<i32>} : memref<2048xf32, #tpu.memory_space<vmem>>, vector<16xf32>,
      %get3A_1650 = arith.constant 992 : index
      %get3A_1651 = tpu.vector_load %arg12[%get3A_1650] {strides = array<i32>} : memref<2048xi32, #tpu.memory_space<vmem>>, vector<16xi32>,
      %gt3A_1652 = arith.cmpf ogt, %get3A_1649, %select_n3A_1646 : vector<16xf32>
      %eq3A_1653 = arith.cmpf oeq, %get3A_1649, %select_n3A_1646 : vector<16xf32>
      %lt3A_1654 = arith.cmpi slt, %get3A_1651, %select_n3A_1647 : vector<16xi32>
      %and3A_1655 = arith.andi %eq3A_1653, %lt3A_1654 : vector<16xi1>
      %or3A_1656 = arith.ori %gt3A_1652, %and3A_1655 : vector<16xi1>
      %select_n3A_1657 = arith.select %or3A_1656, %get3A_1649, %select_n3A_1646 : vector<16xi1>, vector<16xf32>
      %select_n3A_1658 = arith.select %or3A_1656, %get3A_1651, %select_n3A_1647 : vector<16xi1>, vector<16xi32>
      %get3A_1659 = arith.constant 1120 : index
      %get3A_1660 = tpu.vector_load %arg11[%get3A_1659] {strides = array<i32>} : memref<2048xf32, #tpu.memory_space<vmem>>, vector<16xf32>,
      %get3A_1661 = arith.constant 1120 : index
      %get3A_1662 = tpu.vector_load %arg12[%get3A_1661] {strides = array<i32>} : memref<2048xi32, #tpu.memory_space<vmem>>, vector<16xi32>,
      %gt3A_1663 = arith.cmpf ogt, %get3A_1660, %select_n3A_1657 : vector<16xf32>
      %eq3A_1664 = arith.cmpf oeq, %get3A_1660, %select_n3A_1657 : vector<16xf32>
      %lt3A_1665 = arith.cmpi slt, %get3A_1662, %select_n3A_1658 : vector<16xi32>
      %and3A_1666 = arith.andi %eq3A_1664, %lt3A_1665 : vector<16xi1>
      %or3A_1667 = arith.ori %gt3A_1663, %and3A_1666 : vector<16xi1>
      %select_n3A_1668 = arith.select %or3A_1667, %get3A_1660, %select_n3A_1657 : vector<16xi1>, vector<16xf32>
      %select_n3A_1669 = arith.select %or3A_1667, %get3A_1662, %select_n3A_1658 : vector<16xi1>, vector<16xi32>
      %get3A_1670 = arith.constant 1248 : index
      %get3A_1671 = tpu.vector_load %arg11[%get3A_1670] {strides = array<i32>} : memref<2048xf32, #tpu.memory_space<vmem>>, vector<16xf32>,
      %get3A_1672 = arith.constant 1248 : index
      %get3A_1673 = tpu.vector_load %arg12[%get3A_1672] {strides = array<i32>} : memref<2048xi32, #tpu.memory_space<vmem>>, vector<16xi32>,
      %gt3A_1674 = arith.cmpf ogt, %get3A_1671, %select_n3A_1668 : vector<16xf32>
      %eq3A_1675 = arith.cmpf oeq, %get3A_1671, %select_n3A_1668 : vector<16xf32>
      %lt3A_1676 = arith.cmpi slt, %get3A_1673, %select_n3A_1669 : vector<16xi32>
      %and3A_1677 = arith.andi %eq3A_1675, %lt3A_1676 : vector<16xi1>
      %or3A_1678 = arith.ori %gt3A_1674, %and3A_1677 : vector<16xi1>
      %select_n3A_1679 = arith.select %or3A_1678, %get3A_1671, %select_n3A_1668 : vector<16xi1>, vector<16xf32>
      %select_n3A_1680 = arith.select %or3A_1678, %get3A_1673, %select_n3A_1669 : vector<16xi1>, vector<16xi32>
      %get3A_1681 = arith.constant 1376 : index
      %get3A_1682 = tpu.vector_load %arg11[%get3A_1681] {strides = array<i32>} : memref<2048xf32, #tpu.memory_space<vmem>>, vector<16xf32>,
      %get3A_1683 = arith.constant 1376 : index
      %get3A_1684 = tpu.vector_load %arg12[%get3A_1683] {strides = array<i32>} : memref<2048xi32, #tpu.memory_space<vmem>>, vector<16xi32>,
      %gt3A_1685 = arith.cmpf ogt, %get3A_1682, %select_n3A_1679 : vector<16xf32>
      %eq3A_1686 = arith.cmpf oeq, %get3A_1682, %select_n3A_1679 : vector<16xf32>
      %lt3A_1687 = arith.cmpi slt, %get3A_1684, %select_n3A_1680 : vector<16xi32>
      %and3A_1688 = arith.andi %eq3A_1686, %lt3A_1687 : vector<16xi1>
      %or3A_1689 = arith.ori %gt3A_1685, %and3A_1688 : vector<16xi1>
      %select_n3A_1690 = arith.select %or3A_1689, %get3A_1682, %select_n3A_1679 : vector<16xi1>, vector<16xf32>
      %select_n3A_1691 = arith.select %or3A_1689, %get3A_1684, %select_n3A_1680 : vector<16xi1>, vector<16xi32>
      %get3A_1692 = arith.constant 1504 : index
      %get3A_1693 = tpu.vector_load %arg11[%get3A_1692] {strides = array<i32>} : memref<2048xf32, #tpu.memory_space<vmem>>, vector<16xf32>,
      %get3A_1694 = arith.constant 1504 : index
      %get3A_1695 = tpu.vector_load %arg12[%get3A_1694] {strides = array<i32>} : memref<2048xi32, #tpu.memory_space<vmem>>, vector<16xi32>,
      %gt3A_1696 = arith.cmpf ogt, %get3A_1693, %select_n3A_1690 : vector<16xf32>
      %eq3A_1697 = arith.cmpf oeq, %get3A_1693, %select_n3A_1690 : vector<16xf32>
      %lt3A_1698 = arith.cmpi slt, %get3A_1695, %select_n3A_1691 : vector<16xi32>
      %and3A_1699 = arith.andi %eq3A_1697, %lt3A_1698 : vector<16xi1>
      %or3A_1700 = arith.ori %gt3A_1696, %and3A_1699 : vector<16xi1>
      %select_n3A_1701 = arith.select %or3A_1700, %get3A_1693, %select_n3A_1690 : vector<16xi1>, vector<16xf32>
      %select_n3A_1702 = arith.select %or3A_1700, %get3A_1695, %select_n3A_1691 : vector<16xi1>, vector<16xi32>
      %get3A_1703 = arith.constant 1632 : index
      %get3A_1704 = tpu.vector_load %arg11[%get3A_1703] {strides = array<i32>} : memref<2048xf32, #tpu.memory_space<vmem>>, vector<16xf32>,
      %get3A_1705 = arith.constant 1632 : index
      %get3A_1706 = tpu.vector_load %arg12[%get3A_1705] {strides = array<i32>} : memref<2048xi32, #tpu.memory_space<vmem>>, vector<16xi32>,
      %gt3A_1707 = arith.cmpf ogt, %get3A_1704, %select_n3A_1701 : vector<16xf32>
      %eq3A_1708 = arith.cmpf oeq, %get3A_1704, %select_n3A_1701 : vector<16xf32>
      %lt3A_1709 = arith.cmpi slt, %get3A_1706, %select_n3A_1702 : vector<16xi32>
      %and3A_1710 = arith.andi %eq3A_1708, %lt3A_1709 : vector<16xi1>
      %or3A_1711 = arith.ori %gt3A_1707, %and3A_1710 : vector<16xi1>
      %select_n3A_1712 = arith.select %or3A_1711, %get3A_1704, %select_n3A_1701 : vector<16xi1>, vector<16xf32>
      %select_n3A_1713 = arith.select %or3A_1711, %get3A_1706, %select_n3A_1702 : vector<16xi1>, vector<16xi32>
      %get3A_1714 = arith.constant 1760 : index
      %get3A_1715 = tpu.vector_load %arg11[%get3A_1714] {strides = array<i32>} : memref<2048xf32, #tpu.memory_space<vmem>>, vector<16xf32>,
      %get3A_1716 = arith.constant 1760 : index
      %get3A_1717 = tpu.vector_load %arg12[%get3A_1716] {strides = array<i32>} : memref<2048xi32, #tpu.memory_space<vmem>>, vector<16xi32>,
      %gt3A_1718 = arith.cmpf ogt, %get3A_1715, %select_n3A_1712 : vector<16xf32>
      %eq3A_1719 = arith.cmpf oeq, %get3A_1715, %select_n3A_1712 : vector<16xf32>
      %lt3A_1720 = arith.cmpi slt, %get3A_1717, %select_n3A_1713 : vector<16xi32>
      %and3A_1721 = arith.andi %eq3A_1719, %lt3A_1720 : vector<16xi1>
      %or3A_1722 = arith.ori %gt3A_1718, %and3A_1721 : vector<16xi1>
      %select_n3A_1723 = arith.select %or3A_1722, %get3A_1715, %select_n3A_1712 : vector<16xi1>, vector<16xf32>
      %select_n3A_1724 = arith.select %or3A_1722, %get3A_1717, %select_n3A_1713 : vector<16xi1>, vector<16xi32>
      %get3A_1725 = arith.constant 1888 : index
      %get3A_1726 = tpu.vector_load %arg11[%get3A_1725] {strides = array<i32>} : memref<2048xf32, #tpu.memory_space<vmem>>, vector<16xf32>,
      %get3A_1727 = arith.constant 1888 : index
      %get3A_1728 = tpu.vector_load %arg12[%get3A_1727] {strides = array<i32>} : memref<2048xi32, #tpu.memory_space<vmem>>, vector<16xi32>,
      %gt3A_1729 = arith.cmpf ogt, %get3A_1726, %select_n3A_1723 : vector<16xf32>
      %eq3A_1730 = arith.cmpf oeq, %get3A_1726, %select_n3A_1723 : vector<16xf32>
      %lt3A_1731 = arith.cmpi slt, %get3A_1728, %select_n3A_1724 : vector<16xi32>
      %and3A_1732 = arith.andi %eq3A_1730, %lt3A_1731 : vector<16xi1>
      %or3A_1733 = arith.ori %gt3A_1729, %and3A_1732 : vector<16xi1>
      %select_n3A_1734 = arith.select %or3A_1733, %get3A_1726, %select_n3A_1723 : vector<16xi1>, vector<16xf32>
      %select_n3A_1735 = arith.select %or3A_1733, %get3A_1728, %select_n3A_1724 : vector<16xi1>, vector<16xi32>
      %get3A_1736 = arith.constant 2016 : index
      %get3A_1737 = tpu.vector_load %arg11[%get3A_1736] {strides = array<i32>} : memref<2048xf32, #tpu.memory_space<vmem>>, vector<16xf32>,
      %get3A_1738 = arith.constant 2016 : index
      %get3A_1739 = tpu.vector_load %arg12[%get3A_1738] {strides = array<i32>} : memref<2048xi32, #tpu.memory_space<vmem>>, vector<16xi32>,
      %gt3A_1740 = arith.cmpf ogt, %get3A_1737, %select_n3A_1734 : vector<16xf32>
      %eq3A_1741 = arith.cmpf oeq, %get3A_1737, %select_n3A_1734 : vector<16xf32>
      %lt3A_1742 = arith.cmpi slt, %get3A_1739, %select_n3A_1735 : vector<16xi32>
      %and3A_1743 = arith.andi %eq3A_1741, %lt3A_1742 : vector<16xi1>
      %or3A_1744 = arith.ori %gt3A_1740, %and3A_1743 : vector<16xi1>
      %select_n3A_1745 = arith.select %or3A_1744, %get3A_1737, %select_n3A_1734 : vector<16xi1>, vector<16xf32>
      %select_n3A_1746 = arith.select %or3A_1744, %get3A_1739, %select_n3A_1735 : vector<16xi1>, vector<16xi32>
      %lt3A_1747 = arith.constant 50000 : i32
      %lt3A_1748 = vector.broadcast %lt3A_1747 : i32 to vector<16xi32>
      %lt3A_1749 = arith.cmpi slt, %select_n3A_1746, %lt3A_1748 : vector<16xi32>
      %jit3A_1750 = arith.constant 51199 : i32
      %broadcast_in_dim3A_1751 = vector.broadcast %jit3A_1750 : i32 to vector<16xi32>
      %select_n3A_1752 = arith.select %lt3A_1749, %select_n3A_1746, %broadcast_in_dim3A_1751 : vector<16xi1>, vector<16xi32>
      %swap3A_1753 = arith.constant 96 : index
      %swap3A_1754 = tpu.vector_load %arg13[%swap3A_1753] {strides = array<i32>} : memref<128xi32, #tpu.memory_space<vmem>>, vector<16xi32>,
      tpu.vector_store %arg13[%swap3A_1753], %select_n3A_1752 {strides = array<i32>} : memref<128xi32, #tpu.memory_space<vmem>>, vector<16xi32>,
      %broadcast_in_dim3A_1755 = arith.constant 1.000000e+00 : f32
      %broadcast_in_dim3A_1756 = vector.broadcast %broadcast_in_dim3A_1755 : f32 to vector<16xf32>
      %swap3A_1757 = arith.constant 96 : index
      %swap3A_1758 = tpu.vector_load %arg14[%swap3A_1757] {strides = array<i32>} : memref<128xf32, #tpu.memory_space<vmem>>, vector<16xf32>,
      tpu.vector_store %arg14[%swap3A_1757], %broadcast_in_dim3A_1756 {strides = array<i32>} : memref<128xf32, #tpu.memory_space<vmem>>, vector<16xf32>,
      %get3A_1759 = arith.constant 112 : index
      %get3A_1760 = tpu.vector_load %arg11[%get3A_1759] {strides = array<i32>} : memref<2048xf32, #tpu.memory_space<vmem>>, vector<16xf32>,
      %get3A_1761 = arith.constant 112 : index
      %get3A_1762 = tpu.vector_load %arg12[%get3A_1761] {strides = array<i32>} : memref<2048xi32, #tpu.memory_space<vmem>>, vector<16xi32>,
      %get3A_1763 = arith.constant 240 : index
      %get3A_1764 = tpu.vector_load %arg11[%get3A_1763] {strides = array<i32>} : memref<2048xf32, #tpu.memory_space<vmem>>, vector<16xf32>,
      %get3A_1765 = arith.constant 240 : index
      %get3A_1766 = tpu.vector_load %arg12[%get3A_1765] {strides = array<i32>} : memref<2048xi32, #tpu.memory_space<vmem>>, vector<16xi32>,
      %gt3A_1767 = arith.cmpf ogt, %get3A_1764, %get3A_1760 : vector<16xf32>
      %eq3A_1768 = arith.cmpf oeq, %get3A_1764, %get3A_1760 : vector<16xf32>
      %lt3A_1769 = arith.cmpi slt, %get3A_1766, %get3A_1762 : vector<16xi32>
      %and3A_1770 = arith.andi %eq3A_1768, %lt3A_1769 : vector<16xi1>
      %or3A_1771 = arith.ori %gt3A_1767, %and3A_1770 : vector<16xi1>
      %select_n3A_1772 = arith.select %or3A_1771, %get3A_1764, %get3A_1760 : vector<16xi1>, vector<16xf32>
      %select_n3A_1773 = arith.select %or3A_1771, %get3A_1766, %get3A_1762 : vector<16xi1>, vector<16xi32>
      %get3A_1774 = arith.constant 368 : index
      %get3A_1775 = tpu.vector_load %arg11[%get3A_1774] {strides = array<i32>} : memref<2048xf32, #tpu.memory_space<vmem>>, vector<16xf32>,
      %get3A_1776 = arith.constant 368 : index
      %get3A_1777 = tpu.vector_load %arg12[%get3A_1776] {strides = array<i32>} : memref<2048xi32, #tpu.memory_space<vmem>>, vector<16xi32>,
      %gt3A_1778 = arith.cmpf ogt, %get3A_1775, %select_n3A_1772 : vector<16xf32>
      %eq3A_1779 = arith.cmpf oeq, %get3A_1775, %select_n3A_1772 : vector<16xf32>
      %lt3A_1780 = arith.cmpi slt, %get3A_1777, %select_n3A_1773 : vector<16xi32>
      %and3A_1781 = arith.andi %eq3A_1779, %lt3A_1780 : vector<16xi1>
      %or3A_1782 = arith.ori %gt3A_1778, %and3A_1781 : vector<16xi1>
      %select_n3A_1783 = arith.select %or3A_1782, %get3A_1775, %select_n3A_1772 : vector<16xi1>, vector<16xf32>
      %select_n3A_1784 = arith.select %or3A_1782, %get3A_1777, %select_n3A_1773 : vector<16xi1>, vector<16xi32>
      %get3A_1785 = arith.constant 496 : index
      %get3A_1786 = tpu.vector_load %arg11[%get3A_1785] {strides = array<i32>} : memref<2048xf32, #tpu.memory_space<vmem>>, vector<16xf32>,
      %get3A_1787 = arith.constant 496 : index
      %get3A_1788 = tpu.vector_load %arg12[%get3A_1787] {strides = array<i32>} : memref<2048xi32, #tpu.memory_space<vmem>>, vector<16xi32>,
      %gt3A_1789 = arith.cmpf ogt, %get3A_1786, %select_n3A_1783 : vector<16xf32>
      %eq3A_1790 = arith.cmpf oeq, %get3A_1786, %select_n3A_1783 : vector<16xf32>
      %lt3A_1791 = arith.cmpi slt, %get3A_1788, %select_n3A_1784 : vector<16xi32>
      %and3A_1792 = arith.andi %eq3A_1790, %lt3A_1791 : vector<16xi1>
      %or3A_1793 = arith.ori %gt3A_1789, %and3A_1792 : vector<16xi1>
      %select_n3A_1794 = arith.select %or3A_1793, %get3A_1786, %select_n3A_1783 : vector<16xi1>, vector<16xf32>
      %select_n3A_1795 = arith.select %or3A_1793, %get3A_1788, %select_n3A_1784 : vector<16xi1>, vector<16xi32>
      %get3A_1796 = arith.constant 624 : index
      %get3A_1797 = tpu.vector_load %arg11[%get3A_1796] {strides = array<i32>} : memref<2048xf32, #tpu.memory_space<vmem>>, vector<16xf32>,
      %get3A_1798 = arith.constant 624 : index
      %get3A_1799 = tpu.vector_load %arg12[%get3A_1798] {strides = array<i32>} : memref<2048xi32, #tpu.memory_space<vmem>>, vector<16xi32>,
      %gt3A_1800 = arith.cmpf ogt, %get3A_1797, %select_n3A_1794 : vector<16xf32>
      %eq3A_1801 = arith.cmpf oeq, %get3A_1797, %select_n3A_1794 : vector<16xf32>
      %lt3A_1802 = arith.cmpi slt, %get3A_1799, %select_n3A_1795 : vector<16xi32>
      %and3A_1803 = arith.andi %eq3A_1801, %lt3A_1802 : vector<16xi1>
      %or3A_1804 = arith.ori %gt3A_1800, %and3A_1803 : vector<16xi1>
      %select_n3A_1805 = arith.select %or3A_1804, %get3A_1797, %select_n3A_1794 : vector<16xi1>, vector<16xf32>
      %select_n3A_1806 = arith.select %or3A_1804, %get3A_1799, %select_n3A_1795 : vector<16xi1>, vector<16xi32>
      %get3A_1807 = arith.constant 752 : index
      %get3A_1808 = tpu.vector_load %arg11[%get3A_1807] {strides = array<i32>} : memref<2048xf32, #tpu.memory_space<vmem>>, vector<16xf32>,
      %get3A_1809 = arith.constant 752 : index
      %get3A_1810 = tpu.vector_load %arg12[%get3A_1809] {strides = array<i32>} : memref<2048xi32, #tpu.memory_space<vmem>>, vector<16xi32>,
      %gt3A_1811 = arith.cmpf ogt, %get3A_1808, %select_n3A_1805 : vector<16xf32>
      %eq3A_1812 = arith.cmpf oeq, %get3A_1808, %select_n3A_1805 : vector<16xf32>
      %lt3A_1813 = arith.cmpi slt, %get3A_1810, %select_n3A_1806 : vector<16xi32>
      %and3A_1814 = arith.andi %eq3A_1812, %lt3A_1813 : vector<16xi1>
      %or3A_1815 = arith.ori %gt3A_1811, %and3A_1814 : vector<16xi1>
      %select_n3A_1816 = arith.select %or3A_1815, %get3A_1808, %select_n3A_1805 : vector<16xi1>, vector<16xf32>
      %select_n3A_1817 = arith.select %or3A_1815, %get3A_1810, %select_n3A_1806 : vector<16xi1>, vector<16xi32>
      %get3A_1818 = arith.constant 880 : index
      %get3A_1819 = tpu.vector_load %arg11[%get3A_1818] {strides = array<i32>} : memref<2048xf32, #tpu.memory_space<vmem>>, vector<16xf32>,
      %get3A_1820 = arith.constant 880 : index
      %get3A_1821 = tpu.vector_load %arg12[%get3A_1820] {strides = array<i32>} : memref<2048xi32, #tpu.memory_space<vmem>>, vector<16xi32>,
      %gt3A_1822 = arith.cmpf ogt, %get3A_1819, %select_n3A_1816 : vector<16xf32>
      %eq3A_1823 = arith.cmpf oeq, %get3A_1819, %select_n3A_1816 : vector<16xf32>
      %lt3A_1824 = arith.cmpi slt, %get3A_1821, %select_n3A_1817 : vector<16xi32>
      %and3A_1825 = arith.andi %eq3A_1823, %lt3A_1824 : vector<16xi1>
      %or3A_1826 = arith.ori %gt3A_1822, %and3A_1825 : vector<16xi1>
      %select_n3A_1827 = arith.select %or3A_1826, %get3A_1819, %select_n3A_1816 : vector<16xi1>, vector<16xf32>
      %select_n3A_1828 = arith.select %or3A_1826, %get3A_1821, %select_n3A_1817 : vector<16xi1>, vector<16xi32>
      %get3A_1829 = arith.constant 1008 : index
      %get3A_1830 = tpu.vector_load %arg11[%get3A_1829] {strides = array<i32>} : memref<2048xf32, #tpu.memory_space<vmem>>, vector<16xf32>,
      %get3A_1831 = arith.constant 1008 : index
      %get3A_1832 = tpu.vector_load %arg12[%get3A_1831] {strides = array<i32>} : memref<2048xi32, #tpu.memory_space<vmem>>, vector<16xi32>,
      %gt3A_1833 = arith.cmpf ogt, %get3A_1830, %select_n3A_1827 : vector<16xf32>
      %eq3A_1834 = arith.cmpf oeq, %get3A_1830, %select_n3A_1827 : vector<16xf32>
      %lt3A_1835 = arith.cmpi slt, %get3A_1832, %select_n3A_1828 : vector<16xi32>
      %and3A_1836 = arith.andi %eq3A_1834, %lt3A_1835 : vector<16xi1>
      %or3A_1837 = arith.ori %gt3A_1833, %and3A_1836 : vector<16xi1>
      %select_n3A_1838 = arith.select %or3A_1837, %get3A_1830, %select_n3A_1827 : vector<16xi1>, vector<16xf32>
      %select_n3A_1839 = arith.select %or3A_1837, %get3A_1832, %select_n3A_1828 : vector<16xi1>, vector<16xi32>
      %get3A_1840 = arith.constant 1136 : index
      %get3A_1841 = tpu.vector_load %arg11[%get3A_1840] {strides = array<i32>} : memref<2048xf32, #tpu.memory_space<vmem>>, vector<16xf32>,
      %get3A_1842 = arith.constant 1136 : index
      %get3A_1843 = tpu.vector_load %arg12[%get3A_1842] {strides = array<i32>} : memref<2048xi32, #tpu.memory_space<vmem>>, vector<16xi32>,
      %gt3A_1844 = arith.cmpf ogt, %get3A_1841, %select_n3A_1838 : vector<16xf32>
      %eq3A_1845 = arith.cmpf oeq, %get3A_1841, %select_n3A_1838 : vector<16xf32>
      %lt3A_1846 = arith.cmpi slt, %get3A_1843, %select_n3A_1839 : vector<16xi32>
      %and3A_1847 = arith.andi %eq3A_1845, %lt3A_1846 : vector<16xi1>
      %or3A_1848 = arith.ori %gt3A_1844, %and3A_1847 : vector<16xi1>
      %select_n3A_1849 = arith.select %or3A_1848, %get3A_1841, %select_n3A_1838 : vector<16xi1>, vector<16xf32>
      %select_n3A_1850 = arith.select %or3A_1848, %get3A_1843, %select_n3A_1839 : vector<16xi1>, vector<16xi32>
      %get3A_1851 = arith.constant 1264 : index
      %get3A_1852 = tpu.vector_load %arg11[%get3A_1851] {strides = array<i32>} : memref<2048xf32, #tpu.memory_space<vmem>>, vector<16xf32>,
      %get3A_1853 = arith.constant 1264 : index
      %get3A_1854 = tpu.vector_load %arg12[%get3A_1853] {strides = array<i32>} : memref<2048xi32, #tpu.memory_space<vmem>>, vector<16xi32>,
      %gt3A_1855 = arith.cmpf ogt, %get3A_1852, %select_n3A_1849 : vector<16xf32>
      %eq3A_1856 = arith.cmpf oeq, %get3A_1852, %select_n3A_1849 : vector<16xf32>
      %lt3A_1857 = arith.cmpi slt, %get3A_1854, %select_n3A_1850 : vector<16xi32>
      %and3A_1858 = arith.andi %eq3A_1856, %lt3A_1857 : vector<16xi1>
      %or3A_1859 = arith.ori %gt3A_1855, %and3A_1858 : vector<16xi1>
      %select_n3A_1860 = arith.select %or3A_1859, %get3A_1852, %select_n3A_1849 : vector<16xi1>, vector<16xf32>
      %select_n3A_1861 = arith.select %or3A_1859, %get3A_1854, %select_n3A_1850 : vector<16xi1>, vector<16xi32>
      %get3A_1862 = arith.constant 1392 : index
      %get3A_1863 = tpu.vector_load %arg11[%get3A_1862] {strides = array<i32>} : memref<2048xf32, #tpu.memory_space<vmem>>, vector<16xf32>,
      %get3A_1864 = arith.constant 1392 : index
      %get3A_1865 = tpu.vector_load %arg12[%get3A_1864] {strides = array<i32>} : memref<2048xi32, #tpu.memory_space<vmem>>, vector<16xi32>,
      %gt3A_1866 = arith.cmpf ogt, %get3A_1863, %select_n3A_1860 : vector<16xf32>
      %eq3A_1867 = arith.cmpf oeq, %get3A_1863, %select_n3A_1860 : vector<16xf32>
      %lt3A_1868 = arith.cmpi slt, %get3A_1865, %select_n3A_1861 : vector<16xi32>
      %and3A_1869 = arith.andi %eq3A_1867, %lt3A_1868 : vector<16xi1>
      %or3A_1870 = arith.ori %gt3A_1866, %and3A_1869 : vector<16xi1>
      %select_n3A_1871 = arith.select %or3A_1870, %get3A_1863, %select_n3A_1860 : vector<16xi1>, vector<16xf32>
      %select_n3A_1872 = arith.select %or3A_1870, %get3A_1865, %select_n3A_1861 : vector<16xi1>, vector<16xi32>
      %get3A_1873 = arith.constant 1520 : index
      %get3A_1874 = tpu.vector_load %arg11[%get3A_1873] {strides = array<i32>} : memref<2048xf32, #tpu.memory_space<vmem>>, vector<16xf32>,
      %get3A_1875 = arith.constant 1520 : index
      %get3A_1876 = tpu.vector_load %arg12[%get3A_1875] {strides = array<i32>} : memref<2048xi32, #tpu.memory_space<vmem>>, vector<16xi32>,
      %gt3A_1877 = arith.cmpf ogt, %get3A_1874, %select_n3A_1871 : vector<16xf32>
      %eq3A_1878 = arith.cmpf oeq, %get3A_1874, %select_n3A_1871 : vector<16xf32>
      %lt3A_1879 = arith.cmpi slt, %get3A_1876, %select_n3A_1872 : vector<16xi32>
      %and3A_1880 = arith.andi %eq3A_1878, %lt3A_1879 : vector<16xi1>
      %or3A_1881 = arith.ori %gt3A_1877, %and3A_1880 : vector<16xi1>
      %select_n3A_1882 = arith.select %or3A_1881, %get3A_1874, %select_n3A_1871 : vector<16xi1>, vector<16xf32>
      %select_n3A_1883 = arith.select %or3A_1881, %get3A_1876, %select_n3A_1872 : vector<16xi1>, vector<16xi32>
      %get3A_1884 = arith.constant 1648 : index
      %get3A_1885 = tpu.vector_load %arg11[%get3A_1884] {strides = array<i32>} : memref<2048xf32, #tpu.memory_space<vmem>>, vector<16xf32>,
      %get3A_1886 = arith.constant 1648 : index
      %get3A_1887 = tpu.vector_load %arg12[%get3A_1886] {strides = array<i32>} : memref<2048xi32, #tpu.memory_space<vmem>>, vector<16xi32>,
      %gt3A_1888 = arith.cmpf ogt, %get3A_1885, %select_n3A_1882 : vector<16xf32>
      %eq3A_1889 = arith.cmpf oeq, %get3A_1885, %select_n3A_1882 : vector<16xf32>
      %lt3A_1890 = arith.cmpi slt, %get3A_1887, %select_n3A_1883 : vector<16xi32>
      %and3A_1891 = arith.andi %eq3A_1889, %lt3A_1890 : vector<16xi1>
      %or3A_1892 = arith.ori %gt3A_1888, %and3A_1891 : vector<16xi1>
      %select_n3A_1893 = arith.select %or3A_1892, %get3A_1885, %select_n3A_1882 : vector<16xi1>, vector<16xf32>
      %select_n3A_1894 = arith.select %or3A_1892, %get3A_1887, %select_n3A_1883 : vector<16xi1>, vector<16xi32>
      %get3A_1895 = arith.constant 1776 : index
      %get3A_1896 = tpu.vector_load %arg11[%get3A_1895] {strides = array<i32>} : memref<2048xf32, #tpu.memory_space<vmem>>, vector<16xf32>,
      %get3A_1897 = arith.constant 1776 : index
      %get3A_1898 = tpu.vector_load %arg12[%get3A_1897] {strides = array<i32>} : memref<2048xi32, #tpu.memory_space<vmem>>, vector<16xi32>,
      %gt3A_1899 = arith.cmpf ogt, %get3A_1896, %select_n3A_1893 : vector<16xf32>
      %eq3A_1900 = arith.cmpf oeq, %get3A_1896, %select_n3A_1893 : vector<16xf32>
      %lt3A_1901 = arith.cmpi slt, %get3A_1898, %select_n3A_1894 : vector<16xi32>
      %and3A_1902 = arith.andi %eq3A_1900, %lt3A_1901 : vector<16xi1>
      %or3A_1903 = arith.ori %gt3A_1899, %and3A_1902 : vector<16xi1>
      %select_n3A_1904 = arith.select %or3A_1903, %get3A_1896, %select_n3A_1893 : vector<16xi1>, vector<16xf32>
      %select_n3A_1905 = arith.select %or3A_1903, %get3A_1898, %select_n3A_1894 : vector<16xi1>, vector<16xi32>
      %get3A_1906 = arith.constant 1904 : index
      %get3A_1907 = tpu.vector_load %arg11[%get3A_1906] {strides = array<i32>} : memref<2048xf32, #tpu.memory_space<vmem>>, vector<16xf32>,
      %get3A_1908 = arith.constant 1904 : index
      %get3A_1909 = tpu.vector_load %arg12[%get3A_1908] {strides = array<i32>} : memref<2048xi32, #tpu.memory_space<vmem>>, vector<16xi32>,
      %gt3A_1910 = arith.cmpf ogt, %get3A_1907, %select_n3A_1904 : vector<16xf32>
      %eq3A_1911 = arith.cmpf oeq, %get3A_1907, %select_n3A_1904 : vector<16xf32>
      %lt3A_1912 = arith.cmpi slt, %get3A_1909, %select_n3A_1905 : vector<16xi32>
      %and3A_1913 = arith.andi %eq3A_1911, %lt3A_1912 : vector<16xi1>
      %or3A_1914 = arith.ori %gt3A_1910, %and3A_1913 : vector<16xi1>
      %select_n3A_1915 = arith.select %or3A_1914, %get3A_1907, %select_n3A_1904 : vector<16xi1>, vector<16xf32>
      %select_n3A_1916 = arith.select %or3A_1914, %get3A_1909, %select_n3A_1905 : vector<16xi1>, vector<16xi32>
      %get3A_1917 = arith.constant 2032 : index
      %get3A_1918 = tpu.vector_load %arg11[%get3A_1917] {strides = array<i32>} : memref<2048xf32, #tpu.memory_space<vmem>>, vector<16xf32>,
      %get3A_1919 = arith.constant 2032 : index
      %get3A_1920 = tpu.vector_load %arg12[%get3A_1919] {strides = array<i32>} : memref<2048xi32, #tpu.memory_space<vmem>>, vector<16xi32>,
      %gt3A_1921 = arith.cmpf ogt, %get3A_1918, %select_n3A_1915 : vector<16xf32>
      %eq3A_1922 = arith.cmpf oeq, %get3A_1918, %select_n3A_1915 : vector<16xf32>
      %lt3A_1923 = arith.cmpi slt, %get3A_1920, %select_n3A_1916 : vector<16xi32>
      %and3A_1924 = arith.andi %eq3A_1922, %lt3A_1923 : vector<16xi1>
      %or3A_1925 = arith.ori %gt3A_1921, %and3A_1924 : vector<16xi1>
      %select_n3A_1926 = arith.select %or3A_1925, %get3A_1918, %select_n3A_1915 : vector<16xi1>, vector<16xf32>
      %select_n3A_1927 = arith.select %or3A_1925, %get3A_1920, %select_n3A_1916 : vector<16xi1>, vector<16xi32>
      %lt3A_1928 = arith.constant 50000 : i32
      %lt3A_1929 = vector.broadcast %lt3A_1928 : i32 to vector<16xi32>
      %lt3A_1930 = arith.cmpi slt, %select_n3A_1927, %lt3A_1929 : vector<16xi32>
      %jit3A_1931 = arith.constant 51199 : i32
      %broadcast_in_dim3A_1932 = vector.broadcast %jit3A_1931 : i32 to vector<16xi32>
      %select_n3A_1933 = arith.select %lt3A_1930, %select_n3A_1927, %broadcast_in_dim3A_1932 : vector<16xi1>, vector<16xi32>
      %swap3A_1934 = arith.constant 112 : index
      %swap3A_1935 = tpu.vector_load %arg13[%swap3A_1934] {strides = array<i32>} : memref<128xi32, #tpu.memory_space<vmem>>, vector<16xi32>,
      tpu.vector_store %arg13[%swap3A_1934], %select_n3A_1933 {strides = array<i32>} : memref<128xi32, #tpu.memory_space<vmem>>, vector<16xi32>,
      %broadcast_in_dim3A_1936 = arith.constant 1.000000e+00 : f32
      %broadcast_in_dim3A_1937 = vector.broadcast %broadcast_in_dim3A_1936 : f32 to vector<16xf32>
      %swap3A_1938 = arith.constant 112 : index
      %swap3A_1939 = tpu.vector_load %arg14[%swap3A_1938] {strides = array<i32>} : memref<128xf32, #tpu.memory_space<vmem>>, vector<16xf32>,
      tpu.vector_store %arg14[%swap3A_1938], %broadcast_in_dim3A_1937 {strides = array<i32>} : memref<128xf32, #tpu.memory_space<vmem>>, vector<16xf32>,
      %dma_start3A_1940 = arith.constant 0 : i32
      %dma_start3A_1941 = tpu.memref_slice %arg5[%dma_start3A_1940] : memref<51200xf32, #tpu.memory_space<hbm>> -> memref<51200xf32, #tpu.memory_space<hbm>>
      tpu.enqueue_indirect_dma source(%arg14 : memref<128xf32, #tpu.memory_space<vmem>>) target(%dma_start3A_1941 : memref<51200xf32, #tpu.memory_space<hbm>>) offsets(%arg13 : memref<128xi32, #tpu.memory_space<vmem>>) semaphore(%arg19 : memref<!tpu.dma_semaphore, #tpu.memory_space<semaphore_mem>>)
      %dma_wait3A_1942 = arith.constant 0 : i32
      %dma_wait3A_1943 = tpu.memref_slice %arg5[%dma_wait3A_1942] : memref<51200xf32, #tpu.memory_space<hbm>> -> memref<51200xf32, #tpu.memory_space<hbm>>
      tpu.wait_indirect_dma semaphore(%arg19 : memref<!tpu.dma_semaphore, #tpu.memory_space<semaphore_mem>>) src(%arg14 : memref<128xf32, #tpu.memory_space<vmem>>) dst(%dma_wait3A_1943 : memref<51200xf32, #tpu.memory_space<hbm>>)
    } else {
    }
    return
  }
}

</mosaic_0001>

<sc_bundles>
// kernel: kernel.3.cloned.1.call-start
scs
__scs_entry_jumppad:
0x0: {  	(pc) =	sbr.rel $0x88, $3  }
0x1: {  	(tag) =	ssettag $0x0;
	lr =	simm.s32 $0x1  }
0x2: {  	[smem:$0x3F9E] =	sst lr;
	_ =	strace $0xD0000000  }
0x3: {  	_ = 	snop  }
0x4: {  	_ = 	snop  }
0x5: {  	_ = 	snop  }
0x6: {  	_ = 	snop  }
0x7: {  	_ = 	snop  }
__scs_overlays_trampoline_lowered:
0x8: {  	[smem:$0x3FAD] =	sst s0  }
0x9: {  	[smem:$0x3FAE] =	sst s1  }
0xa: {  	[smem:$0x3FAF] =	sst s2  }
0xb: {  	[smem:$0x3FB0] =	sst s3  }
0xc: {  	[smem:$0x3FB1] =	sst s4  }
0xd: {  	[smem:$0x3FB2] =	sst s5  }
0xe: {  	[smem:$0x3FB3] =	sst s6  }
0xf: {  	[smem:$0x3FB4] =	sst s7  }
0x10: {  	[smem:$0x3FB5] =	sst s8  }
0x11: {  	[smem:$0x3FB6] =	sst s9;
	s0 =	simm.s32 @!p0 $0x0  }
0x12: {  	s1 =	sld [smem:$0x3F9C];
	s0 =	simm.s32 @p0 $0x1  }
0x13: {  	[smem:$0x3FB7] =	sst s0;
	s0 =	simm.s32 @!p1 $0x0  }
0x14: {  	s2 =	sld [smem:$0x3F9B];
	s0 =	simm.s32 @p1 $0x1  }
0x15: {  	[smem:$0x3FB8] =	sst s0;
	s0 =	simm.s32 @!p2 $0x0  }
0x16: {  	s3 =	sld [smem:$0x3FDB];
	s0 =	simm.s32 @p2 $0x1  }
0x17: {  	s4 =	simm.s32 $0x1BF5;
	[smem:$0x3FBA] =	sst s0  }
0x18: {  	s0 =	sld [smem:$0x3F9D];
	_ =	swait.ge [sflag:s4], $0x0  }
0x19: {  	s7 =	sld [smem:$0x3F9E]  }
0x1a: {  	s8 =	sadd.s32 $0xFFFFE003, lr  }
0x1b: {  	s9 =	sadd.s32 $0xFFFFFEF7, lr;
	s5 =	simm.s32 $0xFFFFFFFF;
	p2 =	slt.u32 s8, $0xFFFFF086  }
0x1c: {  	p1 =	slt.u32 s9, $0xF7A;
	s5 =	simm.s32 @!p2 $0x0  }
0x1d: {  	s5 =	simm.s32 @p1 $0x1;
	p0 =	seq.s32 s7, s2  }
0x1e: {  	s7 =	smul.u32 @!p0 $0xF7A, s2;
	p2 =	seq.s32 @!p0 s5, $0x0  }
0x1f: {  	s9 =	smul.u32 $0xF7A, s1;
	s8 =	simm.s32 @!p0 $0x1BF5;
	p2 =	por !p2, p0  }
0x20: {  	[sflag:s8] =	ssyncset.s32 @!p0 $0xFFFFF086;
	s6 =	sadd.s32 @!p0 s3, s7;
	s7 =	simm.s32 @!p0 $0x108  }
0x21: {  	s3 =	sadd.s32 s3, s9;
	s6 =	sadd.s32 @!p0 $0x88, s6;
	s7 =	simm.s32 @p2 $0x1082  }
0x22: {  	[simem:s7], [sflag:s8] =	dma.local @!p0 [hbm:s6], $0xF7A  }
0x23: {  	s9 =	sor.u32 $0xD0000000, s2;
	s6 =	simm.s32 $0x108;
	_ =	swait.ge @!p0 [sflag:s8], $0x0  }
0x24: {  	s3 =	sadd.s32 $0x88, s3;
	s6 =	simm.s32 @!p1 $0x1082;
	[sflag:s4] =	ssyncset.s32 $0xFFFFF086  }
0x25: {  	[simem:s6], [sflag:s4] =	dma.local [hbm:s3], $0xF7A  }
0x26: {  	[smem:$0x3F9E] =	sst s1;
	(tag) =	ssettag s2;
	_ =	strace s9  }
0x27: {  	s1 =	sld [smem:$0x3FAE]  }
0x28: {  	s2 =	sld [smem:$0x3FAF]  }
0x29: {  	s4 =	sld [smem:$0x3FB1]  }
0x2a: {  	p0 =	seq.s32 s5, $0x0;
	s5 =	sld [smem:$0x3FB2]  }
0x2b: {  	s6 =	sld [smem:$0x3FB3]  }
0x2c: {  	s7 =	sld [smem:$0x3FB4]  }
0x2d: {  	s3 =	simm.s32 $0x108;
	s8 =	sld [smem:$0x3FB5]  }
0x2e: {  	s3 =	simm.s32 @!p0 $0x1082;
	s9 =	sld [smem:$0x3FB6]  }
0x2f: {  	lr =	sadd.s32 s0, s3;
	s0 =	sld [smem:$0x3FAD]  }
0x30: {  	s3 =	sld [smem:$0x3FB0]  }
0x31: {  	[smem:$0x3FB9] =	sst s10  }
0x32: {  	s10 =	sld [smem:$0x3FB7];
	_ =	sdelay $0x3  }
0x33: {  	p0 =	seq.s32 s10, $0x1;
	s10 =	sld [smem:$0x3FB9];
	_ =	sdelay $0x3  }
0x34: {  	[smem:$0x3FB9] =	sst s10  }
0x35: {  	s10 =	sld [smem:$0x3FB8];
	_ =	sdelay $0x3  }
0x36: {  	p1 =	seq.s32 s10, $0x1;
	s10 =	sld [smem:$0x3FB9];
	_ =	sdelay $0x3  }
0x37: {  	[smem:$0x3FB9] =	sst s10  }
0x38: {  	s10 =	sld [smem:$0x3FBA]  }
0x39: {  	_ = 	snop;
	(pc) =	sbr.ind lr, $3  }
0x3a: {  	_ = 	snop  }
0x3b: {  	_ = 	snop  }
0x3c: {  	p2 =	seq.s32 s10, $0x1;
	s10 =	sld [smem:$0x3FB9]  }
0x3d: {  	_ =	shalt  }
0x3e: {  	_ =	shalt  }
0x3f: {  	_ =	shalt  }
0x40: {  	_ =	shalt  }
0x41: {  	_ =	shalt  }
0x42: {  	_ =	shalt  }
0x43: {  	_ =	shalt  }
0x44: {  	_ =	shalt  }
0x45: {  	_ =	shalt  }
0x46: {  	_ =	shalt  }
0x47: {  	_ =	shalt  }
0x48: {  	_ =	shalt  }
0x49: {  	_ =	shalt  }
0x4a: {  	_ =	shalt  }
0x4b: {  	_ =	shalt  }
0x4c: {  	_ =	shalt  }
0x4d: {  	_ =	shalt  }
0x4e: {  	_ =	shalt  }
0x4f: {  	_ =	shalt  }
0x50: {  	_ =	shalt  }
0x51: {  	_ =	shalt  }
0x52: {  	_ =	shalt  }
0x53: {  	_ =	shalt  }
0x54: {  	_ =	shalt  }
0x55: {  	_ =	shalt  }
0x56: {  	_ =	shalt  }
0x57: {  	_ =	shalt  }
0x58: {  	_ =	shalt  }
0x59: {  	_ =	shalt  }
0x5a: {  	_ =	shalt  }
0x5b: {  	_ =	shalt  }
0x5c: {  	_ =	shalt  }
0x5d: {  	_ =	shalt  }
0x5e: {  	_ =	shalt  }
0x5f: {  	_ =	shalt  }
0x60: {  	_ =	shalt  }
0x61: {  	_ =	shalt  }
0x62: {  	_ =	shalt  }
0x63: {  	_ =	shalt  }
0x64: {  	_ =	shalt  }
0x65: {  	_ =	shalt  }
0x66: {  	_ =	shalt  }
0x67: {  	_ =	shalt  }
0x68: {  	_ =	shalt  }
0x69: {  	_ =	shalt  }
0x6a: {  	_ =	shalt  }
0x6b: {  	_ =	shalt  }
0x6c: {  	_ =	shalt  }
0x6d: {  	_ =	shalt  }
0x6e: {  	_ =	shalt  }
0x6f: {  	_ =	shalt  }
0x70: {  	_ =	shalt  }
0x71: {  	_ =	shalt  }
0x72: {  	_ =	shalt  }
0x73: {  	_ =	shalt  }
0x74: {  	_ =	shalt  }
0x75: {  	_ =	shalt  }
0x76: {  	_ =	shalt  }
0x77: {  	_ =	shalt  }
0x78: {  	_ =	shalt  }
0x79: {  	_ =	shalt  }
0x7a: {  	_ =	shalt  }
0x7b: {  	_ =	shalt  }
0x7c: {  	_ =	shalt  }
0x7d: {  	_ =	shalt  }
0x7e: {  	_ =	shalt  }
0x7f: {  	_ =	shalt  }
0x80: {  	_ =	shalt  }
0x81: {  	_ =	shalt  }
0x82: {  	_ =	shalt  }
0x83: {  	_ =	shalt  }
0x84: {  	_ =	shalt  }
0x85: {  	_ =	shalt  }
0x86: {  	_ =	shalt  }
0x87: {  	_ =	shalt  }
.Lfunc_end0:
.L_simem_size_0:
called_computation_lowered:
.L_overlay_start_0:
0x88: {  	s0 =	sld [smem:$0x3FD9]  }
0x89: {  	s1 =	sld [smem:$0x3FFE];
	_ =	sdelay $0x3  }
0x8a: {  	s0 =	sadd.s32 s1, s0  }
0x8b: {  	[smem:$0x3FC5] =	sst s0  }
0x8c: {  	_ = 	snop  }
0x8d: {  	s0 =	sld [smem:$0x3FC9]  }
0x8e: {  	s16 =	sld [smem:$0x3FC7];
	(tm) =	ssettm $0x1  }
0x8f: {  	s2 =	sld [smem:$0x3FFB];
	_ =	sdelay $0x3  }
0x90: {  	_ =	strace s2  }
0x91: {  	s2 =	sld [smem:$0x3FFC];
	_ =	sdelay $0x3  }
0x92: {  	_ =	strace s2  }
0x93: {  	s2 =	sld [smem:$0x3FFD];
	_ =	sdelay $0x3  }
0x94: {  	_ =	strace s2  }
0x95: {  	_ =	strace $0x8FFFFFFF  }
0x96: {  	s17 =	sld [smem:$0x3FDB];
	_ =	sdelay $0x1  }
0x97: {  	s3 =	simm.s32 $_scs_section_size  }
0x98: {  	s4 =	simm.s32 $_size__tile_overlayer_lowered;
	s5 =	simm.s32 $_tile_overlayer_lowered  }
0x99: {  	s20 =	simm.s32 $0x1BFF;
	s19 =	sshll.u32 s5, $0x1;
	s2 =	sadd.s32 s3, s17  }
0x9a: {  	s6 =	simm.s32 $0x0;
	s18 =	sshll.u32 s4, $0x1;
	s4 =	sadd.s32 s19, s2  }
0x9b: {  	[timem:s6], [sflag:s20] =	dma.local [hbm:s4], s18  }
0x9c: {  	_ =	swait.ge [sflag:s20], s18  }
0x9d: {  	s3 =	ssub.s32 $0x0, s18;
	[sflag:s20] =	ssyncset.done $0x0  }
0x9e: {  	[sflag:s20] =	ssyncadd.s32 s3;
	_ =	sdelay $0x1  }
0x9f: {  	s21 =	simm.s32 $0x1B8B  }
0xa0: {  	_ =	swait.ge [sflag:s21], $0x1  }
0xa1: {  	[sflag:s21] =	ssyncset.done $0x0  }
0xa2: {  	s23 =	simm.s32 $0x1B8E;
	s22 =	sld [smem:$0x3FFE];
	[sflag:s21] =	ssyncadd.s32 $0xFFFFFFFF  }
0xa3: {  	s24 =	simm.s32 $execute0_lowered;
	[smem:$0x3FD2] =	sst s23  }
0xa4: {  	s4 =	sshll.u32 s24, $0x1;
	_ =	strace $0x80000046;
	[dreg:$0x1] =	wrdreg $0xFFFFFFFF  }
0xa5: {  	s25 =	simm.s32 $_size_execute0_lowered;
	s2 =	sadd.s32 s2, s4;
	[dreg:$0x0] =	wrdreg $0x0  }
0xa6: {  	s4 =	sshll.u32 s25, $0x1;
	[dreg:$0x2] =	wrdreg s2  }
0xa7: {  	[dreg:$0x3] =	wrdreg s4  }
0xa8: {  	[dreg:$0x4] =	wrdreg $0xC0  }
0xa9: {  	_ =	task [dreg:s6], $0x5FFFF  }
0xaa: {  	[dreg:$0x1] =	wrdreg $0xFFFFFFFF  }
0xab: {  	[dreg:$0x0] =	wrdreg $0x60  }
0xac: {  	[dreg:$0x2] =	wrdreg s0  }
0xad: {  	[dreg:$0x3] =	wrdreg s16  }
0xae: {  	[dreg:$0x4] =	wrdreg s22  }
0xaf: {  	[dreg:$0x5] =	wrdreg $0x4B000  }
0xb0: {  	[dreg:$0x6] =	wrdreg $0x63800  }
0xb1: {  	[dreg:$0x7] =	wrdreg $0x67800  }
0xb2: {  	[dreg:$0x8] =	wrdreg $0x9  }
0xb3: {  	_ =	task.clear_ibuf [dreg:s6], $0x9FFFF;
	_ =	strace $0x90000046  }
0xb4: {  	s26 =	simm.s32 $0x9;
	_ =	strace $0x80000048  }
0xb5: {  	_ =	swait.ge [sflag:s26], $0x1  }
0xb6: {  	[sflag:s26] =	ssyncadd.s32 $0xFFFFFFFF  }
0xb7: {  	_ =	strace $0x90000048  }
0xb8: {  	_ =	sfence  }
0xb9: {  	s28 =	sld [smem:$0x0];
	_ =	sdelay $0x1  }
0xba: {  	s29 =	srdreg.scid  }
0xbb: {  	s30 =	sshll.u32 s29, $0xD;
	s31 =	sshrl.u32 s29, $0x2  }
0xbc: {  	s1 =	sand.u32 $0x1, s29;
	s2 =	sand.u32 $0x4000, s30;
	s0 =	sadd.s32 s31, s28  }
0xbd: {  	s1 =	sor.u32 s2, s1;
	s0 =	sshll.u32 s0, $0x11  }
0xbe: {  	s0 =	sor.u32 s0, s1  }
0xbf: {  	s0 =	sadd.s32 $0x8F2B, s0  }
0xc0: {  	[sflag:s0] =	ssyncadd.remote.s32 $0x1  }
0xc1: {  	_ =	sfence.sel $0xFFFF  }
0xc2: {  	[dreg:$0x0] =	wrdreg $0xFFFFFFFF;
	(pc) =	sbr.abs _section_cstart, $3  }
0xc3: {  	[dreg:$0x1] =	wrdreg $0xFFFFFFFF  }
0xc4: {  	_ =	task.clear_ibuf [dreg:s6], $0x2FFFF;
	_ =	strace $0x9FFFFFFF  }
0xc5: {  	(tm) =	ssettm $0x7FFFFFFF  }
tec
execute0_lowered:
.L_overlay_start_1:
0x0: {  	(tag) =	ssettag $0x1  }
0x1: {  	s2 =	rddreg [dreg:$0x0]  }
0x2: {  	s8 =	rddreg [dreg:$0x1]  }
0x3: {  	s9 =	rddreg [dreg:$0x2]  }
0x4: {  	s7 =	rddreg [dreg:$0x3]  }
0x5: {  	s5 =	rddreg [dreg:$0x4]  }
0x6: {  	s4 =	rddreg [dreg:$0x5]  }
0x7: {  	s0 =	stileid.u32;
	s1 =	rddreg [dreg:$0x6]  }
0x8: {  	s10 =	simm.s32 $0x0;
	s28 =	simm.s32 $0xC80;
	s6 =	smul.u32 $0xC80, s0  }
0x9: {  	s31 =	simm.s32 $0x3;
	s11 =	smul.u32 $0x1880, s0;
	[smem:$0x7FF] =	sst s10  }
0xa: {  	s26 =	sshll.u32 s0, $0x6;
	_ =	strace $0x80000047;
	s3 =	smin.u32 s6, $0xB6D0  }
0xb: {  	s30 =	sor.u32 $0x1C03, s26;
	s12 =	sshrl.u32 s11, $0x3;
	s13 =	sshrl.u32 s3, $0x3  }
0xc: {  	s25 =	sadd.s32 s11, s7;
	s12 =	sadd.s32 s12, s9;
	s8 =	sadd.s32 s8, s13  }
0xd: {  	[tilespmem:s10], [sflag:$0x1] =	stream.linear.gather [hbm4b:s8+s10], $0xC80, $0x38;
	[tilespmem:$0x6B80] =	vst v63  }
0xe: {  	s2 =	sadd.s32 s2, s13;
	s29 =	sadd.s32 $0x600, s12;
	s8 =	sshrl.u32 s25, $0x3  }
0xf: {  	[tilespmem:s28], [sflag:$0x1] =	stream.linear.gather [hbm4b:s2+s10], $0xC80, $0x38;
	[tilespmem:$0x6B80] =	vst v63  }
0x10: {  	[spmem:s8], [sflag:s30] =	dma.local [hbm:s29], $0x310  }
0x11: {  	_ =	swait.ge [sflag:s31], $0x310  }
0x12: {  	s2 =	sadd.s32 $0x3800, s9;
	[sflag:s31] =	ssyncset.done $0x0  }
0x13: {  	v0 =	vimm.f32 $0.0e+00;
	s9 =	simm.s32 $0x0;
	s8 =	simm.s32 $0x40;
	[sflag:s31] =	ssyncadd.s32 $0xFFFFFCF0  }
.LBB2_1:
0x14: {  	p0 =	sne.s32 s8, $0x31C0;
	[tilespmem:s9+$0x3E80] =	vst v0;
	s9 =	smov.u32 s8;
	s8 =	sadd.s32 $0x40, s8  }
.Ltmp0:
0x15: {  	(pc) =	sbr.rel @p0 .LBB2_1-.Ltmp0, $2  }
0x16: {  	_ =	sdelay $0x2  }
0x17: {  	s9 =	sshra.s32 s9, $0x2  }
0x18: {  	s6 =	sshrl.u32 s6, $0x3  }
0x19: {  	[tilespmem:s9+$0x3E80] =	vst v0;
	s8 =	simm.s32 $0x0;
	s31 =	simm.s32 $0x3E80;
	s6 =	sadd.s32 s2, s6  }
0x1a: {  	[hbm4b:s6+s8] =	stream.linear.scatter [tilespmem:s31], [sflag:$0x1], $0xC80, $0x38;
	[tilespmem:$0x6B80] =	vst v63  }
0x1b: {  	v0 =	vimm.f32 $-Inf;
	v1 =	vimm.s32 $0x7FFFFFFF;
	s6 =	simm.s32 $0x40;
	s8 =	simm.s32 $0x0  }
.LBB2_3:
0x1c: {  	p0 =	sne.s32 s6, $0xFC0;
	[tilespmem:s8+$0x2580] =	vst v0;
	s9 =	smov.u32 s6;
	s6 =	sadd.s32 $0x40, s6  }
.Ltmp1:
0x1d: {  	[tilespmem:s8+$0x2980] =	vst v1;
	(pc) =	sbr.rel @p0 .LBB2_3-.Ltmp1, $2  }
0x1e: {  	_ =	sdelay $0x2  }
0x1f: {  	s8 =	sshra.s32 s9, $0x2  }
0x20: {  	[tilespmem:s8+$0x2580] =	vst v0  }
0x21: {  	[tilespmem:s8+$0x2980] =	vst v1;
	s6 =	simm.s32 $0x1  }
0x22: {  	_ =	swait.ge [sflag:s6], $0xC80  }
0x23: {  	[sflag:s6] =	ssyncset.done $0x0  }
0x24: {  	[sflag:s6] =	ssyncadd.s32 $0xFFFFF380  }
0x25: {  	_ =	swait.ge [sflag:s6], $0xC80  }
0x26: {  	s30 =	simm.s32 $0xC80;
	[sflag:s6] =	ssyncset.done $0x0  }
0x27: {  	s9 =	simm.s32 $0x1900;
	s31 =	simm.s32 $0x2;
	[sflag:s6] =	ssyncadd.s32 $0xFFFFF380  }
.Ltmp2:
0x28: {  	s6 =	simm.s32 $0x0;
	[bflag:$0x0] =	sbarrier.arrive $0xFFFF;
	(pc) =	sbr.rel .LBB2_5-.Ltmp2, $4  }
0x29: {  	[tilespmem:s9], [sflag:$0x2] =	stream.indirect.gather [spmem:s7], $0x1, s6, s30, $0xb8;
	[tilespmem:$0x6B80] =	vst v63  }
0x2a: {  	_ =	swait.ge [sflag:s31], $0xC80  }
0x2b: {  	[sflag:s31] =	ssyncset.done $0x0  }
0x2c: {  	v0 =	vlaneseq.u32;
	s8 =	simm.s32 $0x2980;
	v1 =	vimm.f32 $0.0e+00;
	s7 =	simm.s32 $0x2580;
	[sflag:s31] =	ssyncadd.s32 $0xFFFFF380  }
.LBB2_8:
0x2d: {  	s6 =	sadd.s32 $0x1, s6  }
0x2e: {  	p0 =	sne.s32 s6, $0x19  }
.Ltmp3:
0x2f: {  	_ = 	snop;
	(pc) =	sbr.rel @!p0 .LBB2_9-.Ltmp3, $1  }
0x30: {  	_ =	sdelay $0x3  }
.LBB2_5:
0x31: {  	s9 =	sshll.u32 s6, $0x7  }
0x32: {  	v2 =	vld [tilespmem:s9+$0x1900]  }
0x33: {  	v3 =	vld [tilespmem:s9+$0x1910]  }
0x34: {  	v4 =	vld [tilespmem:s9+$0x1920]  }
0x35: {  	v5 =	vld [tilespmem:s9+$0x1930]  }
0x36: {  	v6 =	vld [tilespmem:s9+$0x1940]  }
0x37: {  	v7 =	vld [tilespmem:s9+$0x1950]  }
0x38: {  	v8 =	vld [tilespmem:s9+$0x1960]  }
0x39: {  	v9 =	vld [tilespmem:s9+$0x1970]  }
0x3a: {  	v10 =	vld [tilespmem:s9+$0xC80]  }
0x3b: {  	v11 =	vld [tilespmem:s9+$0xC90]  }
0x3c: {  	v12 =	vld [tilespmem:s9+$0xCA0]  }
0x3d: {  	v13 =	vld [tilespmem:s9+$0xCB0]  }
0x3e: {  	v14 =	vld [tilespmem:s9+$0xCC0]  }
0x3f: {  	v15 =	vld [tilespmem:s9+$0xCD0]  }
0x40: {  	v16 =	vld [tilespmem:s9+$0xCE0]  }
0x41: {  	v17 =	vld [tilespmem:s9+$0xCF0]  }
0x42: {  	v41 =	vld.idx.msk [tilespmem:v2+s7+$0x0], $0xffff  }
0x43: {  	v40 =	vld.idx.msk [tilespmem:v3+s7+$0x0], $0xffff  }
0x44: {  	v39 =	vld.idx.msk [tilespmem:v4+s7+$0x0], $0xffff  }
0x45: {  	v38 =	vld.idx.msk [tilespmem:v5+s7+$0x0], $0xffff  }
0x46: {  	v37 =	vld.idx.msk [tilespmem:v6+s7+$0x0], $0xffff  }
0x47: {  	v35 =	vld.idx.msk [tilespmem:v7+s7+$0x0], $0xffff  }
0x48: {  	v32 =	vld.idx.msk [tilespmem:v8+s7+$0x0], $0xffff  }
0x49: {  	v26 =	vld.idx.msk [tilespmem:v9+s7+$0x0], $0xffff  }
0x4a: {  	v36 =	vld.idx.msk [tilespmem:v2+s8+$0x0], $0xffff  }
0x4b: {  	v33 =	vld.idx.msk [tilespmem:v3+s8+$0x0], $0xffff  }
0x4c: {  	v29 =	vld.idx.msk [tilespmem:v4+s8+$0x0], $0xffff  }
0x4d: {  	s9 =	sadd.s32 s3, s9;
	v31 =	vld.idx.msk [tilespmem:v5+s8+$0x0], $0xffff  }
0x4e: {  	s10 =	sadd.s32 $0x10, s9;
	v27 =	vld.idx.msk [tilespmem:v6+s8+$0x0], $0xffff  }
0x4f: {  	s11 =	sadd.s32 $0x20, s9;
	s28 =	sadd.s32 $0x30, s9;
	s29 =	sadd.s32 $0x40, s9;
	v20 =	vor.u32 s9, v0;
	v18 =	vor.u32 s10, v0;
	v28 =	vld.idx.msk [tilespmem:v7+s8+$0x0], $0xffff  }
0x50: {  	s30 =	sadd.s32 $0x50, s9;
	s31 =	sadd.s32 $0x60, s9;
	s9 =	sadd.s32 $0x70, s9;
	v19 =	vor.u32 s11, v0;
	v21 =	vor.u32 s28, v0;
	v22 =	vor.u32 s29, v0;
	v34 =	vld.idx.msk [tilespmem:v8+s8+$0x0], $0xffff  }
0x51: {  	v23 =	vor.u32 s30, v0;
	v24 =	vor.u32 s31, v0;
	v25 =	vor.u32 s9, v0;
	v30 =	vld.idx.msk [tilespmem:v9+s8+$0x0], $0xffff  }
.LBB2_6:
0x52: {  	vm0 =	veq.f32 v10, v41;
	vm1 =	vlt.s32 v20, v36  }
0x53: {  	vm2 =	vgt.f32 v10, v41;
	vm3 =	vlt.s32 v18, v33;
	vm4 =	veq.f32 v12, v39  }
0x54: {  	vm5 =	vlt.s32 v19, v29;
	vm6 =	veq.f32 v13, v38;
	vm7 =	vlt.s32 v21, v31  }
0x55: {  	vm0 =	vmand vm0, vm1;
	vm1 =	vgt.f32 v11, v40;
	vm4 =	vmand vm4, vm5  }
0x56: {  	vm5 =	vgt.f32 v13, v38;
	vm0 =	vmor vm2, vm0;
	vm2 =	veq.f32 v11, v40  }
0x57: {  	vm6 =	vmand vm6, vm7;
	vm2 =	vmand vm2, vm3;
	vm3 =	vgt.f32 v12, v39  }
0x58: {  	vm7 =	vlt.s32 v23, v28;
	vm1 =	vmor vm1, vm2;
	vm2 =	vmor vm3, vm4  }
0x59: {  	vm3 =	vmor vm5, vm6;
	vm5 =	veq.f32 v14, v37;
	vm6 =	vlt.s32 v22, v27  }
0x5a: {  	vm8 =	vlt.s32 v24, v34;
	vm4 =	vgt.f32 v14, v37;
	vm5 =	vmand vm5, vm6  }
0x5b: {  	vm6 =	veq.f32 v15, v35;
	vm9 =	vmor vm0, vm1;
	vm4 =	vmor vm4, vm5  }
0x5c: {  	vm5 =	vgt.f32 v15, v35;
	vm6 =	vmand vm6, vm7;
	vm7 =	veq.f32 v16, v32  }
0x5d: {  	vm9 =	vmor vm9, vm2;
	vm7 =	vmand vm7, vm8;
	vm8 =	vgt.f32 v16, v32  }
0x5e: {  	vm5 =	vmor vm5, vm6;
	vm6 =	vmor vm8, vm7;
	vm7 =	vmor vm9, vm3  }
0x5f: {  	vm14 =	vlt.s32 v25, v30;
	vm8 =	veq.f32 v17, v26;
	vm7 =	vmor vm7, vm4  }
0x60: {  	vm15 =	vgt.f32 v17, v26;
	vm8 =	vmand vm8, vm14;
	vm10 =	vmor vm7, vm5  }
0x61: {  	vm7 =	vmor vm15, vm8;
	vm8 =	vmor vm10, vm6  }
0x62: {  	vm8 =	vmor vm8, vm7  }
0x63: {  	v26 =	vsel vm8, $0x3F800000, v1  }
0x64: {  	(xrf0) =	vmax.scan.msk.f32 $0xffff, v26;
	_ =	sdelay $0x5  }
0x65: {  	v26, _, _ =	vpop (xrf0)  }
0x66: {  	(v2sf) =	vpush v26, $0xF;
	_ =	sdelay $0xe  }
0x67: {  	s9 =	spop (v2sf)  }
0x68: {  	p0 =	sgt.f32 s9, $0.0e+00  }
.Ltmp4:
0x69: {  	_ = 	snop;
	(pc) =	sbr.rel @!p0 .LBB2_8-.Ltmp4, $1  }
0x6a: {  	_ =	sdelay $0x3  }
0x6b: {  	_ =	sdelay $0x4  }
0x6c: {  	[tilespmem:v2+s8+$0x0] =	vst.idx.msk vm0, v20  }
0x6d: {  	[tilespmem:v3+s8+$0x0] =	vst.idx.msk vm1, v18  }
0x6e: {  	[tilespmem:v4+s8+$0x0] =	vst.idx.msk vm2, v19  }
0x6f: {  	[tilespmem:v5+s8+$0x0] =	vst.idx.msk vm3, v21  }
0x70: {  	[tilespmem:v6+s8+$0x0] =	vst.idx.msk vm4, v22  }
0x71: {  	[tilespmem:v7+s8+$0x0] =	vst.idx.msk vm5, v23  }
0x72: {  	[tilespmem:v8+s8+$0x0] =	vst.idx.msk vm6, v24  }
0x73: {  	[tilespmem:v9+s8+$0x0] =	vst.idx.msk vm7, v25  }
0x74: {  	v36 =	vld.idx.msk [tilespmem:v2+s8+$0x0], $0xffff  }
0x75: {  	v33 =	vld.idx.msk [tilespmem:v3+s8+$0x0], $0xffff  }
0x76: {  	v29 =	vld.idx.msk [tilespmem:v4+s8+$0x0], $0xffff  }
0x77: {  	v31 =	vld.idx.msk [tilespmem:v5+s8+$0x0], $0xffff  }
0x78: {  	v27 =	vld.idx.msk [tilespmem:v6+s8+$0x0], $0xffff  }
0x79: {  	v28 =	vld.idx.msk [tilespmem:v7+s8+$0x0], $0xffff;
	vm8 =	veq.s32 v36, v20  }
0x7a: {  	v34 =	vld.idx.msk [tilespmem:v8+s8+$0x0], $0xffff;
	vm9 =	veq.s32 v33, v18  }
0x7b: {  	v30 =	vld.idx.msk [tilespmem:v9+s8+$0x0], $0xffff;
	vm10 =	veq.s32 v29, v19  }
0x7c: {  	vm11 =	veq.s32 v31, v21  }
0x7d: {  	vm12 =	veq.s32 v27, v22  }
0x7e: {  	vm13 =	veq.s32 v28, v23  }
0x7f: {  	vm14 =	veq.s32 v34, v24;
	[tilespmem:v2+s7+$0x0] =	vst.idx.msk vm8, v10  }
0x80: {  	vm15 =	veq.s32 v30, v25;
	[tilespmem:v3+s7+$0x0] =	vst.idx.msk vm9, v11  }
0x81: {  	[tilespmem:v4+s7+$0x0] =	vst.idx.msk vm10, v12  }
0x82: {  	[tilespmem:v5+s7+$0x0] =	vst.idx.msk vm11, v13  }
0x83: {  	[tilespmem:v6+s7+$0x0] =	vst.idx.msk vm12, v14  }
0x84: {  	[tilespmem:v7+s7+$0x0] =	vst.idx.msk vm13, v15  }
0x85: {  	[tilespmem:v8+s7+$0x0] =	vst.idx.msk vm14, v16  }
0x86: {  	[tilespmem:v9+s7+$0x0] =	vst.idx.msk vm15, v17  }
0x87: {  	v41 =	vld.idx.msk [tilespmem:v2+s7+$0x0], $0xffff  }
0x88: {  	v40 =	vld.idx.msk [tilespmem:v3+s7+$0x0], $0xffff  }
0x89: {  	v39 =	vld.idx.msk [tilespmem:v4+s7+$0x0], $0xffff  }
.Ltmp5:
0x8a: {  	v38 =	vld.idx.msk [tilespmem:v5+s7+$0x0], $0xffff;
	(pc) =	sbr.rel .LBB2_6-.Ltmp5, $4  }
0x8b: {  	v37 =	vld.idx.msk [tilespmem:v6+s7+$0x0], $0xffff  }
0x8c: {  	v35 =	vld.idx.msk [tilespmem:v7+s7+$0x0], $0xffff  }
0x8d: {  	v32 =	vld.idx.msk [tilespmem:v8+s7+$0x0], $0xffff  }
0x8e: {  	v26 =	vld.idx.msk [tilespmem:v9+s7+$0x0], $0xffff  }
.LBB2_9:
0x8f: {  	s3 =	sshll.u32 s0, $0xA  }
0x90: {  	s7 =	simm.s32 $0x2580;
	s6 =	sadd.s32 s3, s5  }
0x91: {  	[spmem:s6] =	stream.linear.scatter [tilespmem:s7], [sflag:$0x2], $0x400, $0x38;
	[tilespmem:$0x6B80] =	vst v63  }
0x92: {  	s30 =	simm.s32 $0x2980;
	s3 =	sadd.s32 s3, s4  }
0x93: {  	[spmem:s3] =	stream.linear.scatter [tilespmem:s30], [sflag:$0x2], $0x400, $0x38;
	[tilespmem:$0x6B80] =	vst v63  }
0x94: {  	s3 =	simm.s32 $0x1  }
0x95: {  	_ =	swait.ge [sflag:s3], $0xC80  }
0x96: {  	[sflag:s3] =	ssyncset.done $0x0  }
0x97: {  	s31 =	simm.s32 $0x2;
	[sflag:s3] =	ssyncadd.s32 $0xFFFFF380  }
0x98: {  	_ =	swait.ge [sflag:s31], $0x400  }
0x99: {  	[sflag:s31] =	ssyncset.done $0x0  }
0x9a: {  	p0 =	sgt.u32 s0, $0x7;
	[sflag:s31] =	ssyncadd.s32 $0xFFFFFC00  }
.Ltmp6:
0x9b: {  	_ =	swait.ge [sflag:s31], $0x400;
	(pc) =	sbr.rel @p0 .LBB2_11-.Ltmp6, $3  }
0x9c: {  	[sflag:s31] =	ssyncset.done $0x0  }
0x9d: {  	[sflag:s31] =	ssyncadd.s32 $0xFFFFFC00  }
0x9e: {  	[bflag:$0x0] =	sbarrier.arrive $0xFFFF;
	_ =	sdelay $0x1  }
0x9f: {  	s6 =	sshll.u32 s0, $0x7  }
0xa0: {  	s8 =	simm.s32 $0x2D80;
	s7 =	sadd.s32 s6, s5  }
0xa1: {  	[tilespmem:s8], [sflag:$0x1] =	stream.linear.gather [spmem:s7], $0x80, $0x38;
	[tilespmem:$0x6B80] =	vst v63  }
0xa2: {  	s9 =	simm.s32 $0x3580;
	s31 =	sor.u32 $0x400, s6;
	s10 =	sadd.s32 s6, s4  }
0xa3: {  	[tilespmem:s9], [sflag:$0x1] =	stream.linear.gather [spmem:s10], $0x80, $0x38;
	[tilespmem:$0x6B80] =	vst v63  }
0xa4: {  	s12 =	simm.s32 $0x2E00;
	s11 =	sadd.s32 s31, s5  }
0xa5: {  	[tilespmem:s12], [sflag:$0x1] =	stream.linear.gather [spmem:s11], $0x80, $0x38;
	[tilespmem:$0x6B80] =	vst v63  }
0xa6: {  	s14 =	simm.s32 $0x3600;
	s13 =	sor.u32 $0x800, s6;
	s7 =	sadd.s32 s31, s4  }
0xa7: {  	[tilespmem:s14], [sflag:$0x1] =	stream.linear.gather [spmem:s7], $0x80, $0x38;
	[tilespmem:$0x6B80] =	vst v63  }
0xa8: {  	s16 =	simm.s32 $0x2E80;
	s15 =	sadd.s32 s13, s5  }
0xa9: {  	[tilespmem:s16], [sflag:$0x1] =	stream.linear.gather [spmem:s15], $0x80, $0x38;
	[tilespmem:$0x6B80] =	vst v63  }
0xaa: {  	s18 =	simm.s32 $0x3680;
	s17 =	sor.u32 $0xC00, s6;
	s8 =	sadd.s32 s13, s4  }
0xab: {  	[tilespmem:s18], [sflag:$0x1] =	stream.linear.gather [spmem:s8], $0x80, $0x38;
	[tilespmem:$0x6B80] =	vst v63  }
0xac: {  	s20 =	simm.s32 $0x2F00;
	s19 =	sadd.s32 s17, s5  }
0xad: {  	[tilespmem:s20], [sflag:$0x1] =	stream.linear.gather [spmem:s19], $0x80, $0x38;
	[tilespmem:$0x6B80] =	vst v63  }
0xae: {  	s22 =	simm.s32 $0x3700;
	s21 =	sor.u32 $0x1000, s6;
	s7 =	sadd.s32 s17, s4  }
0xaf: {  	[tilespmem:s22], [sflag:$0x1] =	stream.linear.gather [spmem:s7], $0x80, $0x38;
	[tilespmem:$0x6B80] =	vst v63  }
0xb0: {  	s24 =	simm.s32 $0x2F80;
	s23 =	sadd.s32 s21, s5  }
0xb1: {  	[tilespmem:s24], [sflag:$0x1] =	stream.linear.gather [spmem:s23], $0x80, $0x38;
	[tilespmem:$0x6B80] =	vst v63  }
0xb2: {  	s26 =	simm.s32 $0x3780;
	s25 =	sor.u32 $0x1400, s6;
	s8 =	sadd.s32 s21, s4  }
0xb3: {  	[tilespmem:s26], [sflag:$0x1] =	stream.linear.gather [spmem:s8], $0x80, $0x38;
	[tilespmem:$0x6B80] =	vst v63  }
0xb4: {  	s29 =	simm.s32 $0x3000;
	s28 =	sadd.s32 s25, s5  }
0xb5: {  	[tilespmem:s29], [sflag:$0x1] =	stream.linear.gather [spmem:s28], $0x80, $0x38;
	[tilespmem:$0x6B80] =	vst v63  }
0xb6: {  	s30 =	sor.u32 $0x1800, s6;
	s31 =	simm.s32 $0x3800;
	s7 =	sadd.s32 s25, s4  }
0xb7: {  	[tilespmem:s31], [sflag:$0x1] =	stream.linear.gather [spmem:s7], $0x80, $0x38;
	[tilespmem:$0x6B80] =	vst v63  }
0xb8: {  	s9 =	sadd.s32 s30, s5;
	s10 =	simm.s32 $0x3080  }
0xb9: {  	[tilespmem:s10], [sflag:$0x1] =	stream.linear.gather [spmem:s9], $0x80, $0x38;
	[tilespmem:$0x6B80] =	vst v63  }
0xba: {  	s11 =	sor.u32 $0x1C00, s6;
	s12 =	simm.s32 $0x3880;
	s8 =	sadd.s32 s30, s4  }
0xbb: {  	[tilespmem:s12], [sflag:$0x1] =	stream.linear.gather [spmem:s8], $0x80, $0x38;
	[tilespmem:$0x6B80] =	vst v63  }
0xbc: {  	s13 =	sadd.s32 s11, s5;
	s14 =	simm.s32 $0x3100  }
0xbd: {  	[tilespmem:s14], [sflag:$0x1] =	stream.linear.gather [spmem:s13], $0x80, $0x38;
	[tilespmem:$0x6B80] =	vst v63  }
0xbe: {  	s15 =	sor.u32 $0x2000, s6;
	s16 =	simm.s32 $0x3900;
	s7 =	sadd.s32 s11, s4  }
0xbf: {  	[tilespmem:s16], [sflag:$0x1] =	stream.linear.gather [spmem:s7], $0x80, $0x38;
	[tilespmem:$0x6B80] =	vst v63  }
0xc0: {  	s17 =	sadd.s32 s15, s5;
	s18 =	simm.s32 $0x3180  }
0xc1: {  	[tilespmem:s18], [sflag:$0x1] =	stream.linear.gather [spmem:s17], $0x80, $0x38;
	[tilespmem:$0x6B80] =	vst v63  }
0xc2: {  	s19 =	sor.u32 $0x2400, s6;
	s20 =	simm.s32 $0x3980;
	s8 =	sadd.s32 s15, s4  }
0xc3: {  	[tilespmem:s20], [sflag:$0x1] =	stream.linear.gather [spmem:s8], $0x80, $0x38;
	[tilespmem:$0x6B80] =	vst v63  }
0xc4: {  	s21 =	sadd.s32 s19, s5;
	s22 =	simm.s32 $0x3200  }
0xc5: {  	[tilespmem:s22], [sflag:$0x1] =	stream.linear.gather [spmem:s21], $0x80, $0x38;
	[tilespmem:$0x6B80] =	vst v63  }
0xc6: {  	s23 =	sor.u32 $0x2800, s6;
	s24 =	simm.s32 $0x3A00;
	s7 =	sadd.s32 s19, s4  }
0xc7: {  	[tilespmem:s24], [sflag:$0x1] =	stream.linear.gather [spmem:s7], $0x80, $0x38;
	[tilespmem:$0x6B80] =	vst v63  }
0xc8: {  	s25 =	sadd.s32 s23, s5;
	s26 =	simm.s32 $0x3280  }
0xc9: {  	[tilespmem:s26], [sflag:$0x1] =	stream.linear.gather [spmem:s25], $0x80, $0x38;
	[tilespmem:$0x6B80] =	vst v63  }
0xca: {  	s28 =	sor.u32 $0x2C00, s6;
	s29 =	simm.s32 $0x3A80;
	s8 =	sadd.s32 s23, s4  }
0xcb: {  	[tilespmem:s29], [sflag:$0x1] =	stream.linear.gather [spmem:s8], $0x80, $0x38;
	[tilespmem:$0x6B80] =	vst v63  }
0xcc: {  	s30 =	sadd.s32 s28, s5;
	s31 =	simm.s32 $0x3300  }
0xcd: {  	[tilespmem:s31], [sflag:$0x1] =	stream.linear.gather [spmem:s30], $0x80, $0x38;
	[tilespmem:$0x6B80] =	vst v63  }
0xce: {  	s11 =	simm.s32 $0x3B00;
	s10 =	sor.u32 $0x3000, s6;
	s7 =	sadd.s32 s28, s4  }
0xcf: {  	[tilespmem:s11], [sflag:$0x1] =	stream.linear.gather [spmem:s7], $0x80, $0x38;
	[tilespmem:$0x6B80] =	vst v63  }
0xd0: {  	s12 =	sadd.s32 s10, s5;
	s13 =	simm.s32 $0x3380  }
0xd1: {  	[tilespmem:s13], [sflag:$0x1] =	stream.linear.gather [spmem:s12], $0x80, $0x38;
	[tilespmem:$0x6B80] =	vst v63  }
0xd2: {  	s15 =	simm.s32 $0x3B80;
	s14 =	sor.u32 $0x3400, s6;
	s8 =	sadd.s32 s10, s4  }
0xd3: {  	[tilespmem:s15], [sflag:$0x1] =	stream.linear.gather [spmem:s8], $0x80, $0x38;
	[tilespmem:$0x6B80] =	vst v63  }
0xd4: {  	s16 =	sadd.s32 s14, s5;
	s17 =	simm.s32 $0x3400  }
0xd5: {  	[tilespmem:s17], [sflag:$0x1] =	stream.linear.gather [spmem:s16], $0x80, $0x38;
	[tilespmem:$0x6B80] =	vst v63  }
0xd6: {  	s19 =	simm.s32 $0x3C00;
	s18 =	sor.u32 $0x3800, s6;
	s7 =	sadd.s32 s14, s4  }
0xd7: {  	[tilespmem:s19], [sflag:$0x1] =	stream.linear.gather [spmem:s7], $0x80, $0x38;
	[tilespmem:$0x6B80] =	vst v63  }
0xd8: {  	s20 =	sadd.s32 s18, s5;
	s21 =	simm.s32 $0x3480  }
0xd9: {  	[tilespmem:s21], [sflag:$0x1] =	stream.linear.gather [spmem:s20], $0x80, $0x38;
	[tilespmem:$0x6B80] =	vst v63  }
0xda: {  	s6 =	sor.u32 $0x3C00, s6;
	s23 =	simm.s32 $0x3C80;
	s22 =	sadd.s32 s18, s4  }
0xdb: {  	[tilespmem:s23], [sflag:$0x1] =	stream.linear.gather [spmem:s22], $0x80, $0x38;
	[tilespmem:$0x6B80] =	vst v63  }
0xdc: {  	s24 =	sadd.s32 s6, s5;
	s25 =	simm.s32 $0x3500  }
0xdd: {  	[tilespmem:s25], [sflag:$0x1] =	stream.linear.gather [spmem:s24], $0x80, $0x38;
	[tilespmem:$0x6B80] =	vst v63  }
0xde: {  	s28 =	simm.s32 $0x3D00;
	s26 =	sadd.s32 s6, s4  }
0xdf: {  	[tilespmem:s28], [sflag:$0x1] =	stream.linear.gather [spmem:s26], $0x80, $0x38;
	[tilespmem:$0x6B80] =	vst v63  }
0xe0: {  	_ =	swait.ge [sflag:s3], $0x80  }
0xe1: {  	[sflag:s3] =	ssyncset.done $0x0  }
0xe2: {  	[sflag:s3] =	ssyncadd.s32 $0xFFFFFF80  }
0xe3: {  	_ =	swait.ge [sflag:s3], $0x80  }
0xe4: {  	[sflag:s3] =	ssyncset.done $0x0  }
0xe5: {  	[sflag:s3] =	ssyncadd.s32 $0xFFFFFF80  }
0xe6: {  	_ =	swait.ge [sflag:s3], $0x80  }
0xe7: {  	[sflag:s3] =	ssyncset.done $0x0  }
0xe8: {  	[sflag:s3] =	ssyncadd.s32 $0xFFFFFF80  }
0xe9: {  	_ =	swait.ge [sflag:s3], $0x80  }
0xea: {  	[sflag:s3] =	ssyncset.done $0x0  }
0xeb: {  	[sflag:s3] =	ssyncadd.s32 $0xFFFFFF80  }
0xec: {  	_ =	swait.ge [sflag:s3], $0x80  }
0xed: {  	[sflag:s3] =	ssyncset.done $0x0  }
0xee: {  	[sflag:s3] =	ssyncadd.s32 $0xFFFFFF80  }
0xef: {  	_ =	swait.ge [sflag:s3], $0x80  }
0xf0: {  	[sflag:s3] =	ssyncset.done $0x0  }
0xf1: {  	[sflag:s3] =	ssyncadd.s32 $0xFFFFFF80  }
0xf2: {  	_ =	swait.ge [sflag:s3], $0x80  }
0xf3: {  	[sflag:s3] =	ssyncset.done $0x0  }
0xf4: {  	[sflag:s3] =	ssyncadd.s32 $0xFFFFFF80  }
0xf5: {  	_ =	swait.ge [sflag:s3], $0x80  }
0xf6: {  	[sflag:s3] =	ssyncset.done $0x0  }
0xf7: {  	[sflag:s3] =	ssyncadd.s32 $0xFFFFFF80  }
0xf8: {  	_ =	swait.ge [sflag:s3], $0x80  }
0xf9: {  	[sflag:s3] =	ssyncset.done $0x0  }
0xfa: {  	[sflag:s3] =	ssyncadd.s32 $0xFFFFFF80  }
0xfb: {  	_ =	swait.ge [sflag:s3], $0x80  }
0xfc: {  	[sflag:s3] =	ssyncset.done $0x0  }
0xfd: {  	[sflag:s3] =	ssyncadd.s32 $0xFFFFFF80  }
0xfe: {  	_ =	swait.ge [sflag:s3], $0x80  }
0xff: {  	[sflag:s3] =	ssyncset.done $0x0  }
0x100: {  	[sflag:s3] =	ssyncadd.s32 $0xFFFFFF80  }
0x101: {  	_ =	swait.ge [sflag:s3], $0x80  }
0x102: {  	[sflag:s3] =	ssyncset.done $0x0  }
0x103: {  	[sflag:s3] =	ssyncadd.s32 $0xFFFFFF80  }
0x104: {  	_ =	swait.ge [sflag:s3], $0x80  }
0x105: {  	[sflag:s3] =	ssyncset.done $0x0  }
0x106: {  	[sflag:s3] =	ssyncadd.s32 $0xFFFFFF80  }
0x107: {  	_ =	swait.ge [sflag:s3], $0x80  }
0x108: {  	[sflag:s3] =	ssyncset.done $0x0  }
0x109: {  	[sflag:s3] =	ssyncadd.s32 $0xFFFFFF80  }
0x10a: {  	_ =	swait.ge [sflag:s3], $0x80  }
0x10b: {  	[sflag:s3] =	ssyncset.done $0x0  }
0x10c: {  	[sflag:s3] =	ssyncadd.s32 $0xFFFFFF80  }
0x10d: {  	_ =	swait.ge [sflag:s3], $0x80  }
0x10e: {  	[sflag:s3] =	ssyncset.done $0x0  }
0x10f: {  	[sflag:s3] =	ssyncadd.s32 $0xFFFFFF80  }
0x110: {  	_ =	swait.ge [sflag:s3], $0x80  }
0x111: {  	[sflag:s3] =	ssyncset.done $0x0  }
0x112: {  	[sflag:s3] =	ssyncadd.s32 $0xFFFFFF80  }
0x113: {  	_ =	swait.ge [sflag:s3], $0x80  }
0x114: {  	[sflag:s3] =	ssyncset.done $0x0  }
0x115: {  	[sflag:s3] =	ssyncadd.s32 $0xFFFFFF80  }
0x116: {  	_ =	swait.ge [sflag:s3], $0x80  }
0x117: {  	[sflag:s3] =	ssyncset.done $0x0  }
0x118: {  	[sflag:s3] =	ssyncadd.s32 $0xFFFFFF80  }
0x119: {  	_ =	swait.ge [sflag:s3], $0x80  }
0x11a: {  	[sflag:s3] =	ssyncset.done $0x0  }
0x11b: {  	[sflag:s3] =	ssyncadd.s32 $0xFFFFFF80  }
0x11c: {  	_ =	swait.ge [sflag:s3], $0x80  }
0x11d: {  	[sflag:s3] =	ssyncset.done $0x0  }
0x11e: {  	[sflag:s3] =	ssyncadd.s32 $0xFFFFFF80  }
0x11f: {  	_ =	swait.ge [sflag:s3], $0x80  }
0x120: {  	[sflag:s3] =	ssyncset.done $0x0  }
0x121: {  	[sflag:s3] =	ssyncadd.s32 $0xFFFFFF80  }
0x122: {  	_ =	swait.ge [sflag:s3], $0x80  }
0x123: {  	[sflag:s3] =	ssyncset.done $0x0  }
0x124: {  	[sflag:s3] =	ssyncadd.s32 $0xFFFFFF80  }
0x125: {  	_ =	swait.ge [sflag:s3], $0x80  }
0x126: {  	[sflag:s3] =	ssyncset.done $0x0  }
0x127: {  	[sflag:s3] =	ssyncadd.s32 $0xFFFFFF80  }
0x128: {  	_ =	swait.ge [sflag:s3], $0x80  }
0x129: {  	[sflag:s3] =	ssyncset.done $0x0  }
0x12a: {  	[sflag:s3] =	ssyncadd.s32 $0xFFFFFF80  }
0x12b: {  	_ =	swait.ge [sflag:s3], $0x80  }
0x12c: {  	[sflag:s3] =	ssyncset.done $0x0  }
0x12d: {  	[sflag:s3] =	ssyncadd.s32 $0xFFFFFF80  }
0x12e: {  	_ =	swait.ge [sflag:s3], $0x80  }
0x12f: {  	[sflag:s3] =	ssyncset.done $0x0  }
0x130: {  	[sflag:s3] =	ssyncadd.s32 $0xFFFFFF80  }
0x131: {  	_ =	swait.ge [sflag:s3], $0x80  }
0x132: {  	[sflag:s3] =	ssyncset.done $0x0  }
0x133: {  	[sflag:s3] =	ssyncadd.s32 $0xFFFFFF80  }
0x134: {  	_ =	swait.ge [sflag:s3], $0x80  }
0x135: {  	[sflag:s3] =	ssyncset.done $0x0  }
0x136: {  	[sflag:s3] =	ssyncadd.s32 $0xFFFFFF80  }
0x137: {  	_ =	swait.ge [sflag:s3], $0x80  }
0x138: {  	[sflag:s3] =	ssyncset.done $0x0  }
0x139: {  	[sflag:s3] =	ssyncadd.s32 $0xFFFFFF80  }
0x13a: {  	_ =	swait.ge [sflag:s3], $0x80  }
0x13b: {  	[sflag:s3] =	ssyncset.done $0x0  }
0x13c: {  	[sflag:s3] =	ssyncadd.s32 $0xFFFFFF80  }
0x13d: {  	_ =	swait.ge [sflag:s3], $0x80  }
0x13e: {  	[sflag:s3] =	ssyncset.done $0x0  }
0x13f: {  	[sflag:s3] =	ssyncadd.s32 $0xFFFFFF80  }
0x140: {  	v0 =	vld [tilespmem:$0x2D80]  }
0x141: {  	v1 =	vld [tilespmem:$0x3580]  }
0x142: {  	v2 =	vld [tilespmem:$0x2E00]  }
0x143: {  	v3 =	vld [tilespmem:$0x3600];
	_ =	sdelay $0x2  }
0x144: {  	v4 =	vld [tilespmem:$0x2E80]  }
0x145: {  	v5 =	vld [tilespmem:$0x3680]  }
0x146: {  	vm0 =	veq.f32 v2, v0;
	vm1 =	vlt.s32 v3, v1  }
0x147: {  	vm2 =	vgt.f32 v2, v0;
	vm0 =	vmand vm0, vm1  }
0x148: {  	v6 =	vld [tilespmem:$0x2F00];
	vm0 =	vmor vm2, vm0  }
0x149: {  	v31 =	vld [tilespmem:$0x3700];
	v0 =	vsel vm0, v2, v0;
	v1 =	vsel vm0, v3, v1  }
0x14a: {  	vm12 =	veq.f32 v4, v0;
	vm13 =	vlt.s32 v5, v1  }
0x14b: {  	vm14 =	vgt.f32 v4, v0;
	vm0 =	vmand vm12, vm13  }
0x14c: {  	v32 =	vld [tilespmem:$0x2F80];
	vm0 =	vmor vm14, vm0  }
0x14d: {  	v33 =	vld [tilespmem:$0x3780];
	v0 =	vsel vm0, v4, v0;
	v1 =	vsel vm0, v5, v1  }
0x14e: {  	vm15 =	veq.f32 v6, v0;
	vm4 =	vlt.s32 v31, v1  }
0x14f: {  	vm5 =	vgt.f32 v6, v0;
	vm0 =	vmand vm15, vm4  }
0x150: {  	v34 =	vld [tilespmem:$0x3000];
	vm0 =	vmor vm5, vm0  }
0x151: {  	v35 =	vld [tilespmem:$0x3800];
	v0 =	vsel vm0, v6, v0;
	v1 =	vsel vm0, v31, v1  }
0x152: {  	vm6 =	veq.f32 v32, v0;
	vm7 =	vlt.s32 v33, v1  }
0x153: {  	vm8 =	vgt.f32 v32, v0;
	vm0 =	vmand vm6, vm7  }
0x154: {  	v36 =	vld [tilespmem:$0x3080];
	vm0 =	vmor vm8, vm0  }
0x155: {  	v37 =	vld [tilespmem:$0x3880];
	v0 =	vsel vm0, v32, v0;
	v1 =	vsel vm0, v33, v1  }
0x156: {  	v38 =	vld [tilespmem:$0x3100];
	vm9 =	veq.f32 v34, v0;
	vm10 =	vlt.s32 v35, v1  }
0x157: {  	v39 =	vld [tilespmem:$0x3900];
	vm11 =	vgt.f32 v34, v0;
	vm0 =	vmand vm9, vm10  }
0x158: {  	v40 =	vld [tilespmem:$0x3180];
	vm0 =	vmor vm11, vm0  }
0x159: {  	v42 =	vld [tilespmem:$0x2D90];
	v0 =	vsel vm0, v34, v0;
	v1 =	vsel vm0, v35, v1  }
0x15a: {  	v8 =	vld [tilespmem:$0x3590];
	vm12 =	veq.f32 v36, v0;
	vm13 =	vlt.s32 v37, v1  }
0x15b: {  	v9 =	vld [tilespmem:$0x2E10];
	vm14 =	vgt.f32 v36, v0;
	vm0 =	vmand vm12, vm13  }
0x15c: {  	v43 =	vld [tilespmem:$0x3610];
	vm0 =	vmor vm14, vm0  }
0x15d: {  	v7 =	vld [tilespmem:$0x3980];
	v0 =	vsel vm0, v36, v0;
	v1 =	vsel vm0, v37, v1  }
0x15e: {  	vm15 =	veq.f32 v38, v0;
	vm4 =	vlt.s32 v39, v1  }
0x15f: {  	vm5 =	vgt.f32 v38, v0;
	vm0 =	vmand vm15, vm4  }
0x160: {  	v41 =	vld [tilespmem:$0x3200];
	vm10 =	veq.f32 v9, v42;
	vm0 =	vmor vm5, vm0  }
0x161: {  	v44 =	vld [tilespmem:$0x3A00];
	vm11 =	vlt.s32 v43, v8;
	v0 =	vsel vm0, v38, v0;
	v1 =	vsel vm0, v39, v1  }
0x162: {  	v10 =	vld [tilespmem:$0x2E90];
	vm1 =	vmand vm10, vm11;
	vm6 =	veq.f32 v40, v0;
	vm7 =	vlt.s32 v7, v1  }
0x163: {  	v45 =	vld [tilespmem:$0x3690];
	vm4 =	vgt.f32 v9, v42;
	vm8 =	vgt.f32 v40, v0;
	vm0 =	vmand vm6, vm7  }
0x164: {  	v46 =	vld [tilespmem:$0x3280];
	vm1 =	vmor vm4, vm1;
	vm0 =	vmor vm8, vm0  }
0x165: {  	v11 =	vld [tilespmem:$0x3A80];
	v6 =	vsel vm1, v9, v42;
	v0 =	vsel vm0, v40, v0;
	v1 =	vsel vm0, v7, v1  }
0x166: {  	v12 =	vld [tilespmem:$0x2F10];
	v2 =	vsel vm1, v43, v8;
	vm9 =	veq.f32 v41, v0;
	vm3 =	vlt.s32 v44, v1  }
0x167: {  	v47 =	vld [tilespmem:$0x3710];
	vm13 =	veq.f32 v10, v6;
	vm12 =	vgt.f32 v41, v0;
	vm0 =	vmand vm9, vm3  }
0x168: {  	vm14 =	vlt.s32 v45, v2;
	vm15 =	vgt.f32 v10, v6;
	vm0 =	vmor vm12, vm0  }
0x169: {  	v48 =	vld [tilespmem:$0x3300];
	vm1 =	vmand vm13, vm14;
	v0 =	vsel vm0, v41, v0;
	v1 =	vsel vm0, v44, v1  }
0x16a: {  	v49 =	vld [tilespmem:$0x2F90];
	vm0 =	vmor vm15, vm1;
	vm6 =	vgt.f32 v46, v0;
	vm7 =	veq.f32 v46, v0  }
0x16b: {  	v51 =	vld [tilespmem:$0x3B00];
	vm8 =	vlt.s32 v11, v1;
	v6 =	vsel vm0, v10, v6;
	v2 =	vsel vm0, v45, v2  }
0x16c: {  	v50 =	vld [tilespmem:$0x3790];
	vm9 =	vmand vm7, vm8;
	vm10 =	veq.f32 v12, v6;
	vm11 =	vlt.s32 v47, v2  }
0x16d: {  	vm12 =	vgt.f32 v12, v6;
	vm0 =	vmor vm6, vm9;
	vm1 =	vmand vm10, vm11  }
0x16e: {  	v52 =	vld [tilespmem:$0x3010];
	v0 =	vsel vm0, v46, v0;
	vm1 =	vmor vm12, vm1  }
0x16f: {  	v53 =	vld [tilespmem:$0x3810];
	v1 =	vsel vm0, v11, v1;
	v6 =	vsel vm1, v12, v6;
	v2 =	vsel vm1, v47, v2  }
0x170: {  	v54 =	vld [tilespmem:$0x3380];
	vm13 =	veq.f32 v48, v0;
	vm8 =	vlt.s32 v51, v1;
	vm10 =	vgt.f32 v48, v0  }
0x171: {  	v55 =	vld [tilespmem:$0x3B80];
	vm14 =	veq.f32 v49, v6;
	vm15 =	vlt.s32 v50, v2;
	vm0 =	vmand vm13, vm8  }
0x172: {  	v56 =	vld [tilespmem:$0x3090];
	vm9 =	vgt.f32 v49, v6;
	vm1 =	vmand vm14, vm15;
	vm0 =	vmor vm10, vm0  }
0x173: {  	v57 =	vld [tilespmem:$0x3890];
	vm1 =	vmor vm9, vm1;
	v0 =	vsel vm0, v48, v0  }
0x174: {  	v58 =	vld [tilespmem:$0x3400];
	v1 =	vsel vm0, v51, v1;
	v4 =	vsel vm1, v49, v6;
	v2 =	vsel vm1, v50, v2  }
0x175: {  	v59 =	vld [tilespmem:$0x3110];
	vm15 =	veq.f32 v54, v0;
	vm11 =	veq.f32 v52, v4;
	vm12 =	vlt.s32 v53, v2  }
0x176: {  	v61 =	vld [tilespmem:$0x3C00];
	vm6 =	vlt.s32 v55, v1;
	vm13 =	vgt.f32 v52, v4;
	vm1 =	vmand vm11, vm12  }
0x177: {  	v60 =	vld [tilespmem:$0x3910];
	vm14 =	vgt.f32 v54, v0;
	vm7 =	vmand vm15, vm6;
	vm0 =	vmor vm13, vm1  }
0x178: {  	v62 =	vld [tilespmem:$0x3480];
	v4 =	vsel vm0, v52, v4;
	v2 =	vsel vm0, v53, v2;
	vm0 =	vmor vm14, vm7  }
0x179: {  	v20 =	vld [tilespmem:$0x2DA0];
	vm8 =	veq.f32 v56, v4;
	vm9 =	vlt.s32 v57, v2;
	vm10 =	vgt.f32 v56, v4  }
0x17a: {  	v22 =	vld [tilespmem:$0x2E20];
	v0 =	vsel vm0, v54, v0;
	v1 =	vsel vm0, v55, v1;
	vm1 =	vmand vm8, vm9  }
0x17b: {  	v63 =	vld [tilespmem:$0x3190];
	vm11 =	veq.f32 v58, v0;
	vm14 =	vlt.s32 v61, v1;
	vm1 =	vmor vm10, vm1  }
0x17c: {  	v16 =	vld [tilespmem:$0x3990];
	vm7 =	vgt.f32 v58, v0;
	v4 =	vsel vm1, v56, v4;
	v2 =	vsel vm1, v57, v2  }
0x17d: {  	v17 =	vld [tilespmem:$0x3C80];
	vm0 =	vmand vm11, vm14;
	vm12 =	veq.f32 v59, v4;
	vm13 =	vlt.s32 v60, v2  }
0x17e: {  	v21 =	vld [tilespmem:$0x35A0];
	vm0 =	vmor vm7, vm0;
	vm15 =	vgt.f32 v59, v4;
	vm1 =	vmand vm12, vm13  }
0x17f: {  	v23 =	vld [tilespmem:$0x3620];
	vm5 =	vgt.f32 v22, v20;
	v0 =	vsel vm0, v58, v0;
	vm1 =	vmor vm15, vm1  }
0x180: {  	v13 =	vld [tilespmem:$0x3210];
	v1 =	vsel vm0, v61, v1;
	v4 =	vsel vm1, v59, v4;
	v2 =	vsel vm1, v60, v2  }
0x181: {  	v19 =	vld [tilespmem:$0x3A10];
	vm12 =	veq.f32 v62, v0;
	vm8 =	veq.f32 v63, v4;
	vm9 =	vlt.s32 v16, v2  }
0x182: {  	v18 =	vld [tilespmem:$0x3500];
	vm13 =	vlt.s32 v17, v1;
	vm10 =	vgt.f32 v63, v4;
	vm1 =	vmand vm8, vm9  }
0x183: {  	v28 =	vld [tilespmem:$0x3D00];
	vm11 =	vgt.f32 v62, v0;
	vm14 =	vmand vm12, vm13;
	vm0 =	vmor vm10, vm1  }
0x184: {  	v24 =	vld [tilespmem:$0x3290];
	vm8 =	veq.f32 v22, v20;
	vm9 =	vlt.s32 v23, v21;
	v4 =	vsel vm0, v63, v4  }
0x185: {  	v14 =	vld [tilespmem:$0x3A90];
	v2 =	vsel vm0, v16, v2;
	vm0 =	vmor vm11, vm14;
	vm15 =	veq.f32 v13, v4  }
0x186: {  	vm6 =	vlt.s32 v19, v2;
	vm7 =	vgt.f32 v13, v4;
	v0 =	vsel vm0, v62, v0  }
0x187: {  	v25 =	vld [tilespmem:$0x2EA0];
	v1 =	vsel vm0, v17, v1;
	vm1 =	vmand vm15, vm6;
	vm0 =	vgt.f32 v18, v0  }
0x188: {  	v27 =	vld [tilespmem:$0x36A0];
	vm2 =	veq.f32 v18, v0;
	vm15 =	vlt.s32 v28, v1;
	vm1 =	vmor vm7, vm1  }
0x189: {  	v29 =	vld [tilespmem:$0x3310];
	v26 =	vsel vm1, v13, v4;
	v2 =	vsel vm1, v19, v2;
	vm1 =	vmand vm8, vm9  }
0x18a: {  	v32 =	vld [tilespmem:$0x3B10];
	vm11 =	veq.f32 v24, v26;
	vm1 =	vmor vm5, vm1;
	vm12 =	vlt.s32 v14, v2  }
0x18b: {  	v30 =	vld [tilespmem:$0x2F20];
	vm10 =	vgt.f32 v24, v26;
	vm3 =	vmand vm11, vm12;
	v3 =	vsel vm1, v22, v20  }
0x18c: {  	v31 =	vld [tilespmem:$0x3720];
	v5 =	vsel vm1, v23, v21;
	vm1 =	vmand vm2, vm15;
	vm3 =	vmor vm10, vm3  }
0x18d: {  	vm13 =	veq.f32 v25, v3;
	vm14 =	vlt.s32 v27, v5;
	vm6 =	vgt.f32 v25, v3  }
0x18e: {  	v33 =	vld [tilespmem:$0x2FA0];
	vm4 =	vmand vm13, vm14;
	v0 =	vsel vm3, v24, v26;
	v2 =	vsel vm3, v14, v2  }
0x18f: {  	v34 =	vld [tilespmem:$0x37A0];
	vm9 =	vmor vm6, vm4;
	vm10 =	veq.f32 v29, v0;
	vm13 =	vlt.s32 v32, v2  }
0x190: {  	v35 =	vld [tilespmem:$0x3390];
	vm15 =	vgt.f32 v29, v0;
	v3 =	vsel vm9, v25, v3;
	v4 =	vsel vm9, v27, v5  }
0x191: {  	v36 =	vld [tilespmem:$0x3B90];
	vm2 =	vmand vm10, vm13;
	vm11 =	veq.f32 v30, v3;
	vm12 =	vlt.s32 v31, v4  }
0x192: {  	v15 =	vld [tilespmem:$0x3C90];
	vm14 =	vgt.f32 v30, v3;
	vm2 =	vmor vm15, vm2;
	vm3 =	vmand vm11, vm12  }
0x193: {  	v37 =	vld [tilespmem:$0x3020];
	vm0 =	vmor vm0, vm1;
	v0 =	vsel vm2, v29, v0;
	vm3 =	vmor vm14, vm3  }
0x194: {  	v38 =	vld [tilespmem:$0x3820];
	v2 =	vsel vm2, v32, v2;
	v3 =	vsel vm3, v30, v3;
	v4 =	vsel vm3, v31, v4  }
0x195: {  	v39 =	vld [tilespmem:$0x3410];
	vm12 =	veq.f32 v35, v0;
	vm8 =	veq.f32 v33, v3;
	vm9 =	vlt.s32 v34, v4  }
0x196: {  	v40 =	vld [tilespmem:$0x3C10];
	vm13 =	vlt.s32 v36, v2;
	vm10 =	vgt.f32 v33, v3;
	vm3 =	vmand vm8, vm9  }
0x197: {  	v42 =	vld [tilespmem:$0x38A0];
	vm11 =	vgt.f32 v35, v0;
	vm14 =	vmand vm12, vm13;
	vm2 =	vmor vm10, vm3  }
0x198: {  	v41 =	vld [tilespmem:$0x30A0];
	v3 =	vsel vm2, v33, v3;
	v4 =	vsel vm2, v34, v4;
	vm2 =	vmor vm11, vm14  }
0x199: {  	v43 =	vld [tilespmem:$0x3490];
	vm15 =	veq.f32 v37, v3;
	vm8 =	vlt.s32 v38, v4;
	vm9 =	vgt.f32 v37, v3  }
0x19a: {  	v44 =	vld [tilespmem:$0x3120];
	v0 =	vsel vm2, v35, v0;
	v2 =	vsel vm2, v36, v2;
	vm3 =	vmand vm15, vm8  }
0x19b: {  	v45 =	vld [tilespmem:$0x3920];
	vm11 =	veq.f32 v39, v0;
	vm14 =	vlt.s32 v40, v2;
	vm10 =	vmor vm9, vm3  }
0x19c: {  	v47 =	vld [tilespmem:$0x31A0];
	vm7 =	vgt.f32 v39, v0;
	v3 =	vsel vm10, v37, v3;
	v4 =	vsel vm10, v38, v4  }
0x19d: {  	v51 =	vld [tilespmem:$0x2E30];
	vm1 =	vmand vm11, vm14;
	vm12 =	veq.f32 v41, v3;
	vm13 =	vlt.s32 v42, v4  }
0x19e: {  	v50 =	vld [tilespmem:$0x2DB0];
	vm1 =	vmor vm7, vm1;
	vm15 =	vgt.f32 v41, v3;
	vm2 =	vmand vm12, vm13  }
0x19f: {  	v52 =	vld [tilespmem:$0x3630];
	v6 =	vsel vm1, v39, v0;
	v2 =	vsel vm1, v40, v2;
	vm2 =	vmor vm15, vm2  }
0x1a0: {  	v17 =	vld [tilespmem:$0x35B0];
	v0 =	vsel vm0, v28, v1;
	v3 =	vsel vm2, v41, v3;
	v4 =	vsel vm2, v42, v4  }
0x1a1: {  	v16 =	vld [tilespmem:$0x39A0];
	vm12 =	veq.f32 v43, v6;
	vm8 =	veq.f32 v44, v3;
	vm9 =	vlt.s32 v45, v4  }
0x1a2: {  	vm13 =	vlt.s32 v15, v2;
	vm10 =	vgt.f32 v44, v3;
	vm2 =	vmand vm8, vm9  }
0x1a3: {  	v46 =	vld [tilespmem:$0x3510];
	vm11 =	vgt.f32 v43, v6;
	vm14 =	vmand vm12, vm13;
	vm1 =	vmor vm10, vm2  }
0x1a4: {  	v63 =	vld [tilespmem:$0x3D10];
	vm13 =	veq.f32 v51, v50;
	v3 =	vsel vm1, v44, v3;
	v4 =	vsel vm1, v45, v4  }
0x1a5: {  	v48 =	vld [tilespmem:$0x3220];
	vm1 =	vmor vm11, vm14;
	vm14 =	vlt.s32 v52, v17;
	vm15 =	veq.f32 v47, v3  }
0x1a6: {  	v49 =	vld [tilespmem:$0x3A20];
	vm8 =	vlt.s32 v16, v4;
	vm9 =	vgt.f32 v47, v3;
	v6 =	vsel vm1, v43, v6  }
0x1a7: {  	v55 =	vld [tilespmem:$0x2EB0];
	v53 =	vsel vm1, v15, v2;
	vm4 =	vmand vm13, vm14;
	vm2 =	vmand vm15, vm8  }
0x1a8: {  	v56 =	vld [tilespmem:$0x36B0];
	vm0 =	vgt.f32 v46, v6;
	vm15 =	vgt.f32 v51, v50;
	vm5 =	veq.f32 v46, v6  }
0x1a9: {  	v57 =	vld [tilespmem:$0x32A0];
	vm2 =	vmor vm9, vm2;
	vm7 =	vmor vm15, vm4;
	vm15 =	vlt.s32 v63, v53  }
0x1aa: {  	v58 =	vld [tilespmem:$0x3AA0];
	v54 =	vsel vm2, v47, v3;
	v4 =	vsel vm2, v16, v4;
	v60 =	vsel vm7, v51, v50  }
0x1ab: {  	v61 =	vsel vm7, v52, v17;
	vm11 =	veq.f32 v48, v54;
	vm12 =	vlt.s32 v49, v4  }
0x1ac: {  	v59 =	vld [tilespmem:$0x2F30];
	vm10 =	vgt.f32 v48, v54;
	vm8 =	veq.f32 v55, v60;
	vm2 =	vmand vm11, vm12  }
0x1ad: {  	v62 =	vld [tilespmem:$0x3730];
	vm1 =	vmor vm10, vm2;
	vm2 =	vlt.s32 v56, v61;
	vm10 =	vgt.f32 v55, v60  }
0x1ae: {  	v20 =	vld [tilespmem:$0x3320];
	v2 =	vsel vm1, v48, v54;
	v4 =	vsel vm1, v49, v4;
	vm1 =	vmand vm8, vm2  }
0x1af: {  	v24 =	vld [tilespmem:$0x3B20];
	vm11 =	veq.f32 v57, v2;
	vm1 =	vmor vm10, vm1;
	vm12 =	vlt.s32 v58, v4  }
0x1b0: {  	v21 =	vld [tilespmem:$0x2FB0];
	vm9 =	vgt.f32 v57, v2;
	vm2 =	vmand vm11, vm12;
	v3 =	vsel vm1, v55, v60  }
0x1b1: {  	v23 =	vld [tilespmem:$0x37B0];
	v22 =	vsel vm1, v56, v61;
	vm1 =	vmand vm5, vm15;
	vm2 =	vmor vm9, vm2  }
0x1b2: {  	vm13 =	veq.f32 v59, v3;
	vm14 =	vlt.s32 v62, v22;
	vm9 =	vgt.f32 v59, v3  }
0x1b3: {  	v26 =	vld [tilespmem:$0x3830];
	vm3 =	vmand vm13, vm14;
	v2 =	vsel vm2, v57, v2;
	v4 =	vsel vm2, v58, v4  }
0x1b4: {  	v25 =	vld [tilespmem:$0x3030];
	vm3 =	vmor vm9, vm3;
	vm10 =	veq.f32 v20, v2;
	vm13 =	vlt.s32 v24, v4  }
0x1b5: {  	v27 =	vld [tilespmem:$0x33A0];
	vm15 =	vgt.f32 v20, v2;
	v3 =	vsel vm3, v59, v3;
	v5 =	vsel vm3, v62, v22  }
0x1b6: {  	v28 =	vld [tilespmem:$0x3BA0];
	vm2 =	vmand vm10, vm13;
	vm11 =	veq.f32 v21, v3;
	vm12 =	vlt.s32 v23, v5  }
0x1b7: {  	v29 =	vld [tilespmem:$0x30B0];
	vm14 =	vgt.f32 v21, v3;
	vm2 =	vmor vm15, vm2;
	vm3 =	vmand vm11, vm12  }
0x1b8: {  	v32 =	vld [tilespmem:$0x3130];
	vm0 =	vmor vm0, vm1;
	v2 =	vsel vm2, v20, v2;
	vm3 =	vmor vm14, vm3  }
0x1b9: {  	v30 =	vld [tilespmem:$0x38B0];
	v4 =	vsel vm2, v24, v4;
	v3 =	vsel vm3, v21, v3;
	v5 =	vsel vm3, v23, v5  }
0x1ba: {  	v31 =	vld [tilespmem:$0x3420];
	vm12 =	veq.f32 v27, v2;
	vm8 =	veq.f32 v25, v3;
	vm9 =	vlt.s32 v26, v5  }
0x1bb: {  	v34 =	vld [tilespmem:$0x3C20];
	vm13 =	vlt.s32 v28, v4;
	vm10 =	vgt.f32 v25, v3;
	vm3 =	vmand vm8, vm9  }
0x1bc: {  	v33 =	vld [tilespmem:$0x3930];
	vm11 =	vgt.f32 v27, v2;
	vm14 =	vmand vm12, vm13;
	vm2 =	vmor vm10, vm3  }
0x1bd: {  	v35 =	vld [tilespmem:$0x34A0];
	v3 =	vsel vm2, v25, v3;
	v5 =	vsel vm2, v26, v5;
	vm2 =	vmor vm11, vm14  }
0x1be: {  	v36 =	vld [tilespmem:$0x31B0];
	vm15 =	veq.f32 v29, v3;
	vm8 =	vlt.s32 v30, v5;
	vm9 =	vgt.f32 v29, v3  }
0x1bf: {  	v37 =	vld [tilespmem:$0x39B0];
	v2 =	vsel vm2, v27, v2;
	v4 =	vsel vm2, v28, v4;
	vm3 =	vmand vm15, vm8  }
0x1c0: {  	v38 =	vld [tilespmem:$0x3CA0];
	vm11 =	veq.f32 v31, v2;
	vm14 =	vlt.s32 v34, v4;
	vm10 =	vmor vm9, vm3  }
0x1c1: {  	v40 =	vld [tilespmem:$0x3230];
	vm6 =	vgt.f32 v31, v2;
	v3 =	vsel vm10, v29, v3;
	v5 =	vsel vm10, v30, v5  }
0x1c2: {  	v44 =	vld [tilespmem:$0x2DC0];
	vm1 =	vmand vm11, vm14;
	vm12 =	veq.f32 v32, v3;
	vm13 =	vlt.s32 v33, v5  }
0x1c3: {  	v45 =	vld [tilespmem:$0x35C0];
	vm1 =	vmor vm6, vm1;
	vm15 =	vgt.f32 v32, v3;
	vm2 =	vmand vm12, vm13  }
0x1c4: {  	v46 =	vld [tilespmem:$0x2E40];
	v1 =	vsel vm0, v63, v53;
	v2 =	vsel vm1, v31, v2;
	vm2 =	vmor vm15, vm2  }
0x1c5: {  	v47 =	vld [tilespmem:$0x3640];
	v4 =	vsel vm1, v34, v4;
	v3 =	vsel vm2, v32, v3;
	v5 =	vsel vm2, v33, v5  }
0x1c6: {  	v41 =	vld [tilespmem:$0x3A30];
	vm11 =	veq.f32 v35, v2;
	vm7 =	veq.f32 v36, v3;
	vm8 =	vlt.s32 v37, v5  }
0x1c7: {  	v39 =	vld [tilespmem:$0x3520];
	vm12 =	vlt.s32 v38, v4;
	vm9 =	vgt.f32 v36, v3;
	vm2 =	vmand vm7, vm8  }
0x1c8: {  	v42 =	vld [tilespmem:$0x32B0];
	vm10 =	vgt.f32 v35, v2;
	vm13 =	vmand vm11, vm12;
	vm1 =	vmor vm9, vm2  }
0x1c9: {  	v48 =	vld [tilespmem:$0x3D20];
	vm12 =	veq.f32 v46, v44;
	v3 =	vsel vm1, v36, v3;
	v5 =	vsel vm1, v37, v5  }
0x1ca: {  	v43 =	vld [tilespmem:$0x3AB0];
	vm1 =	vmor vm10, vm13;
	vm13 =	vlt.s32 v47, v45;
	vm14 =	veq.f32 v40, v3  }
0x1cb: {  	vm15 =	vlt.s32 v41, v5;
	vm6 =	vgt.f32 v40, v3;
	v2 =	vsel vm1, v35, v2  }
0x1cc: {  	v50 =	vld [tilespmem:$0x2EC0];
	v4 =	vsel vm1, v38, v4;
	vm4 =	vmand vm12, vm13;
	vm2 =	vmand vm14, vm15  }
0x1cd: {  	v51 =	vld [tilespmem:$0x36C0];
	vm0 =	vgt.f32 v39, v2;
	vm10 =	veq.f32 v39, v2;
	vm7 =	vmor vm6, vm2  }
0x1ce: {  	v52 =	vld [tilespmem:$0x3B30];
	vm14 =	vlt.s32 v48, v4;
	v3 =	vsel vm7, v40, v3;
	v5 =	vsel vm7, v41, v5  }
0x1cf: {  	v49 =	vld [tilespmem:$0x3330];
	vm15 =	vgt.f32 v46, v44;
	vm8 =	veq.f32 v42, v3;
	vm9 =	vlt.s32 v43, v5  }
0x1d0: {  	vm11 =	vgt.f32 v42, v3;
	vm1 =	vmand vm8, vm9;
	vm9 =	vmor vm15, vm4  }
0x1d1: {  	v54 =	vld [tilespmem:$0x3740];
	vm2 =	vmor vm11, vm1;
	vm1 =	vmand vm10, vm14;
	v8 =	vsel vm9, v46, v44  }
0x1d2: {  	v53 =	vld [tilespmem:$0x2F40];
	v7 =	vsel vm9, v47, v45;
	v3 =	vsel vm2, v42, v3;
	v5 =	vsel vm2, v43, v5  }
0x1d3: {  	v55 =	vld [tilespmem:$0x33B0];
	vm11 =	veq.f32 v50, v8;
	vm12 =	vlt.s32 v51, v7;
	vm14 =	vgt.f32 v50, v8  }
0x1d4: {  	v56 =	vld [tilespmem:$0x3BB0];
	vm10 =	veq.f32 v49, v3;
	vm13 =	vlt.s32 v52, v5;
	vm3 =	vmand vm11, vm12  }
0x1d5: {  	v18 =	vld [tilespmem:$0x2E50];
	vm15 =	vgt.f32 v49, v3;
	vm2 =	vmand vm10, vm13;
	vm3 =	vmor vm14, vm3  }
0x1d6: {  	v57 =	vld [tilespmem:$0x2FC0];
	vm0 =	vmor vm0, vm1;
	vm2 =	vmor vm15, vm2;
	v8 =	vsel vm3, v50, v8  }
0x1d7: {  	v58 =	vld [tilespmem:$0x37C0];
	v2 =	vsel vm3, v51, v7;
	v3 =	vsel vm2, v49, v3;
	vm8 =	veq.f32 v53, v8  }
0x1d8: {  	v59 =	vld [tilespmem:$0x3430];
	vm9 =	vlt.s32 v54, v2;
	v5 =	vsel vm2, v52, v5;
	vm10 =	vgt.f32 v53, v8  }
0x1d9: {  	v62 =	vld [tilespmem:$0x3C30];
	vm3 =	vmand vm8, vm9;
	vm12 =	veq.f32 v55, v3;
	vm13 =	vlt.s32 v56, v5  }
0x1da: {  	v60 =	vld [tilespmem:$0x3040];
	vm11 =	vgt.f32 v55, v3;
	vm2 =	vmor vm10, vm3;
	vm14 =	vmand vm12, vm13  }
0x1db: {  	v61 =	vld [tilespmem:$0x3840];
	v8 =	vsel vm2, v53, v8;
	v2 =	vsel vm2, v54, v2;
	vm2 =	vmor vm11, vm14  }
0x1dc: {  	v19 =	vld [tilespmem:$0x3650];
	vm15 =	veq.f32 v57, v8;
	vm8 =	vlt.s32 v58, v2;
	vm9 =	vgt.f32 v57, v8  }
0x1dd: {  	v63 =	vld [tilespmem:$0x34B0];
	v3 =	vsel vm2, v55, v3;
	v5 =	vsel vm2, v56, v5;
	vm3 =	vmand vm15, vm8  }
0x1de: {  	v22 =	vld [tilespmem:$0x38C0];
	vm11 =	veq.f32 v59, v3;
	vm14 =	vlt.s32 v62, v5;
	vm10 =	vmor vm9, vm3  }
0x1df: {  	v21 =	vld [tilespmem:$0x30C0];
	vm6 =	vgt.f32 v59, v3;
	v8 =	vsel vm10, v57, v8;
	v2 =	vsel vm10, v58, v2  }
0x1e0: {  	v23 =	vld [tilespmem:$0x3CB0];
	vm1 =	vmand vm11, vm14;
	vm12 =	veq.f32 v60, v8;
	vm13 =	vlt.s32 v61, v2  }
0x1e1: {  	v29 =	vld [tilespmem:$0x2DD0];
	vm1 =	vmor vm6, vm1;
	vm15 =	vgt.f32 v60, v8;
	vm2 =	vmand vm12, vm13  }
0x1e2: {  	v25 =	vld [tilespmem:$0x3140];
	v3 =	vsel vm1, v59, v3;
	v5 =	vsel vm1, v62, v5;
	vm2 =	vmor vm15, vm2  }
0x1e3: {  	v30 =	vld [tilespmem:$0x35D0];
	vm10 =	vgt.f32 v63, v3;
	v8 =	vsel vm2, v60, v8;
	v2 =	vsel vm2, v61, v2  }
0x1e4: {  	v26 =	vld [tilespmem:$0x3940];
	vm11 =	veq.f32 v63, v3;
	vm7 =	veq.f32 v21, v8;
	vm8 =	vlt.s32 v22, v2  }
0x1e5: {  	v24 =	vld [tilespmem:$0x3530];
	vm12 =	vlt.s32 v23, v5;
	vm9 =	vgt.f32 v21, v8;
	vm2 =	vmand vm7, vm8  }
0x1e6: {  	v27 =	vld [tilespmem:$0x31C0];
	vm13 =	vmand vm11, vm12;
	vm12 =	veq.f32 v18, v29;
	vm1 =	vmor vm9, vm2  }
0x1e7: {  	v31 =	vld [tilespmem:$0x3D30];
	v8 =	vsel vm1, v21, v8;
	v7 =	vsel vm1, v22, v2;
	vm1 =	vmor vm10, vm13  }
0x1e8: {  	v28 =	vld [tilespmem:$0x39C0];
	v2 =	vsel vm0, v48, v4;
	vm13 =	vlt.s32 v19, v30;
	vm14 =	veq.f32 v25, v8  }
0x1e9: {  	vm15 =	vlt.s32 v26, v7;
	vm6 =	vgt.f32 v25, v8;
	v3 =	vsel vm1, v63, v3  }
0x1ea: {  	v34 =	vld [tilespmem:$0x36D0];
	v5 =	vsel vm1, v23, v5;
	vm4 =	vmand vm12, vm13;
	vm2 =	vmand vm14, vm15  }
0x1eb: {  	v32 =	vld [tilespmem:$0x3240];
	vm0 =	vgt.f32 v24, v3;
	vm10 =	veq.f32 v24, v3;
	vm7 =	vmor vm6, vm2  }
0x1ec: {  	v33 =	vld [tilespmem:$0x2ED0];
	vm14 =	vlt.s32 v31, v5;
	v8 =	vsel vm7, v25, v8;
	v7 =	vsel vm7, v26, v7  }
0x1ed: {  	v35 =	vld [tilespmem:$0x3A40];
	vm15 =	vgt.f32 v18, v29;
	vm8 =	veq.f32 v27, v8;
	vm9 =	vlt.s32 v28, v7  }
0x1ee: {  	vm11 =	vgt.f32 v27, v8;
	vm1 =	vmand vm8, vm9;
	vm9 =	vmor vm15, vm4  }
0x1ef: {  	v36 =	vld [tilespmem:$0x2F50];
	vm2 =	vmor vm11, vm1;
	vm1 =	vmand vm10, vm14;
	v37 =	vsel vm9, v18, v29  }
0x1f0: {  	v38 =	vld [tilespmem:$0x3750];
	v12 =	vsel vm9, v19, v30;
	v6 =	vsel vm2, v27, v8;
	v7 =	vsel vm2, v28, v7  }
0x1f1: {  	v39 =	vld [tilespmem:$0x32C0];
	vm11 =	veq.f32 v33, v37;
	vm12 =	vlt.s32 v34, v12;
	vm14 =	vgt.f32 v33, v37  }
0x1f2: {  	v40 =	vld [tilespmem:$0x3AC0];
	vm10 =	veq.f32 v32, v6;
	vm13 =	vlt.s32 v35, v7;
	vm3 =	vmand vm11, vm12  }
0x1f3: {  	v41 =	vld [tilespmem:$0x2FD0];
	vm15 =	vgt.f32 v32, v6;
	vm2 =	vmand vm10, vm13;
	vm3 =	vmor vm14, vm3  }
0x1f4: {  	v42 =	vld [tilespmem:$0x37D0];
	vm2 =	vmor vm15, vm2;
	v10 =	vsel vm3, v33, v37;
	v3 =	vsel vm3, v34, v12  }
0x1f5: {  	v6 =	vsel vm2, v32, v6;
	vm8 =	veq.f32 v36, v10;
	vm9 =	vlt.s32 v38, v3  }
0x1f6: {  	v44 =	vld [tilespmem:$0x3050];
	v7 =	vsel vm2, v35, v7;
	vm10 =	vgt.f32 v36, v10;
	vm3 =	vmand vm8, vm9  }
0x1f7: {  	v45 =	vld [tilespmem:$0x3850];
	vm11 =	vgt.f32 v39, v6;
	vm12 =	veq.f32 v39, v6;
	vm2 =	vmor vm10, vm3  }
0x1f8: {  	v43 =	vld [tilespmem:$0x3340];
	vm13 =	vlt.s32 v40, v7;
	v8 =	vsel vm2, v36, v10;
	v3 =	vsel vm2, v38, v3  }
0x1f9: {  	v46 =	vld [tilespmem:$0x3B40];
	vm14 =	vmand vm12, vm13;
	vm15 =	veq.f32 v41, v8;
	vm8 =	vlt.s32 v42, v3  }
0x1fa: {  	v47 =	vld [tilespmem:$0x33C0];
	vm2 =	vmor vm11, vm14;
	vm9 =	vgt.f32 v41, v8;
	vm3 =	vmand vm15, vm8  }
0x1fb: {  	v49 =	vld [tilespmem:$0x38D0];
	vm0 =	vmor vm0, vm1;
	v6 =	vsel vm2, v39, v6;
	vm10 =	vmor vm9, vm3  }
0x1fc: {  	v48 =	vld [tilespmem:$0x30D0];
	v7 =	vsel vm2, v40, v7;
	v8 =	vsel vm10, v41, v8;
	v3 =	vsel vm10, v42, v3  }
0x1fd: {  	v50 =	vld [tilespmem:$0x3BC0];
	vm11 =	veq.f32 v43, v6;
	vm12 =	veq.f32 v44, v8;
	vm13 =	vlt.s32 v45, v3  }
0x1fe: {  	v51 =	vld [tilespmem:$0x3440];
	vm14 =	vlt.s32 v46, v7;
	vm15 =	vgt.f32 v44, v8;
	vm2 =	vmand vm12, vm13  }
0x1ff: {  	v52 =	vld [tilespmem:$0x3150];
	vm7 =	vgt.f32 v43, v6;
	vm1 =	vmand vm11, vm14;
	vm2 =	vmor vm15, vm2  }
0x200: {  	v53 =	vld [tilespmem:$0x3950];
	vm1 =	vmor vm7, vm1;
	v8 =	vsel vm2, v44, v8;
	v3 =	vsel vm2, v45, v3  }
0x201: {  	v54 =	vld [tilespmem:$0x3C40];
	v6 =	vsel vm1, v43, v6;
	vm8 =	veq.f32 v48, v8;
	vm9 =	vlt.s32 v49, v3  }
0x202: {  	v55 =	vld [tilespmem:$0x34C0];
	v7 =	vsel vm1, v46, v7;
	vm10 =	vgt.f32 v48, v8;
	vm2 =	vmand vm8, vm9  }
0x203: {  	v56 =	vld [tilespmem:$0x31D0];
	vm12 =	veq.f32 v47, v6;
	vm13 =	vlt.s32 v50, v7;
	vm1 =	vmor vm10, vm2  }
0x204: {  	v57 =	vld [tilespmem:$0x39D0];
	vm11 =	vgt.f32 v47, v6;
	vm14 =	vmand vm12, vm13;
	v8 =	vsel vm1, v48, v8  }
0x205: {  	v58 =	vld [tilespmem:$0x3CC0];
	v11 =	vsel vm1, v49, v3;
	vm1 =	vmor vm11, vm14;
	v3 =	vsel vm0, v31, v5  }
0x206: {  	v60 =	vld [tilespmem:$0x3250];
	vm15 =	veq.f32 v52, v8;
	vm8 =	vlt.s32 v53, v11;
	vm9 =	vgt.f32 v52, v8  }
0x207: {  	v61 =	vld [tilespmem:$0x3A50];
	v59 =	vsel vm1, v47, v6;
	v7 =	vsel vm1, v50, v7;
	vm2 =	vmand vm15, vm8  }
0x208: {  	v21 =	vld [tilespmem:$0x3AD0];
	vm11 =	veq.f32 v51, v59;
	vm14 =	vlt.s32 v54, v7;
	vm10 =	vmor vm9, vm2  }
0x209: {  	v63 =	vld [tilespmem:$0x32D0];
	vm6 =	vgt.f32 v51, v59;
	v8 =	vsel vm10, v52, v8;
	v10 =	vsel vm10, v53, v11  }
0x20a: {  	v24 =	vld [tilespmem:$0x2DE0];
	vm0 =	vmand vm11, vm14;
	vm12 =	veq.f32 v56, v8;
	vm13 =	vlt.s32 v57, v10  }
0x20b: {  	v27 =	vld [tilespmem:$0x2E60];
	vm0 =	vmor vm6, vm0;
	vm15 =	vgt.f32 v56, v8;
	vm1 =	vmand vm12, vm13  }
0x20c: {  	v25 =	vld [tilespmem:$0x35E0];
	v5 =	vsel vm0, v51, v59;
	v7 =	vsel vm0, v54, v7;
	vm1 =	vmor vm15, vm1  }
0x20d: {  	v28 =	vld [tilespmem:$0x3660];
	vm10 =	vgt.f32 v55, v5;
	v8 =	vsel vm1, v56, v8;
	v10 =	vsel vm1, v57, v10  }
0x20e: {  	vm11 =	veq.f32 v55, v5;
	vm7 =	veq.f32 v60, v8;
	vm8 =	vlt.s32 v61, v10  }
0x20f: {  	v20 =	vld [tilespmem:$0x3540];
	vm12 =	vlt.s32 v58, v7;
	vm9 =	vgt.f32 v60, v8;
	vm1 =	vmand vm7, vm8  }
0x210: {  	v62 =	vld [tilespmem:$0x3D40];
	vm13 =	vmand vm11, vm12;
	vm12 =	veq.f32 v27, v24;
	vm0 =	vmor vm9, vm1  }
0x211: {  	v22 =	vld [tilespmem:$0x3350];
	v6 =	vsel vm0, v60, v8;
	v26 =	vsel vm0, v61, v10;
	vm0 =	vmor vm10, vm13  }
0x212: {  	v23 =	vld [tilespmem:$0x3B50];
	vm13 =	vlt.s32 v28, v25;
	vm14 =	veq.f32 v63, v6;
	vm15 =	vlt.s32 v21, v26  }
0x213: {  	v29 =	vld [tilespmem:$0x2EE0];
	vm6 =	vgt.f32 v63, v6;
	v5 =	vsel vm0, v55, v5;
	v7 =	vsel vm0, v58, v7  }
0x214: {  	v30 =	vld [tilespmem:$0x36E0];
	vm3 =	vmand vm12, vm13;
	vm1 =	vmand vm14, vm15;
	vm8 =	veq.f32 v20, v5  }
0x215: {  	v33 =	vld [tilespmem:$0x2F60];
	vm9 =	vlt.s32 v62, v7;
	vm15 =	vgt.f32 v27, v24;
	vm7 =	vmor vm6, vm1  }
0x216: {  	v32 =	vld [tilespmem:$0x3BD0];
	vm0 =	vmand vm8, vm9;
	v6 =	vsel vm7, v63, v6;
	v8 =	vsel vm7, v21, v26  }
0x217: {  	v31 =	vld [tilespmem:$0x33D0];
	vm8 =	vmor vm15, vm3;
	vm10 =	veq.f32 v22, v6;
	vm11 =	vlt.s32 v23, v8  }
0x218: {  	v37 =	vld [tilespmem:$0x2FE0];
	v9 =	vsel vm8, v27, v24;
	vm14 =	vgt.f32 v22, v6;
	vm2 =	vmand vm10, vm11  }
0x219: {  	v35 =	vld [tilespmem:$0x3760];
	v34 =	vsel vm8, v28, v25;
	vm9 =	veq.f32 v29, v9;
	vm7 =	vmor vm14, vm2  }
0x21a: {  	v36 =	vld [tilespmem:$0x3450];
	vm11 =	vgt.f32 v29, v9;
	vm2 =	vlt.s32 v30, v34;
	v6 =	vsel vm7, v22, v6  }
0x21b: {  	v38 =	vld [tilespmem:$0x37E0];
	v8 =	vsel vm7, v23, v8;
	vm1 =	vmand vm9, vm2;
	vm9 =	vgt.f32 v20, v5  }
0x21c: {  	v39 =	vld [tilespmem:$0x3C50];
	vm10 =	vgt.f32 v31, v6;
	vm12 =	veq.f32 v31, v6;
	vm13 =	vlt.s32 v32, v8  }
0x21d: {  	v40 =	vld [tilespmem:$0x34D0];
	vm1 =	vmor vm11, vm1;
	vm0 =	vmor vm9, vm0;
	vm2 =	vmand vm12, vm13  }
0x21e: {  	v41 =	vld [tilespmem:$0x3060];
	v9 =	vsel vm1, v29, v9;
	v10 =	vsel vm1, v30, v34;
	vm14 =	vmor vm10, vm2  }
0x21f: {  	v42 =	vld [tilespmem:$0x3860];
	vm15 =	veq.f32 v33, v9;
	vm8 =	vlt.s32 v35, v10;
	vm10 =	vgt.f32 v33, v9  }
0x220: {  	v43 =	vld [tilespmem:$0x3CD0];
	vm2 =	vmand vm15, vm8;
	v6 =	vsel vm14, v31, v6;
	v8 =	vsel vm14, v32, v8  }
0x221: {  	v46 =	vld [tilespmem:$0x2DF0];
	vm2 =	vmor vm10, vm2;
	vm11 =	veq.f32 v36, v6;
	vm14 =	vlt.s32 v39, v8  }
0x222: {  	v44 =	vld [tilespmem:$0x30E0];
	vm8 =	vgt.f32 v36, v6;
	v9 =	vsel vm2, v33, v9;
	v10 =	vsel vm2, v35, v10  }
0x223: {  	v45 =	vld [tilespmem:$0x38E0];
	vm1 =	vmand vm11, vm14;
	vm12 =	veq.f32 v37, v9;
	vm13 =	vlt.s32 v38, v10  }
0x224: {  	v49 =	vld [tilespmem:$0x3670];
	vm15 =	vgt.f32 v37, v9;
	vm1 =	vmor vm8, vm1;
	vm2 =	vmand vm12, vm13  }
0x225: {  	v47 =	vld [tilespmem:$0x35F0];
	v13 =	vsel vm1, v36, v6;
	v8 =	vsel vm1, v39, v8;
	vm2 =	vmor vm15, vm2  }
0x226: {  	v48 =	vld [tilespmem:$0x2E70];
	v6 =	vsel vm0, v62, v7;
	v9 =	vsel vm2, v37, v9;
	v10 =	vsel vm2, v38, v10  }
0x227: {  	vm13 =	veq.f32 v40, v13;
	vm9 =	veq.f32 v41, v9;
	vm10 =	vlt.s32 v42, v10  }
0x228: {  	vm14 =	vlt.s32 v43, v8;
	vm11 =	vgt.f32 v41, v9;
	vm2 =	vmand vm9, vm10  }
0x229: {  	v50 =	vld [tilespmem:$0x3160];
	vm12 =	vgt.f32 v40, v13;
	vm15 =	vmand vm13, vm14;
	vm1 =	vmor vm11, vm2  }
0x22a: {  	v52 =	vld [tilespmem:$0x36F0];
	vm13 =	vlt.s32 v49, v47;
	v9 =	vsel vm1, v41, v9;
	v10 =	vsel vm1, v42, v10  }
0x22b: {  	v51 =	vld [tilespmem:$0x3960];
	vm14 =	vgt.f32 v48, v46;
	vm8 =	veq.f32 v44, v9;
	vm9 =	vlt.s32 v45, v10  }
0x22c: {  	v21 =	vld [tilespmem:$0x2EF0];
	vm1 =	vmor vm12, vm15;
	vm10 =	vgt.f32 v44, v9;
	vm2 =	vmand vm8, vm9  }
0x22d: {  	vm12 =	veq.f32 v48, v46;
	v4 =	vsel vm1, v40, v13;
	vm11 =	vmor vm10, vm2  }
0x22e: {  	v53 =	vld [tilespmem:$0x31E0];
	vm2 =	vmand vm12, vm13;
	v9 =	vsel vm11, v44, v9;
	v10 =	vsel vm11, v45, v10  }
0x22f: {  	v54 =	vld [tilespmem:$0x2F70];
	vm0 =	vmor vm14, vm2;
	vm15 =	vgt.f32 v50, v9;
	vm8 =	veq.f32 v50, v9  }
0x230: {  	v57 =	vld [tilespmem:$0x39E0];
	vm9 =	vlt.s32 v51, v10;
	v12 =	vsel vm0, v48, v46;
	v55 =	vsel vm0, v49, v47  }
0x231: {  	v56 =	vld [tilespmem:$0x3770];
	vm10 =	vmand vm8, vm9;
	vm11 =	veq.f32 v21, v12;
	vm12 =	vlt.s32 v52, v55  }
0x232: {  	vm13 =	vgt.f32 v21, v12;
	vm0 =	vmor vm15, vm10;
	vm2 =	vmand vm11, vm12  }
0x233: {  	v5 =	vsel vm1, v43, v8;
	v58 =	vsel vm0, v50, v9;
	vm14 =	vmor vm13, vm2  }
0x234: {  	v59 =	vld [tilespmem:$0x2FF0];
	v10 =	vsel vm0, v51, v10;
	v60 =	vsel vm14, v21, v12;
	v7 =	vsel vm14, v52, v55  }
0x235: {  	v61 =	vld [tilespmem:$0x37F0];
	vm15 =	veq.f32 v53, v58;
	vm8 =	vlt.s32 v57, v10;
	vm10 =	vgt.f32 v53, v58  }
0x236: {  	v63 =	vld [tilespmem:$0x3A60];
	v55 =	vimm.f32 $1.000000000e+00;
	vm6 =	veq.f32 v54, v60;
	vm7 =	vlt.s32 v56, v7  }
0x237: {  	v62 =	vld [tilespmem:$0x3260];
	vm9 =	vgt.f32 v54, v60;
	vm0 =	vmand vm15, vm8;
	vm1 =	vmand vm6, vm7  }
0x238: {  	v22 =	vld [tilespmem:$0x3870];
	vm0 =	vmor vm10, vm0;
	vm10 =	vlt.s32 v0, $0xC350;
	vm1 =	vmor vm9, vm1  }
0x239: {  	v21 =	vld [tilespmem:$0x3070];
	v8 =	vsel vm0, v53, v58;
	v11 =	vsel vm1, v54, v60;
	v7 =	vsel vm1, v56, v7  }
0x23a: {  	v10 =	vsel vm0, v57, v10;
	vm11 =	veq.f32 v59, v11;
	vm12 =	vlt.s32 v61, v7  }
0x23b: {  	v24 =	vld [tilespmem:$0x38F0];
	v0 =	vnsel vm10, $0xC7FF, v0;
	vm13 =	vgt.f32 v59, v11;
	vm1 =	vmand vm11, vm12  }
0x23c: {  	v25 =	vld [tilespmem:$0x32E0];
	vm14 =	vgt.f32 v62, v8;
	vm15 =	veq.f32 v62, v8;
	vm0 =	vmor vm13, vm1  }
0x23d: {  	v23 =	vld [tilespmem:$0x30F0];
	vm5 =	vlt.s32 v63, v10;
	v9 =	vsel vm0, v59, v11;
	v7 =	vsel vm0, v61, v7  }
0x23e: {  	v26 =	vld [tilespmem:$0x3AE0];
	vm6 =	vmand vm15, vm5;
	vm7 =	veq.f32 v21, v9;
	vm8 =	vlt.s32 v22, v7  }
0x23f: {  	vm0 =	vmor vm14, vm6;
	vm9 =	vgt.f32 v21, v9;
	vm1 =	vmand vm7, vm8  }
0x240: {  	v27 =	vld [tilespmem:$0x3170];
	vm10 =	vlt.s32 v1, $0xC350;
	v8 =	vsel vm0, v62, v8;
	vm1 =	vmor vm9, vm1  }
0x241: {  	v28 =	vld [tilespmem:$0x3970];
	v10 =	vsel vm0, v63, v10;
	v9 =	vsel vm1, v21, v9;
	v7 =	vsel vm1, v22, v7  }
0x242: {  	v29 =	vld [tilespmem:$0x3360];
	vm14 =	veq.f32 v25, v8;
	vm11 =	veq.f32 v23, v9;
	vm1 =	vlt.s32 v24, v7  }
0x243: {  	v30 =	vld [tilespmem:$0x3B60];
	vm15 =	vlt.s32 v26, v10;
	vm13 =	vgt.f32 v23, v9;
	vm0 =	vmand vm11, vm1  }
0x244: {  	vm12 =	vgt.f32 v25, v8;
	vm1 =	vmand vm14, vm15;
	vm0 =	vmor vm13, vm0  }
0x245: {  	v31 =	vld [tilespmem:$0x31F0];
	v1 =	vnsel vm10, $0xC7FF, v1;
	vm6 =	vmor vm12, vm1;
	v9 =	vsel vm0, v23, v9  }
0x246: {  	v32 =	vld [tilespmem:$0x39F0];
	v7 =	vsel vm0, v24, v7;
	v8 =	vsel vm6, v25, v8;
	v10 =	vsel vm6, v26, v10  }
0x247: {  	v34 =	vld [tilespmem:$0x3BE0];
	vm7 =	veq.f32 v27, v9;
	vm8 =	vlt.s32 v28, v7;
	vm9 =	vgt.f32 v27, v9  }
0x248: {  	v33 =	vld [tilespmem:$0x33E0];
	vm13 =	veq.f32 v29, v8;
	vm14 =	vlt.s32 v30, v10;
	vm1 =	vmand vm7, vm8  }
0x249: {  	v35 =	vld [tilespmem:$0x3270];
	vm12 =	vgt.f32 v29, v8;
	vm15 =	vmand vm13, vm14;
	vm11 =	vmor vm9, vm1  }
0x24a: {  	v36 =	vld [tilespmem:$0x3A70];
	vm0 =	vmor vm12, vm15;
	v9 =	vsel vm11, v27, v9;
	v7 =	vsel vm11, v28, v7  }
0x24b: {  	v8 =	vsel vm0, v29, v8;
	vm6 =	veq.f32 v31, v9;
	vm7 =	vlt.s32 v32, v7  }
0x24c: {  	v39 =	vld [tilespmem:$0x3460];
	v10 =	vsel vm0, v30, v10;
	vm8 =	vgt.f32 v31, v9;
	vm2 =	vmand vm6, vm7  }
0x24d: {  	v37 =	vld [tilespmem:$0x32F0];
	vm10 =	veq.f32 v33, v8;
	vm11 =	vlt.s32 v34, v10;
	vm9 =	vmor vm8, vm2  }
0x24e: {  	v38 =	vld [tilespmem:$0x3AF0];
	vm5 =	vgt.f32 v33, v8;
	v9 =	vsel vm9, v31, v9;
	v7 =	vsel vm9, v32, v7  }
0x24f: {  	v40 =	vld [tilespmem:$0x3C60];
	vm0 =	vmand vm10, vm11;
	vm12 =	veq.f32 v35, v9;
	vm13 =	vlt.s32 v36, v7  }
0x250: {  	vm0 =	vmor vm5, vm0;
	vm14 =	vgt.f32 v35, v9;
	vm2 =	vmand vm12, vm13  }
0x251: {  	v41 =	vld [tilespmem:$0x3370];
	vm15 =	vlt.s32 v2, $0xC350;
	v8 =	vsel vm0, v33, v8;
	vm1 =	vmor vm14, vm2  }
0x252: {  	v42 =	vld [tilespmem:$0x3B70];
	v10 =	vsel vm0, v34, v10;
	v9 =	vsel vm1, v35, v9;
	v7 =	vsel vm1, v36, v7  }
0x253: {  	v43 =	vld [tilespmem:$0x34E0];
	vm9 =	veq.f32 v39, v8;
	vm6 =	veq.f32 v37, v9;
	vm7 =	vlt.s32 v38, v7  }
0x254: {  	v44 =	vld [tilespmem:$0x3CE0];
	vm10 =	vlt.s32 v40, v10;
	vm8 =	vgt.f32 v37, v9;
	vm1 =	vmand vm6, vm7  }
0x255: {  	vm11 =	vmand vm9, vm10;
	vm12 =	vgt.f32 v39, v8;
	vm0 =	vmor vm8, vm1  }
0x256: {  	v45 =	vld [tilespmem:$0x33F0];
	v2 =	vnsel vm15, $0xC7FF, v2;
	vm1 =	vmor vm12, vm11;
	v9 =	vsel vm0, v37, v9  }
0x257: {  	v46 =	vld [tilespmem:$0x3BF0];
	v7 =	vsel vm0, v38, v7;
	v8 =	vsel vm1, v39, v8;
	v10 =	vsel vm1, v40, v10  }
0x258: {  	v50 =	vld [tilespmem:$0x3D50];
	vm13 =	veq.f32 v41, v9;
	vm14 =	vlt.s32 v42, v7;
	vm15 =	vgt.f32 v41, v9  }
0x259: {  	v47 =	vld [tilespmem:$0x3550];
	vm7 =	veq.f32 v43, v8;
	vm8 =	vlt.s32 v44, v10;
	vm0 =	vmand vm13, vm14  }
0x25a: {  	v48 =	vld [tilespmem:$0x3470];
	vm6 =	vgt.f32 v43, v8;
	vm9 =	vmand vm7, vm8;
	vm0 =	vmor vm15, vm0  }
0x25b: {  	v49 =	vld [tilespmem:$0x3C70];
	vm13 =	vlt.s32 v3, $0xC350;
	v9 =	vsel vm0, v41, v9;
	v7 =	vsel vm0, v42, v7  }
0x25c: {  	vm14 =	vlt.s32 v6, $0xC350;
	vm10 =	veq.f32 v45, v9;
	vm11 =	vlt.s32 v46, v7  }
0x25d: {  	v52 =	vld [tilespmem:$0x3D60];
	vm8 =	vlt.s32 v50, v5;
	vm12 =	vgt.f32 v45, v9;
	vm1 =	vmand vm10, vm11  }
0x25e: {  	v53 =	vld [tilespmem:$0x34F0];
	v3 =	vnsel vm13, $0xC7FF, v3;
	vm15 =	veq.f32 v47, v4;
	vm1 =	vmor vm12, vm1  }
0x25f: {  	[tilespmem:$0x3E00] =	vst v55;
	v54 =	vld [tilespmem:$0x3CF0];
	vm0 =	vmor vm6, vm9;
	v9 =	vsel vm1, v45, v9;
	v7 =	vsel vm1, v46, v7  }
0x260: {  	[tilespmem:$0x3E10] =	vst v55;
	v8 =	vsel vm0, v43, v8;
	vm7 =	veq.f32 v48, v9;
	vm1 =	vlt.s32 v49, v7  }
0x261: {  	v51 =	vld [tilespmem:$0x3560];
	[tilespmem:$0x3E20] =	vst v55;
	v10 =	vsel vm0, v44, v10;
	vm9 =	vgt.f32 v48, v9;
	vm0 =	vmand vm7, vm1  }
0x262: {  	[tilespmem:$0x3E30] =	vst v55;
	v57 =	vld [tilespmem:$0x3570];
	v6 =	vnsel vm14, $0xC7FF, v6;
	vm2 =	vmand vm15, vm8;
	vm0 =	vmor vm9, vm0  }
0x263: {  	[tilespmem:$0x3E40] =	vst v55;
	v59 =	vld [tilespmem:$0x3D70];
	vm10 =	vgt.f32 v47, v4;
	v56 =	vsel vm0, v48, v9;
	v58 =	vsel vm0, v49, v7  }
0x264: {  	[tilespmem:$0x3E50] =	vst v55;
	vm13 =	vlt.s32 v52, v10;
	vm14 =	veq.f32 v53, v56;
	vm15 =	vlt.s32 v54, v58  }
0x265: {  	[tilespmem:$0x3E60] =	vst v55;
	vm11 =	vmor vm10, vm2;
	vm9 =	vgt.f32 v53, v56;
	vm2 =	vmand vm14, vm15  }
0x266: {  	[tilespmem:$0x3D90] =	vst v1;
	vm8 =	vgt.f32 v51, v8;
	vm12 =	veq.f32 v51, v8;
	vm10 =	vmor vm9, vm2  }
0x267: {  	[tilespmem:$0x3DB0] =	vst v3;
	v5 =	vsel vm11, v50, v5;
	v1 =	vsel vm10, v53, v56;
	v3 =	vsel vm10, v54, v58  }
0x268: {  	[tilespmem:$0x3E70] =	vst v55;
	vm0 =	vmand vm12, vm13;
	vm12 =	veq.f32 v57, v1;
	vm13 =	vlt.s32 v59, v3  }
0x269: {  	[tilespmem:$0x3D80] =	vst v0;
	vm0 =	vmor vm8, vm0;
	vm14 =	vgt.f32 v57, v1;
	vm1 =	vmand vm12, vm13  }
0x26a: {  	[tilespmem:$0x3DA0] =	vst v2;
	vm11 =	vlt.s32 v5, $0xC350;
	v60 =	vsel vm0, v52, v10;
	vm0 =	vmor vm14, vm1  }
0x26b: {  	[tilespmem:$0x3DC0] =	vst v6;
	v5 =	vnsel vm11, $0xC7FF, v5;
	vm15 =	vlt.s32 v60, $0xC350;
	v62 =	vsel vm0, v59, v3  }
0x26c: {  	[tilespmem:$0x3DD0] =	vst v5;
	v61 =	vnsel vm15, $0xC7FF, v60;
	vm0 =	vlt.s32 v62, $0xC350  }
0x26d: {  	[tilespmem:$0x3DE0] =	vst v61;
	v63 =	vnsel vm0, $0xC7FF, v62  }
0x26e: {  	s29 =	simm.s32 $0x80;
	s30 =	simm.s32 $0x3D80;
	s31 =	simm.s32 $0x3E00;
	[tilespmem:$0x3DF0] =	vst v63  }
0x26f: {  	[hbm4b:s2+s29] =	stream.indirect.scatter [tilespmem:s31], [sflag:$0x1], $0x1, s30, s29, $0xb8;
	[tilespmem:$0x6B80] =	vst v63  }
0x270: {  	_ =	swait.ge [sflag:s3], $0x80  }
0x271: {  	[sflag:s3] =	ssyncset.done $0x0  }
0x272: {  	[sflag:s3] =	ssyncadd.s32 $0xFFFFFF80  }
.LBB2_11:
0x273: {  	_ =	sfence.sel $0x180000  }
0x274: {  	[bflag:$0x0] =	sbarrier.arrive $0xFFFF  }
0x275: {  	p0 =	sne.s32 s0, $0x0;
	_ =	strace $0x90000047  }
0x276: {  	s0 =	sadd.s32 @!p0 $0x100000, s1;
	[bflag:$0x2] =	sbarrier.arrive $0xFFFF  }
0x277: {  	[sflag:s0] =	ssyncadd.tile.s32 @!p0 $0x1;
	_ =	shalt  }
.Lfunc_end2:
_tile_overlayer_lowered:
.L_overlay_start_2:
0x278: {  	(tag) =	ssettag $0x2  }
0x279: {  	s0 =	rddreg [dreg:$0x0];
	s2 =	stileid.u32  }
0x27a: {  	s1 =	rddreg [dreg:$0x1];
	p0 =	sne.s32 s2, $0x0  }
0x27b: {  	s3 =	rddreg [dreg:$0x2];
	[bflag:$0x3] =	sbarrier.arrive $0xFFFF;
	s2 =	simm.s32 @!p0 $0x1C03  }
0x27c: {  	[timem:s3], [sflag:s2] =	dma.local @!p0 [hbm:s0], s1  }
0x27d: {  	s0 =	simm.s32 @!p0 $0x3  }
0x27e: {  	_ =	swait.ge @!p0 [sflag:s0], s1  }
0x27f: {  	s1 =	ssub.s32 @!p0 $0x0, s1;
	[sflag:s0] =	ssyncset.done @!p0 $0x0  }
0x280: {  	[sflag:s0] =	ssyncadd.s32 @!p0 s1  }
0x281: {  	[bflag:$0x3] =	sbarrier.arrive $0xFFFF  }
0x282: {  	_ =	shalt  }

</sc_bundles>
